<compile_context>
chip_gen: v7x
topology: tpu7x:2x2x1
jax: 0.10.2.dev20260603
libtpu: 0.0.44.dev20260713+nightly
codegen_flags: <defaults>
</compile_context>

<pallas_src>
import functools

import jax
import jax.numpy as jnp
from jax import lax
from jax.experimental import pallas as pl
from jax.experimental.pallas import tpu as pltpu
from jax.experimental.pallas import tpu_sc as plsc

N = 10000
E = 160000
NP = 10240
NR = NP // 128
BLK = 2048
NBLK = NP // BLK
NTILES = 32
CH = 128
NCHT = E // CH
CPT = NCHT // NTILES
NCH = CPT
MPT = CPT * CH

_mesh = plsc.VectorSubcoreMesh(core_axis_name="c", subcore_axis_name="s",
                               num_cores=2, num_subcores=16)
_sc_params = pltpu.CompilerParams(needs_layout_passes=False)


def _zero_1d(ref, n):
    def body(i, _):
        ref[pl.ds(i * 16, 16)] = jnp.zeros((16,), jnp.float32)
        return 0
    lax.fori_loop(0, n // 16, body, 0)


def _reduce16(hist, sh, sum_buf, res_buf, out_hbm, c, s):
    seg = NP // 16
    pltpu.sync_copy(hist, sh.at[s])
    plsc.subcore_barrier()
    pltpu.sync_copy(sh.at[:, pl.ds(s * seg, seg)], sum_buf)

    def col(i, _):
        acc = jnp.zeros((16,), jnp.float32)
        def row(r, a):
            return a + sum_buf[r, pl.ds(i * 16, 16)]
        acc = lax.fori_loop(0, 16, row, acc)
        res_buf[pl.ds(i * 16, 16)] = acc
        return 0

    lax.fori_loop(0, seg // 16, col, 0)
    pltpu.sync_copy(res_buf, out_hbm.at[c, pl.ds(s * seg, seg)])


@functools.partial(
    pl.kernel,
    out_type=jax.ShapeDtypeStruct((2, NP), jnp.float32),
    mesh=_mesh,
    compiler_params=_sc_params,
    scratch_types=[
        pltpu.VMEM((2, MPT + CH), jnp.int32),
        pltpu.VMEM((NP,), jnp.float32),
        pltpu.VMEM((16, NP // 16), jnp.float32),
        pltpu.VMEM((NP // 16,), jnp.float32),
        pltpu.VMEM_SHARED((16, NP), jnp.float32),
        pltpu.SemaphoreType.DMA,
    ],
)
def _p1(ei_hbm, out_hbm, idx_buf, hist, sum_buf, res_buf, sh, sem):
    c = lax.axis_index("c")
    s = lax.axis_index("s")
    wid = s * 2 + c
    base = wid * MPT

    dma = pltpu.async_copy(ei_hbm.at[:, pl.ds(base, MPT)],
                           idx_buf.at[:, pl.ds(0, MPT)], sem)
    @pl.when(wid < 2)
    def _():
        pltpu.sync_copy(ei_hbm.at[:, pl.ds(NTILES * MPT + wid * CH, CH)],
                        idx_buf.at[:, pl.ds(MPT, CH)])
    _zero_1d(hist, NP)
    ones = jnp.ones((16,), jnp.float32)
    dma.wait()

    def sub(k, _2):
        plsc.addupdate_scatter(hist, [idx_buf[1, pl.ds(k * 16, 16)]], ones)
        return 0
    lax.fori_loop(0, MPT // 16, sub, 0)

    @pl.when(wid < 2)
    def _():
        def sub2(k, _2):
            plsc.addupdate_scatter(hist, [idx_buf[1, pl.ds(MPT + k * 16, 16)]],
                                   ones)
            return 0
        lax.fori_loop(0, CH // 16, sub2, 0)

    _reduce16(hist, sh, sum_buf, res_buf, out_hbm, c, s)


@functools.partial(
    pl.kernel,
    out_type=jax.ShapeDtypeStruct((2 * NP, 128), jnp.float32),
    mesh=_mesh,
    compiler_params=_sc_params,
    scratch_types=[
        pltpu.VMEM((2 * (NCH + 1), CH), jnp.int32),
        pltpu.VMEM((CH, 128), jnp.float32),
        pltpu.VMEM((CH, 128), jnp.float32),
        pltpu.VMEM_SHARED((NP, 128), jnp.float32),
        pltpu.SemaphoreType.DMA,
        pltpu.SemaphoreType.DMA,
        pltpu.SemaphoreType.DMA,
        pltpu.SemaphoreType.DMA,
        pltpu.SemaphoreType.DMA,
    ],
)
def _p2(xs_hbm, ei_hbm, acc_out,
        idx2d, rows_a, rows_b,
        acc_sh, isem, gsem_a, gsem_b, ssem_a, ssem_b):
    c = lax.axis_index("c")
    s = lax.axis_index("s")
    wid = s * 2 + c
    base = wid * MPT
    tb = s * (NP // 16)
    rows = (rows_a, rows_b)
    gsem = (gsem_a, gsem_b)
    ssem = (ssem_a, ssem_b)

    idx_dmas = []
    for j in range(NCH):
        off = base + j * CH
        idx_dmas.append(pltpu.async_copy(ei_hbm.at[:, pl.ds(off, CH)],
                                         idx2d.at[pl.ds(2 * j, 2)], isem))
    @pl.when(wid < 2)
    def _():
        pltpu.sync_copy(ei_hbm.at[:, pl.ds(NTILES * MPT + wid * CH, CH)],
                        idx2d.at[pl.ds(2 * NCH, 2)])

    def zrow(i, _):
        rows_a[lax.shift_right_logical(i, 3),
               pl.ds(lax.mul(lax.bitwise_and(i, 7), 16), 16)] = (
                   jnp.zeros((16,), jnp.float32))
        return 0
    lax.fori_loop(0, CH * 8, zrow, 0)
    for k in range(NP // 16 // CH):
        pltpu.sync_copy(rows_a, acc_sh.at[pl.ds(tb + k * CH, CH)])
    for d in idx_dmas:
        d.wait()
    plsc.subcore_barrier()

    def gather_start(j, b):
        return pltpu.async_copy(xs_hbm.at[idx2d.at[2 * j]], rows[b], gsem[b])

    def gather_wait(j, b):
        pltpu.make_async_copy(xs_hbm.at[idx2d.at[2 * j]], rows[b], gsem[b]).wait()

    def scatter_start(j, b):
        return pltpu.async_copy(rows[b], acc_sh.at[idx2d.at[2 * j + 1]], ssem[b],
                                add=True)

    def scatter_wait(j, b):
        pltpu.make_async_copy(rows[b], acc_sh.at[idx2d.at[2 * j + 1]],
                              ssem[b]).wait()

    gather_start(0, 0)

    def loop_body(i, _):
        j0 = i * 2
        j1 = j0 + 1

        @pl.when(i >= 1)
        def _():
            scatter_wait(j0 - 1, 1)
        gather_start(j1, 1)
        gather_wait(j0, 0)
        scatter_start(j0, 0)

        scatter_wait(j0, 0)
        @pl.when(j1 + 1 < NCH)
        def _():
            gather_start(j1 + 1, 0)
        gather_wait(j1, 1)
        scatter_start(j1, 1)
        return 0

    lax.fori_loop(0, NCH // 2, loop_body, 0)
    scatter_wait(NCH - 2, 1)
    gather_wait(NCH - 1, 0)
    scatter_start(NCH - 1, 0)
    scatter_wait(NCH - 1, 0)

    @pl.when(wid < 2)
    def _():
        gather_start(NCH, 1)
        gather_wait(NCH, 1)
        scatter_start(NCH, 1)
        scatter_wait(NCH, 1)

    plsc.subcore_barrier()
    pltpu.sync_copy(acc_sh.at[pl.ds(tb, NP // 16)],
                    acc_out.at[pl.ds(c * NP + tb, NP // 16)])


@functools.partial(
    pl.kernel,
    out_type=jax.ShapeDtypeStruct((2, NP), jnp.float32),
    mesh=_mesh,
    compiler_params=_sc_params,
    scratch_types=[
        pltpu.VMEM((2, MPT + CH), jnp.int32),
        pltpu.VMEM((NP,), jnp.float32),
        pltpu.VMEM((NP,), jnp.float32),
        pltpu.VMEM((16, NP // 16), jnp.float32),
        pltpu.VMEM((NP // 16,), jnp.float32),
        pltpu.VMEM_SHARED((16, NP), jnp.float32),
        pltpu.SemaphoreType.DMA,
    ],
)
def _p2b(ei_hbm, dis_hbm, out_hbm,
         idx_buf, dis_t, hist, sum_buf, res_buf, sh, sem):
    c = lax.axis_index("c")
    s = lax.axis_index("s")
    wid = s * 2 + c
    base = wid * MPT

    d1 = pltpu.async_copy(ei_hbm.at[:, pl.ds(base, MPT)],
                          idx_buf.at[:, pl.ds(0, MPT)], sem)
    @pl.when(wid < 2)
    def _():
        pltpu.sync_copy(ei_hbm.at[:, pl.ds(NTILES * MPT + wid * CH, CH)],
                        idx_buf.at[:, pl.ds(MPT, CH)])
    d3 = pltpu.async_copy(dis_hbm, dis_t, sem)
    _zero_1d(hist, NP)
    d1.wait()
    d3.wait()

    def s_update(k, mask=None):
        dv = idx_buf[1, pl.ds(k * 16, 16)]
        vals = plsc.load_gather(dis_t, [dv])
        sv = idx_buf[0, pl.ds(k * 16, 16)]
        plsc.addupdate_scatter(hist, [sv], vals, mask=mask)

    def sub(k, _2):
        s_update(k)
        return 0
    lax.fori_loop(0, MPT // 16, sub, 0)

    @pl.when(wid < 2)
    def _():
        lax.fori_loop(MPT // 16, (MPT + CH) // 16, sub, 0)

    _reduce16(hist, sh, sum_buf, res_buf, out_hbm, c, s)


def _p15_body(x_ref, dc_ref, xs_ref):
    xs_ref[...] = x_ref[...] * dc_ref[...]


def _p15(x, dis_col):
    spec = pl.BlockSpec((BLK, 128), lambda i: (i, 0))
    cspec = pl.BlockSpec((BLK, 1), lambda i: (i, 0))
    return pl.pallas_call(
        _p15_body,
        grid=(NBLK,),
        in_specs=[spec, cspec],
        out_specs=spec,
        out_shape=jax.ShapeDtypeStruct((N, 128), jnp.float32),
    )(x, dis_col)


def _p3_body(xs_ref, a0_ref, a1_ref, db_ref, cb_ref,
             w1_ref, b1_ref, w2_ref, b2_ref, out_ref, msum):
    i = pl.program_id(0)

    @pl.when(i == 0)
    def _():
        msum[...] = jnp.zeros_like(msum)

    db = db_ref[...]
    agg = db * (a0_ref[...] + a1_ref[...] + xs_ref[...])
    h = lax.dot_general(agg, w1_ref[...], (((1,), (1,)), ((), ())),
                        precision=lax.Precision.HIGHEST,
                        preferred_element_type=jnp.float32)
    h = jnp.maximum(h + b1_ref[...], 0.0)
    rowid = i * BLK + lax.broadcasted_iota(jnp.int32, (BLK, 128), 0)
    msum[...] += jnp.sum(jnp.where(rowid < N, cb_ref[...] * h, 0.0),
                         axis=0, keepdims=True)

    @pl.when(i == NBLK - 1)
    def _():
        m = msum[...] * (1.0 / N)
        out_ref[...] = lax.dot_general(
            m, w2_ref[...], (((1,), (1,)), ((), ())),
            precision=lax.Precision.HIGHEST,
            preferred_element_type=jnp.float32) + b2_ref[...]


def _p3(xs, accf, db, cb, W1, b1, W2, b2):
    row_spec = pl.BlockSpec((BLK, 128), lambda i: (i, 0))
    a0_spec = pl.BlockSpec((BLK, 128), lambda i: (i, 0))
    a1_spec = pl.BlockSpec((BLK, 128), lambda i: (NBLK + i, 0))
    cspec = pl.BlockSpec((BLK, 1), lambda i: (i, 0))
    full = lambda shape: pl.BlockSpec(shape, lambda i: (0, 0))
    return pl.pallas_call(
        _p3_body,
        grid=(NBLK,),
        in_specs=[row_spec, a0_spec, a1_spec, cspec, cspec,
                  full((128, 128)), full((1, 128)), full((64, 128)), full((1, 64))],
        out_specs=full((1, 64)),
        out_shape=jax.ShapeDtypeStruct((1, 64), jnp.float32),
        scratch_shapes=[pltpu.VMEM((1, 128), jnp.float32)],
    )(xs, accf, accf, db, cb, W1, b1, W2, b2)


def kernel(x, edge_index, W1, b1, W2, b2):
    degp = _p1(edge_index)
    deg = degp[0] + degp[1] + 1.0
    dis_flat = deg ** -0.5
    dis_col = dis_flat[:, None]

    xs = _p15(x, dis_col)

    accf = _p2(xs, edge_index)
    sf = _p2b(edge_index, dis_flat)
    s_flat = sf[0] + sf[1]
    c = dis_flat * (s_flat + dis_flat)
    return _p3(xs, accf, dis_col, c[:, None],
               W1, b1.reshape(1, 128), W2, b2.reshape(1, 64))

# --- scband reference (transcript-rebuilt; emitter-appended) ---
"""Pipeline reference for scband-sparse-gcn-58411555225966 (READ-ONLY COPY).

The authoritative reference and input builder live on the scoring server;
editing this copy changes nothing except your own understanding.
"""

import jax, jax.numpy as jnp
import numpy as np

N = 10000
E = 160000
D_IN = 128
D_H = 128
D_OUT = 64


def setup_inputs(seed: int = 0) -> dict:
    key = jax.random.key(seed)
    k1, k2, k3, k4, k5, k6 = jax.random.split(key, 6)
    x = jax.random.normal(k1, (N, D_IN), dtype=jnp.float32)
    edge_index = jax.random.randint(k2, (2, E), 0, N, dtype=jnp.int32)
    W1 = jax.random.normal(k3, (D_H, D_IN), dtype=jnp.float32) * 0.05
    b1 = jnp.zeros((D_H,), dtype=jnp.float32)
    W2 = jax.random.normal(k4, (D_OUT, D_H), dtype=jnp.float32) * 0.05
    b2 = jnp.zeros((D_OUT,), dtype=jnp.float32)
    return {"x": x, "edge_index": edge_index, "W1": W1, "b1": b1, "W2": W2, "b2": b2}


def reference(x, edge_index, W1, b1, W2, b2):
    # adj = A + I (A[dst, src] = multiplicity of edge src->dst, duplicates summed
    # exactly as torch.sparse coalescing does), then symmetric normalization
    # D^{-1/2} (A + I) D^{-1/2}, matching the original dense construction.
    row = edge_index[1]  # dst
    col = edge_index[0]  # src
    deg = jax.ops.segment_sum(jnp.ones((E,), dtype=jnp.float32), row, num_segments=N) + 1.0
    d_inv_sqrt = jnp.power(deg, -0.5)
    d_inv_sqrt = jnp.where(jnp.isinf(d_inv_sqrt), 0.0, d_inv_sqrt)

    def spmm_norm(feat):
        # (D^{-1/2} (A + I) D^{-1/2}) @ feat using edge-wise gather + scatter-add
        w = d_inv_sqrt[row] * d_inv_sqrt[col]
        msg = feat[col] * w[:, None]
        agg = jax.ops.segment_sum(msg, row, num_segments=N)
        # self-loop (identity) contribution: d_inv_sqrt[i]^2 * feat[i]
        return agg + (d_inv_sqrt * d_inv_sqrt)[:, None] * feat

    h = spmm_norm(x)
    h = h @ W1.T + b1  # conv1 linear
    h = jax.nn.relu(h)
    h = spmm_norm(h)
    h = h @ W2.T + b2  # conv2 linear
    # dgl.mean_nodes over the single graph -> shape [1, num_classes]
    return jnp.mean(h, axis=0, keepdims=True)

if __name__ == "__main__":
    import jax
    _d = setup_inputs()
    print(jax.jit(kernel)(*tuple(_d.values())))

</pallas_src>

<mosaic_0001>
#map = affine_map<(d0, d1) -> (0, 0)>
module attributes {stable_mosaic.version = 14 : i64} {
  func.func @_p1(%arg0: i32, %arg1: i32, %arg2: memref<2x160000xi32, #tpu.memory_space<hbm>>, %arg3: memref<2x10240xf32, #tpu.memory_space<hbm>>, %arg4: memref<2x5120xi32, #tpu.memory_space<vmem>>, %arg5: memref<10240xf32, #tpu.memory_space<vmem>>, %arg6: memref<16x640xf32, #tpu.memory_space<vmem>>, %arg7: memref<640xf32, #tpu.memory_space<vmem>>, %arg8: memref<16x10240xf32, #tpu.memory_space<vmem_shared>>, %arg9: memref<!tpu.dma_semaphore, #tpu.memory_space<semaphore_mem>>) attributes {dimension_semantics = [#tpu.dimension_semantics<core_parallel>, #tpu.dimension_semantics<subcore_parallel>], iteration_bounds = array<i64: 2, 16>, scalar_prefetch = 0 : i64, scratch_operands = 6 : i64, tpu.core_type = #tpu.core_type<sc_vector_subcore>, window_params = [{transform_indices = #map}, {transform_indices = #map}]} {
    %mul3A = arith.constant 2 : i32
    %mul3A_0 = arith.muli %arg1, %mul3A : i32
    %add3A = arith.addi %mul3A_0, %arg0 : i32
    %mul3A_1 = arith.constant 4992 : i32
    %mul3A_2 = arith.muli %add3A, %mul3A_1 : i32
    %dma_start3A = arith.constant 0 : i32
    %dma_start3A_3 = arith.constant 0 : i32
    %dma_start3A_4 = tpu.memref_slice %arg4[%dma_start3A, %dma_start3A_3] : memref<2x5120xi32, #tpu.memory_space<vmem>> -> memref<2x4992xi32, #tpu.memory_space<vmem>>
    %dma_start3A_5 = arith.constant 0 : i32
    %dma_start3A_6 = tpu.memref_slice %arg2[%dma_start3A_5, %mul3A_2] : memref<2x160000xi32, #tpu.memory_space<hbm>> -> memref<2x4992xi32, #tpu.memory_space<hbm>>
    %dma_start3A_7 = arith.constant 0 : i32
    %dma_start3A_8 = arith.constant 0 : i32
    %dma_start3A_9 = tpu.memref_slice %arg4[%dma_start3A_7, %dma_start3A_8] : memref<2x5120xi32, #tpu.memory_space<vmem>> -> memref<2x4992xi32, #tpu.memory_space<vmem>>
    %dma_start3A_10 = arith.constant 0 : i32
    %dma_start3A_11 = tpu.memref_slice %arg2[%dma_start3A_10, %mul3A_2] : memref<2x160000xi32, #tpu.memory_space<hbm>> -> memref<2x4992xi32, #tpu.memory_space<hbm>>
    tpu.enqueue_dma source(%dma_start3A_11 : memref<2x4992xi32, #tpu.memory_space<hbm>>) target(%dma_start3A_9 : memref<2x4992xi32, #tpu.memory_space<vmem>>) target_semaphore(%arg9 : memref<!tpu.dma_semaphore, #tpu.memory_space<semaphore_mem>>)
    %lt3A = arith.constant 2 : i32
    %lt3A_12 = arith.cmpi slt, %add3A, %lt3A : i32
    %convert_element_type3A = arith.extui %lt3A_12 : i1 to i32
    %cond3A = arith.constant 0 : i32
    %cond3A_13 = arith.cmpi ne, %convert_element_type3A, %cond3A : i32
    scf.if %cond3A_13 {
      %mul3A_53 = arith.constant 128 : i32
      %mul3A_54 = arith.muli %add3A, %mul3A_53 : i32
      %add3A_55 = arith.constant 159744 : i32
      %add3A_56 = arith.addi %add3A_55, %mul3A_54 : i32
      "tpu.region"() ({
        %run_scoped3A = tpu.sem_alloc : memref<!tpu.dma_semaphore, #tpu.memory_space<semaphore_mem>>
        %dma_start3A_57 = arith.constant 0 : i32
        %dma_start3A_58 = arith.constant 4992 : i32
        %dma_start3A_59 = tpu.memref_slice %arg4[%dma_start3A_57, %dma_start3A_58] : memref<2x5120xi32, #tpu.memory_space<vmem>> -> memref<2x128xi32, #tpu.memory_space<vmem>>
        %dma_start3A_60 = arith.constant 0 : i32
        %dma_start3A_61 = tpu.memref_slice %arg2[%dma_start3A_60, %add3A_56] : memref<2x160000xi32, #tpu.memory_space<hbm>> -> memref<2x128xi32, #tpu.memory_space<hbm>>
        %dma_start3A_62 = arith.constant 0 : i32
        %dma_start3A_63 = arith.constant 4992 : i32
        %dma_start3A_64 = tpu.memref_slice %arg4[%dma_start3A_62, %dma_start3A_63] : memref<2x5120xi32, #tpu.memory_space<vmem>> -> memref<2x128xi32, #tpu.memory_space<vmem>>
        %dma_start3A_65 = arith.constant 0 : i32
        %dma_start3A_66 = tpu.memref_slice %arg2[%dma_start3A_65, %add3A_56] : memref<2x160000xi32, #tpu.memory_space<hbm>> -> memref<2x128xi32, #tpu.memory_space<hbm>>
        tpu.enqueue_dma source(%dma_start3A_66 : memref<2x128xi32, #tpu.memory_space<hbm>>) target(%dma_start3A_64 : memref<2x128xi32, #tpu.memory_space<vmem>>) target_semaphore(%run_scoped3A : memref<!tpu.dma_semaphore, #tpu.memory_space<semaphore_mem>>)
        %dma_wait3A_67 = arith.constant 0 : i32
        %dma_wait3A_68 = arith.constant 4992 : i32
        %dma_wait3A_69 = tpu.memref_slice %arg4[%dma_wait3A_67, %dma_wait3A_68] : memref<2x5120xi32, #tpu.memory_space<vmem>> -> memref<2x128xi32, #tpu.memory_space<vmem>>
        %dma_wait3A_70 = arith.constant 0 : i32
        %dma_wait3A_71 = tpu.memref_slice %arg2[%dma_wait3A_70, %add3A_56] : memref<2x160000xi32, #tpu.memory_space<hbm>> -> memref<2x128xi32, #tpu.memory_space<hbm>>
        %dma_wait3A_72 = arith.constant 0 : i32
        %dma_wait3A_73 = arith.constant 4992 : i32
        %dma_wait3A_74 = tpu.memref_slice %arg4[%dma_wait3A_72, %dma_wait3A_73] : memref<2x5120xi32, #tpu.memory_space<vmem>> -> memref<2x128xi32, #tpu.memory_space<vmem>>
        %dma_wait3A_75 = arith.constant 0 : i32
        %dma_wait3A_76 = tpu.memref_slice %arg2[%dma_wait3A_75, %add3A_56] : memref<2x160000xi32, #tpu.memory_space<hbm>> -> memref<2x128xi32, #tpu.memory_space<hbm>>
        tpu.wait_dma2 semaphore(%run_scoped3A : memref<!tpu.dma_semaphore, #tpu.memory_space<semaphore_mem>>) src(%dma_wait3A_76 : memref<2x128xi32, #tpu.memory_space<hbm>>) dst(%dma_wait3A_74 : memref<2x128xi32, #tpu.memory_space<vmem>>)
        tpu.yield
      }) : () -> ()
    } else {
    }
    %scan3A = arith.constant 0 : i32
    %scan3A_14 = arith.constant 0 : i32
    %scan3A_15 = arith.constant 640 : i32
    %scan3A_16 = arith.addi %scan3A_14, %scan3A_15 : i32
    %scan3A_17 = arith.constant 1 : i32
    %scan3A_18 = scf.for %scan3A_53 = %scan3A_14 to %scan3A_16 step %scan3A_17 iter_args(%scan3A_54 = %scan3A) -> (i32)  : i32 {
      %broadcast_in_dim3A_55 = arith.constant 0.000000e+00 : f32
      %broadcast_in_dim3A_56 = vector.broadcast %broadcast_in_dim3A_55 : f32 to vector<16xf32>
      %mul3A_57 = arith.constant 16 : i32
      %mul3A_58 = arith.muli %scan3A_53, %mul3A_57 : i32
      %swap3A = arith.index_cast %mul3A_58 : i32 to index
      %swap3A_59 = tpu.vector_load %arg5[%swap3A] {strides = array<i32>} : memref<10240xf32, #tpu.memory_space<vmem>>, vector<16xf32>,
      tpu.vector_store %arg5[%swap3A], %broadcast_in_dim3A_56 {strides = array<i32>} : memref<10240xf32, #tpu.memory_space<vmem>>, vector<16xf32>,
      %scan3A_60 = arith.constant 0 : i32
      scf.yield %scan3A_60 : i32
    }
    %scan3A_19 = arith.constant 640 : i32
    %broadcast_in_dim3A = arith.constant 1.000000e+00 : f32
    %broadcast_in_dim3A_20 = vector.broadcast %broadcast_in_dim3A : f32 to vector<16xf32>
    %dma_wait3A = arith.constant 0 : i32
    %dma_wait3A_21 = arith.constant 0 : i32
    %dma_wait3A_22 = tpu.memref_slice %arg4[%dma_wait3A, %dma_wait3A_21] : memref<2x5120xi32, #tpu.memory_space<vmem>> -> memref<2x4992xi32, #tpu.memory_space<vmem>>
    %dma_wait3A_23 = arith.constant 0 : i32
    %dma_wait3A_24 = tpu.memref_slice %arg2[%dma_wait3A_23, %mul3A_2] : memref<2x160000xi32, #tpu.memory_space<hbm>> -> memref<2x4992xi32, #tpu.memory_space<hbm>>
    %dma_wait3A_25 = arith.constant 0 : i32
    %dma_wait3A_26 = arith.constant 0 : i32
    %dma_wait3A_27 = tpu.memref_slice %arg4[%dma_wait3A_25, %dma_wait3A_26] : memref<2x5120xi32, #tpu.memory_space<vmem>> -> memref<2x4992xi32, #tpu.memory_space<vmem>>
    %dma_wait3A_28 = arith.constant 0 : i32
    %dma_wait3A_29 = tpu.memref_slice %arg2[%dma_wait3A_28, %mul3A_2] : memref<2x160000xi32, #tpu.memory_space<hbm>> -> memref<2x4992xi32, #tpu.memory_space<hbm>>
    tpu.wait_dma2 semaphore(%arg9 : memref<!tpu.dma_semaphore, #tpu.memory_space<semaphore_mem>>) src(%dma_wait3A_29 : memref<2x4992xi32, #tpu.memory_space<hbm>>) dst(%dma_wait3A_27 : memref<2x4992xi32, #tpu.memory_space<vmem>>)
    %scan3A_30 = arith.constant 0 : i32
    %scan3A_31 = arith.constant 0 : i32
    %scan3A_32 = arith.constant 312 : i32
    %scan3A_33 = arith.addi %scan3A_31, %scan3A_32 : i32
    %scan3A_34 = arith.constant 1 : i32
    %scan3A_35 = scf.for %scan3A_53 = %scan3A_31 to %scan3A_33 step %scan3A_34 iter_args(%scan3A_54 = %scan3A_30) -> (i32)  : i32 {
      %mul3A_55 = arith.constant 16 : i32
      %mul3A_56 = arith.muli %scan3A_53, %mul3A_55 : i32
      %get3A = arith.constant 1 : i32
      %get3A_57 = arith.index_cast %get3A : i32 to index
      %get3A_58 = arith.index_cast %mul3A_56 : i32 to index
      %get3A_59 = tpu.vector_load %arg4[%get3A_57, %get3A_58] {strides = array<i32>} : memref<2x5120xi32, #tpu.memory_space<vmem>>, vector<16xi32>,
      tpu.vector_store_idx %arg5[%get3A_59], %broadcast_in_dim3A_20 {add = true} : memref<10240xf32, #tpu.memory_space<vmem>>[vector<16xi32>], vector<16xf32>,
      %scan3A_60 = arith.constant 0 : i32
      scf.yield %scan3A_60 : i32
    }
    %scan3A_36 = arith.constant 312 : i32
    %lt3A_37 = arith.constant 2 : i32
    %lt3A_38 = arith.cmpi slt, %add3A, %lt3A_37 : i32
    %convert_element_type3A_39 = arith.extui %lt3A_38 : i1 to i32
    %cond3A_40 = arith.constant 0 : i32
    %cond3A_41 = arith.cmpi ne, %convert_element_type3A_39, %cond3A_40 : i32
    scf.if %cond3A_41 {
      %scan3A_53 = arith.constant 0 : i32
      %scan3A_54 = arith.constant 0 : i32
      %scan3A_55 = arith.constant 8 : i32
      %scan3A_56 = arith.addi %scan3A_54, %scan3A_55 : i32
      %scan3A_57 = arith.constant 1 : i32
      %scan3A_58 = scf.for %scan3A_60 = %scan3A_54 to %scan3A_56 step %scan3A_57 iter_args(%scan3A_61 = %scan3A_53) -> (i32)  : i32 {
        %mul3A_62 = arith.constant 16 : i32
        %mul3A_63 = arith.muli %scan3A_60, %mul3A_62 : i32
        %add3A_64 = arith.constant 4992 : i32
        %add3A_65 = arith.addi %add3A_64, %mul3A_63 : i32
        %get3A = arith.constant 1 : i32
        %get3A_66 = arith.index_cast %get3A : i32 to index
        %get3A_67 = arith.index_cast %add3A_65 : i32 to index
        %get3A_68 = tpu.vector_load %arg4[%get3A_66, %get3A_67] {strides = array<i32>} : memref<2x5120xi32, #tpu.memory_space<vmem>>, vector<16xi32>,
        tpu.vector_store_idx %arg5[%get3A_68], %broadcast_in_dim3A_20 {add = true} : memref<10240xf32, #tpu.memory_space<vmem>>[vector<16xi32>], vector<16xf32>,
        %scan3A_69 = arith.constant 0 : i32
        scf.yield %scan3A_69 : i32
      }
      %scan3A_59 = arith.constant 8 : i32
    } else {
    }
    "tpu.region"() ({
      %run_scoped3A = tpu.sem_alloc : memref<!tpu.dma_semaphore, #tpu.memory_space<semaphore_mem>>
      %dma_start3A_53 = arith.constant 0 : i32
      %dma_start3A_54 = tpu.memref_slice %arg8[%arg1, %dma_start3A_53] : memref<16x10240xf32, #tpu.memory_space<vmem_shared>> -> memref<1x10240xf32, #tpu.memory_space<vmem_shared>>
      %dma_start3A_55 = tpu.memref_squeeze %dma_start3A_54 : memref<1x10240xf32, #tpu.memory_space<vmem_shared>> -> memref<10240xf32, #tpu.memory_space<vmem_shared>>
      %dma_start3A_56 = arith.constant 0 : i32
      %dma_start3A_57 = tpu.memref_slice %arg8[%arg1, %dma_start3A_56] : memref<16x10240xf32, #tpu.memory_space<vmem_shared>> -> memref<1x10240xf32, #tpu.memory_space<vmem_shared>>
      %dma_start3A_58 = tpu.memref_squeeze %dma_start3A_57 : memref<1x10240xf32, #tpu.memory_space<vmem_shared>> -> memref<10240xf32, #tpu.memory_space<vmem_shared>>
      tpu.enqueue_dma source(%arg5 : memref<10240xf32, #tpu.memory_space<vmem>>) target(%dma_start3A_58 : memref<10240xf32, #tpu.memory_space<vmem_shared>>) target_semaphore(%run_scoped3A : memref<!tpu.dma_semaphore, #tpu.memory_space<semaphore_mem>>)
      %dma_wait3A_59 = arith.constant 0 : i32
      %dma_wait3A_60 = tpu.memref_slice %arg8[%arg1, %dma_wait3A_59] : memref<16x10240xf32, #tpu.memory_space<vmem_shared>> -> memref<1x10240xf32, #tpu.memory_space<vmem_shared>>
      %dma_wait3A_61 = tpu.memref_squeeze %dma_wait3A_60 : memref<1x10240xf32, #tpu.memory_space<vmem_shared>> -> memref<10240xf32, #tpu.memory_space<vmem_shared>>
      %dma_wait3A_62 = arith.constant 0 : i32
      %dma_wait3A_63 = tpu.memref_slice %arg8[%arg1, %dma_wait3A_62] : memref<16x10240xf32, #tpu.memory_space<vmem_shared>> -> memref<1x10240xf32, #tpu.memory_space<vmem_shared>>
      %dma_wait3A_64 = tpu.memref_squeeze %dma_wait3A_63 : memref<1x10240xf32, #tpu.memory_space<vmem_shared>> -> memref<10240xf32, #tpu.memory_space<vmem_shared>>
      tpu.wait_dma2 semaphore(%run_scoped3A : memref<!tpu.dma_semaphore, #tpu.memory_space<semaphore_mem>>) src(%arg5 : memref<10240xf32, #tpu.memory_space<vmem>>) dst(%dma_wait3A_64 : memref<10240xf32, #tpu.memory_space<vmem_shared>>)
      tpu.yield
    }) : () -> ()
    %barrier3A = arith.constant 0 : index
    tpu.barrier barrier_id(%barrier3A)
    %mul3A_42 = arith.constant 640 : i32
    %mul3A_43 = arith.muli %arg1, %mul3A_42 : i32
    "tpu.region"() ({
      %run_scoped3A = tpu.sem_alloc : memref<!tpu.dma_semaphore, #tpu.memory_space<semaphore_mem>>
      %dma_start3A_53 = arith.constant 0 : i32
      %dma_start3A_54 = tpu.memref_slice %arg8[%dma_start3A_53, %mul3A_43] : memref<16x10240xf32, #tpu.memory_space<vmem_shared>> -> memref<16x640xf32, #tpu.memory_space<vmem_shared>>
      %dma_start3A_55 = arith.constant 0 : i32
      %dma_start3A_56 = tpu.memref_slice %arg8[%dma_start3A_55, %mul3A_43] : memref<16x10240xf32, #tpu.memory_space<vmem_shared>> -> memref<16x640xf32, #tpu.memory_space<vmem_shared>>
      tpu.enqueue_dma source(%dma_start3A_56 : memref<16x640xf32, #tpu.memory_space<vmem_shared>>) target(%arg6 : memref<16x640xf32, #tpu.memory_space<vmem>>) target_semaphore(%run_scoped3A : memref<!tpu.dma_semaphore, #tpu.memory_space<semaphore_mem>>)
      %dma_wait3A_57 = arith.constant 0 : i32
      %dma_wait3A_58 = tpu.memref_slice %arg8[%dma_wait3A_57, %mul3A_43] : memref<16x10240xf32, #tpu.memory_space<vmem_shared>> -> memref<16x640xf32, #tpu.memory_space<vmem_shared>>
      %dma_wait3A_59 = arith.constant 0 : i32
      %dma_wait3A_60 = tpu.memref_slice %arg8[%dma_wait3A_59, %mul3A_43] : memref<16x10240xf32, #tpu.memory_space<vmem_shared>> -> memref<16x640xf32, #tpu.memory_space<vmem_shared>>
      tpu.wait_dma2 semaphore(%run_scoped3A : memref<!tpu.dma_semaphore, #tpu.memory_space<semaphore_mem>>) src(%dma_wait3A_60 : memref<16x640xf32, #tpu.memory_space<vmem_shared>>) dst(%arg6 : memref<16x640xf32, #tpu.memory_space<vmem>>)
      tpu.yield
    }) : () -> ()
    %scan3A_44 = arith.constant 0 : i32
    %scan3A_45 = arith.constant 0 : i32
    %scan3A_46 = arith.constant 40 : i32
    %scan3A_47 = arith.addi %scan3A_45, %scan3A_46 : i32
    %scan3A_48 = arith.constant 1 : i32
    %scan3A_49 = scf.for %scan3A_53 = %scan3A_45 to %scan3A_47 step %scan3A_48 iter_args(%scan3A_54 = %scan3A_44) -> (i32)  : i32 {
      %broadcast_in_dim3A_55 = arith.constant 0.000000e+00 : f32
      %broadcast_in_dim3A_56 = vector.broadcast %broadcast_in_dim3A_55 : f32 to vector<16xf32>
      %scan3A_57 = arith.constant 0 : i32
      %scan3A_58 = arith.constant 16 : i32
      %scan3A_59 = arith.addi %scan3A_57, %scan3A_58 : i32
      %scan3A_60 = arith.constant 1 : i32
      %scan3A_61 = scf.for %scan3A_67 = %scan3A_57 to %scan3A_59 step %scan3A_60 iter_args(%scan3A_68 = %broadcast_in_dim3A_56) -> (vector<16xf32>)  : i32 {
        %mul3A_69 = arith.constant 16 : i32
        %mul3A_70 = arith.muli %scan3A_53, %mul3A_69 : i32
        %get3A = arith.index_cast %scan3A_67 : i32 to index
        %get3A_71 = arith.index_cast %mul3A_70 : i32 to index
        %get3A_72 = tpu.vector_load %arg6[%get3A, %get3A_71] {strides = array<i32>} : memref<16x640xf32, #tpu.memory_space<vmem>>, vector<16xf32>,
        %add3A_73 = arith.addf %scan3A_68, %get3A_72 : vector<16xf32>
        scf.yield %add3A_73 : vector<16xf32>
      }
      %scan3A_62 = arith.constant 16 : i32
      %mul3A_63 = arith.constant 16 : i32
      %mul3A_64 = arith.muli %scan3A_53, %mul3A_63 : i32
      %swap3A = arith.index_cast %mul3A_64 : i32 to index
      %swap3A_65 = tpu.vector_load %arg7[%swap3A] {strides = array<i32>} : memref<640xf32, #tpu.memory_space<vmem>>, vector<16xf32>,
      tpu.vector_store %arg7[%swap3A], %scan3A_61 {strides = array<i32>} : memref<640xf32, #tpu.memory_space<vmem>>, vector<16xf32>,
      %scan3A_66 = arith.constant 0 : i32
      scf.yield %scan3A_66 : i32
    }
    %scan3A_50 = arith.constant 40 : i32
    %mul3A_51 = arith.constant 640 : i32
    %mul3A_52 = arith.muli %arg1, %mul3A_51 : i32
    "tpu.region"() ({
      %run_scoped3A = tpu.sem_alloc : memref<!tpu.dma_semaphore, #tpu.memory_space<semaphore_mem>>
      %dma_start3A_53 = tpu.memref_slice %arg3[%arg0, %mul3A_52] : memref<2x10240xf32, #tpu.memory_space<hbm>> -> memref<1x640xf32, #tpu.memory_space<hbm>>
      %dma_start3A_54 = tpu.memref_squeeze %dma_start3A_53 : memref<1x640xf32, #tpu.memory_space<hbm>> -> memref<640xf32, #tpu.memory_space<hbm>>
      %dma_start3A_55 = tpu.memref_slice %arg3[%arg0, %mul3A_52] : memref<2x10240xf32, #tpu.memory_space<hbm>> -> memref<1x640xf32, #tpu.memory_space<hbm>>
      %dma_start3A_56 = tpu.memref_squeeze %dma_start3A_55 : memref<1x640xf32, #tpu.memory_space<hbm>> -> memref<640xf32, #tpu.memory_space<hbm>>
      tpu.enqueue_dma source(%arg7 : memref<640xf32, #tpu.memory_space<vmem>>) target(%dma_start3A_56 : memref<640xf32, #tpu.memory_space<hbm>>) target_semaphore(%run_scoped3A : memref<!tpu.dma_semaphore, #tpu.memory_space<semaphore_mem>>)
      %dma_wait3A_57 = tpu.memref_slice %arg3[%arg0, %mul3A_52] : memref<2x10240xf32, #tpu.memory_space<hbm>> -> memref<1x640xf32, #tpu.memory_space<hbm>>
      %dma_wait3A_58 = tpu.memref_squeeze %dma_wait3A_57 : memref<1x640xf32, #tpu.memory_space<hbm>> -> memref<640xf32, #tpu.memory_space<hbm>>
      %dma_wait3A_59 = tpu.memref_slice %arg3[%arg0, %mul3A_52] : memref<2x10240xf32, #tpu.memory_space<hbm>> -> memref<1x640xf32, #tpu.memory_space<hbm>>
      %dma_wait3A_60 = tpu.memref_squeeze %dma_wait3A_59 : memref<1x640xf32, #tpu.memory_space<hbm>> -> memref<640xf32, #tpu.memory_space<hbm>>
      tpu.wait_dma2 semaphore(%run_scoped3A : memref<!tpu.dma_semaphore, #tpu.memory_space<semaphore_mem>>) src(%arg7 : memref<640xf32, #tpu.memory_space<vmem>>) dst(%dma_wait3A_60 : memref<640xf32, #tpu.memory_space<hbm>>)
      tpu.yield
    }) : () -> ()
    return
  }
}

#map = affine_map<(d0, d1) -> (0, 0)>
module attributes {stable_mosaic.version = 14 : i64} {
  func.func @_p2(%arg0: i32, %arg1: i32, %arg2: memref<10000x128xf32, #tpu.memory_space<hbm>>, %arg3: memref<2x160000xi32, #tpu.memory_space<hbm>>, %arg4: memref<20480x128xf32, #tpu.memory_space<hbm>>, %arg5: memref<80x128xi32, #tpu.memory_space<vmem>>, %arg6: memref<128x128xf32, #tpu.memory_space<vmem>>, %arg7: memref<128x128xf32, #tpu.memory_space<vmem>>, %arg8: memref<10240x128xf32, #tpu.memory_space<vmem_shared>>, %arg9: memref<!tpu.dma_semaphore, #tpu.memory_space<semaphore_mem>>, %arg10: memref<!tpu.dma_semaphore, #tpu.memory_space<semaphore_mem>>, %arg11: memref<!tpu.dma_semaphore, #tpu.memory_space<semaphore_mem>>, %arg12: memref<!tpu.dma_semaphore, #tpu.memory_space<semaphore_mem>>, %arg13: memref<!tpu.dma_semaphore, #tpu.memory_space<semaphore_mem>>) attributes {dimension_semantics = [#tpu.dimension_semantics<core_parallel>, #tpu.dimension_semantics<subcore_parallel>], iteration_bounds = array<i64: 2, 16>, scalar_prefetch = 0 : i64, scratch_operands = 9 : i64, tpu.core_type = #tpu.core_type<sc_vector_subcore>, window_params = [{transform_indices = #map}, {transform_indices = #map}, {transform_indices = #map}]} {
    %mul3A = arith.constant 2 : i32
    %mul3A_0 = arith.muli %arg1, %mul3A : i32
    %add3A = arith.addi %mul3A_0, %arg0 : i32
    %mul3A_1 = arith.constant 4992 : i32
    %mul3A_2 = arith.muli %add3A, %mul3A_1 : i32
    %mul3A_3 = arith.constant 640 : i32
    %mul3A_4 = arith.muli %arg1, %mul3A_3 : i32
    %add3A_5 = arith.constant 0 : i32
    %add3A_6 = arith.addi %mul3A_2, %add3A_5 : i32
    %dma_start3A = arith.constant 0 : i32
    %dma_start3A_7 = arith.constant 0 : i32
    %dma_start3A_8 = tpu.memref_slice %arg5[%dma_start3A, %dma_start3A_7] : memref<80x128xi32, #tpu.memory_space<vmem>> -> memref<2x128xi32, #tpu.memory_space<vmem>>
    %dma_start3A_9 = arith.constant 0 : i32
    %dma_start3A_10 = tpu.memref_slice %arg3[%dma_start3A_9, %add3A_6] : memref<2x160000xi32, #tpu.memory_space<hbm>> -> memref<2x128xi32, #tpu.memory_space<hbm>>
    %dma_start3A_11 = arith.constant 0 : i32
    %dma_start3A_12 = arith.constant 0 : i32
    %dma_start3A_13 = tpu.memref_slice %arg5[%dma_start3A_11, %dma_start3A_12] : memref<80x128xi32, #tpu.memory_space<vmem>> -> memref<2x128xi32, #tpu.memory_space<vmem>>
    %dma_start3A_14 = arith.constant 0 : i32
    %dma_start3A_15 = tpu.memref_slice %arg3[%dma_start3A_14, %add3A_6] : memref<2x160000xi32, #tpu.memory_space<hbm>> -> memref<2x128xi32, #tpu.memory_space<hbm>>
    tpu.enqueue_dma source(%dma_start3A_15 : memref<2x128xi32, #tpu.memory_space<hbm>>) target(%dma_start3A_13 : memref<2x128xi32, #tpu.memory_space<vmem>>) target_semaphore(%arg9 : memref<!tpu.dma_semaphore, #tpu.memory_space<semaphore_mem>>)
    %add3A_16 = arith.constant 128 : i32
    %add3A_17 = arith.addi %mul3A_2, %add3A_16 : i32
    %dma_start3A_18 = arith.constant 2 : i32
    %dma_start3A_19 = arith.constant 0 : i32
    %dma_start3A_20 = tpu.memref_slice %arg5[%dma_start3A_18, %dma_start3A_19] : memref<80x128xi32, #tpu.memory_space<vmem>> -> memref<2x128xi32, #tpu.memory_space<vmem>>
    %dma_start3A_21 = arith.constant 0 : i32
    %dma_start3A_22 = tpu.memref_slice %arg3[%dma_start3A_21, %add3A_17] : memref<2x160000xi32, #tpu.memory_space<hbm>> -> memref<2x128xi32, #tpu.memory_space<hbm>>
    %dma_start3A_23 = arith.constant 2 : i32
    %dma_start3A_24 = arith.constant 0 : i32
    %dma_start3A_25 = tpu.memref_slice %arg5[%dma_start3A_23, %dma_start3A_24] : memref<80x128xi32, #tpu.memory_space<vmem>> -> memref<2x128xi32, #tpu.memory_space<vmem>>
    %dma_start3A_26 = arith.constant 0 : i32
    %dma_start3A_27 = tpu.memref_slice %arg3[%dma_start3A_26, %add3A_17] : memref<2x160000xi32, #tpu.memory_space<hbm>> -> memref<2x128xi32, #tpu.memory_space<hbm>>
    tpu.enqueue_dma source(%dma_start3A_27 : memref<2x128xi32, #tpu.memory_space<hbm>>) target(%dma_start3A_25 : memref<2x128xi32, #tpu.memory_space<vmem>>) target_semaphore(%arg9 : memref<!tpu.dma_semaphore, #tpu.memory_space<semaphore_mem>>)
    %add3A_28 = arith.constant 256 : i32
    %add3A_29 = arith.addi %mul3A_2, %add3A_28 : i32
    %dma_start3A_30 = arith.constant 4 : i32
    %dma_start3A_31 = arith.constant 0 : i32
    %dma_start3A_32 = tpu.memref_slice %arg5[%dma_start3A_30, %dma_start3A_31] : memref<80x128xi32, #tpu.memory_space<vmem>> -> memref<2x128xi32, #tpu.memory_space<vmem>>
    %dma_start3A_33 = arith.constant 0 : i32
    %dma_start3A_34 = tpu.memref_slice %arg3[%dma_start3A_33, %add3A_29] : memref<2x160000xi32, #tpu.memory_space<hbm>> -> memref<2x128xi32, #tpu.memory_space<hbm>>
    %dma_start3A_35 = arith.constant 4 : i32
    %dma_start3A_36 = arith.constant 0 : i32
    %dma_start3A_37 = tpu.memref_slice %arg5[%dma_start3A_35, %dma_start3A_36] : memref<80x128xi32, #tpu.memory_space<vmem>> -> memref<2x128xi32, #tpu.memory_space<vmem>>
    %dma_start3A_38 = arith.constant 0 : i32
    %dma_start3A_39 = tpu.memref_slice %arg3[%dma_start3A_38, %add3A_29] : memref<2x160000xi32, #tpu.memory_space<hbm>> -> memref<2x128xi32, #tpu.memory_space<hbm>>
    tpu.enqueue_dma source(%dma_start3A_39 : memref<2x128xi32, #tpu.memory_space<hbm>>) target(%dma_start3A_37 : memref<2x128xi32, #tpu.memory_space<vmem>>) target_semaphore(%arg9 : memref<!tpu.dma_semaphore, #tpu.memory_space<semaphore_mem>>)
    %add3A_40 = arith.constant 384 : i32
    %add3A_41 = arith.addi %mul3A_2, %add3A_40 : i32
    %dma_start3A_42 = arith.constant 6 : i32
    %dma_start3A_43 = arith.constant 0 : i32
    %dma_start3A_44 = tpu.memref_slice %arg5[%dma_start3A_42, %dma_start3A_43] : memref<80x128xi32, #tpu.memory_space<vmem>> -> memref<2x128xi32, #tpu.memory_space<vmem>>
    %dma_start3A_45 = arith.constant 0 : i32
    %dma_start3A_46 = tpu.memref_slice %arg3[%dma_start3A_45, %add3A_41] : memref<2x160000xi32, #tpu.memory_space<hbm>> -> memref<2x128xi32, #tpu.memory_space<hbm>>
    %dma_start3A_47 = arith.constant 6 : i32
    %dma_start3A_48 = arith.constant 0 : i32
    %dma_start3A_49 = tpu.memref_slice %arg5[%dma_start3A_47, %dma_start3A_48] : memref<80x128xi32, #tpu.memory_space<vmem>> -> memref<2x128xi32, #tpu.memory_space<vmem>>
    %dma_start3A_50 = arith.constant 0 : i32
    %dma_start3A_51 = tpu.memref_slice %arg3[%dma_start3A_50, %add3A_41] : memref<2x160000xi32, #tpu.memory_space<hbm>> -> memref<2x128xi32, #tpu.memory_space<hbm>>
    tpu.enqueue_dma source(%dma_start3A_51 : memref<2x128xi32, #tpu.memory_space<hbm>>) target(%dma_start3A_49 : memref<2x128xi32, #tpu.memory_space<vmem>>) target_semaphore(%arg9 : memref<!tpu.dma_semaphore, #tpu.memory_space<semaphore_mem>>)
    %add3A_52 = arith.constant 512 : i32
    %add3A_53 = arith.addi %mul3A_2, %add3A_52 : i32
    %dma_start3A_54 = arith.constant 8 : i32
    %dma_start3A_55 = arith.constant 0 : i32
    %dma_start3A_56 = tpu.memref_slice %arg5[%dma_start3A_54, %dma_start3A_55] : memref<80x128xi32, #tpu.memory_space<vmem>> -> memref<2x128xi32, #tpu.memory_space<vmem>>
    %dma_start3A_57 = arith.constant 0 : i32
    %dma_start3A_58 = tpu.memref_slice %arg3[%dma_start3A_57, %add3A_53] : memref<2x160000xi32, #tpu.memory_space<hbm>> -> memref<2x128xi32, #tpu.memory_space<hbm>>
    %dma_start3A_59 = arith.constant 8 : i32
    %dma_start3A_60 = arith.constant 0 : i32
    %dma_start3A_61 = tpu.memref_slice %arg5[%dma_start3A_59, %dma_start3A_60] : memref<80x128xi32, #tpu.memory_space<vmem>> -> memref<2x128xi32, #tpu.memory_space<vmem>>
    %dma_start3A_62 = arith.constant 0 : i32
    %dma_start3A_63 = tpu.memref_slice %arg3[%dma_start3A_62, %add3A_53] : memref<2x160000xi32, #tpu.memory_space<hbm>> -> memref<2x128xi32, #tpu.memory_space<hbm>>
    tpu.enqueue_dma source(%dma_start3A_63 : memref<2x128xi32, #tpu.memory_space<hbm>>) target(%dma_start3A_61 : memref<2x128xi32, #tpu.memory_space<vmem>>) target_semaphore(%arg9 : memref<!tpu.dma_semaphore, #tpu.memory_space<semaphore_mem>>)
    %add3A_64 = arith.constant 640 : i32
    %add3A_65 = arith.addi %mul3A_2, %add3A_64 : i32
    %dma_start3A_66 = arith.constant 10 : i32
    %dma_start3A_67 = arith.constant 0 : i32
    %dma_start3A_68 = tpu.memref_slice %arg5[%dma_start3A_66, %dma_start3A_67] : memref<80x128xi32, #tpu.memory_space<vmem>> -> memref<2x128xi32, #tpu.memory_space<vmem>>
    %dma_start3A_69 = arith.constant 0 : i32
    %dma_start3A_70 = tpu.memref_slice %arg3[%dma_start3A_69, %add3A_65] : memref<2x160000xi32, #tpu.memory_space<hbm>> -> memref<2x128xi32, #tpu.memory_space<hbm>>
    %dma_start3A_71 = arith.constant 10 : i32
    %dma_start3A_72 = arith.constant 0 : i32
    %dma_start3A_73 = tpu.memref_slice %arg5[%dma_start3A_71, %dma_start3A_72] : memref<80x128xi32, #tpu.memory_space<vmem>> -> memref<2x128xi32, #tpu.memory_space<vmem>>
    %dma_start3A_74 = arith.constant 0 : i32
    %dma_start3A_75 = tpu.memref_slice %arg3[%dma_start3A_74, %add3A_65] : memref<2x160000xi32, #tpu.memory_space<hbm>> -> memref<2x128xi32, #tpu.memory_space<hbm>>
    tpu.enqueue_dma source(%dma_start3A_75 : memref<2x128xi32, #tpu.memory_space<hbm>>) target(%dma_start3A_73 : memref<2x128xi32, #tpu.memory_space<vmem>>) target_semaphore(%arg9 : memref<!tpu.dma_semaphore, #tpu.memory_space<semaphore_mem>>)
    %add3A_76 = arith.constant 768 : i32
    %add3A_77 = arith.addi %mul3A_2, %add3A_76 : i32
    %dma_start3A_78 = arith.constant 12 : i32
    %dma_start3A_79 = arith.constant 0 : i32
    %dma_start3A_80 = tpu.memref_slice %arg5[%dma_start3A_78, %dma_start3A_79] : memref<80x128xi32, #tpu.memory_space<vmem>> -> memref<2x128xi32, #tpu.memory_space<vmem>>
    %dma_start3A_81 = arith.constant 0 : i32
    %dma_start3A_82 = tpu.memref_slice %arg3[%dma_start3A_81, %add3A_77] : memref<2x160000xi32, #tpu.memory_space<hbm>> -> memref<2x128xi32, #tpu.memory_space<hbm>>
    %dma_start3A_83 = arith.constant 12 : i32
    %dma_start3A_84 = arith.constant 0 : i32
    %dma_start3A_85 = tpu.memref_slice %arg5[%dma_start3A_83, %dma_start3A_84] : memref<80x128xi32, #tpu.memory_space<vmem>> -> memref<2x128xi32, #tpu.memory_space<vmem>>
    %dma_start3A_86 = arith.constant 0 : i32
    %dma_start3A_87 = tpu.memref_slice %arg3[%dma_start3A_86, %add3A_77] : memref<2x160000xi32, #tpu.memory_space<hbm>> -> memref<2x128xi32, #tpu.memory_space<hbm>>
    tpu.enqueue_dma source(%dma_start3A_87 : memref<2x128xi32, #tpu.memory_space<hbm>>) target(%dma_start3A_85 : memref<2x128xi32, #tpu.memory_space<vmem>>) target_semaphore(%arg9 : memref<!tpu.dma_semaphore, #tpu.memory_space<semaphore_mem>>)
    %add3A_88 = arith.constant 896 : i32
    %add3A_89 = arith.addi %mul3A_2, %add3A_88 : i32
    %dma_start3A_90 = arith.constant 14 : i32
    %dma_start3A_91 = arith.constant 0 : i32
    %dma_start3A_92 = tpu.memref_slice %arg5[%dma_start3A_90, %dma_start3A_91] : memref<80x128xi32, #tpu.memory_space<vmem>> -> memref<2x128xi32, #tpu.memory_space<vmem>>
    %dma_start3A_93 = arith.constant 0 : i32
    %dma_start3A_94 = tpu.memref_slice %arg3[%dma_start3A_93, %add3A_89] : memref<2x160000xi32, #tpu.memory_space<hbm>> -> memref<2x128xi32, #tpu.memory_space<hbm>>
    %dma_start3A_95 = arith.constant 14 : i32
    %dma_start3A_96 = arith.constant 0 : i32
    %dma_start3A_97 = tpu.memref_slice %arg5[%dma_start3A_95, %dma_start3A_96] : memref<80x128xi32, #tpu.memory_space<vmem>> -> memref<2x128xi32, #tpu.memory_space<vmem>>
    %dma_start3A_98 = arith.constant 0 : i32
    %dma_start3A_99 = tpu.memref_slice %arg3[%dma_start3A_98, %add3A_89] : memref<2x160000xi32, #tpu.memory_space<hbm>> -> memref<2x128xi32, #tpu.memory_space<hbm>>
    tpu.enqueue_dma source(%dma_start3A_99 : memref<2x128xi32, #tpu.memory_space<hbm>>) target(%dma_start3A_97 : memref<2x128xi32, #tpu.memory_space<vmem>>) target_semaphore(%arg9 : memref<!tpu.dma_semaphore, #tpu.memory_space<semaphore_mem>>)
    %add3A_100 = arith.constant 1024 : i32
    %add3A_101 = arith.addi %mul3A_2, %add3A_100 : i32
    %dma_start3A_102 = arith.constant 16 : i32
    %dma_start3A_103 = arith.constant 0 : i32
    %dma_start3A_104 = tpu.memref_slice %arg5[%dma_start3A_102, %dma_start3A_103] : memref<80x128xi32, #tpu.memory_space<vmem>> -> memref<2x128xi32, #tpu.memory_space<vmem>>
    %dma_start3A_105 = arith.constant 0 : i32
    %dma_start3A_106 = tpu.memref_slice %arg3[%dma_start3A_105, %add3A_101] : memref<2x160000xi32, #tpu.memory_space<hbm>> -> memref<2x128xi32, #tpu.memory_space<hbm>>
    %dma_start3A_107 = arith.constant 16 : i32
    %dma_start3A_108 = arith.constant 0 : i32
    %dma_start3A_109 = tpu.memref_slice %arg5[%dma_start3A_107, %dma_start3A_108] : memref<80x128xi32, #tpu.memory_space<vmem>> -> memref<2x128xi32, #tpu.memory_space<vmem>>
    %dma_start3A_110 = arith.constant 0 : i32
    %dma_start3A_111 = tpu.memref_slice %arg3[%dma_start3A_110, %add3A_101] : memref<2x160000xi32, #tpu.memory_space<hbm>> -> memref<2x128xi32, #tpu.memory_space<hbm>>
    tpu.enqueue_dma source(%dma_start3A_111 : memref<2x128xi32, #tpu.memory_space<hbm>>) target(%dma_start3A_109 : memref<2x128xi32, #tpu.memory_space<vmem>>) target_semaphore(%arg9 : memref<!tpu.dma_semaphore, #tpu.memory_space<semaphore_mem>>)
    %add3A_112 = arith.constant 1152 : i32
    %add3A_113 = arith.addi %mul3A_2, %add3A_112 : i32
    %dma_start3A_114 = arith.constant 18 : i32
    %dma_start3A_115 = arith.constant 0 : i32
    %dma_start3A_116 = tpu.memref_slice %arg5[%dma_start3A_114, %dma_start3A_115] : memref<80x128xi32, #tpu.memory_space<vmem>> -> memref<2x128xi32, #tpu.memory_space<vmem>>
    %dma_start3A_117 = arith.constant 0 : i32
    %dma_start3A_118 = tpu.memref_slice %arg3[%dma_start3A_117, %add3A_113] : memref<2x160000xi32, #tpu.memory_space<hbm>> -> memref<2x128xi32, #tpu.memory_space<hbm>>
    %dma_start3A_119 = arith.constant 18 : i32
    %dma_start3A_120 = arith.constant 0 : i32
    %dma_start3A_121 = tpu.memref_slice %arg5[%dma_start3A_119, %dma_start3A_120] : memref<80x128xi32, #tpu.memory_space<vmem>> -> memref<2x128xi32, #tpu.memory_space<vmem>>
    %dma_start3A_122 = arith.constant 0 : i32
    %dma_start3A_123 = tpu.memref_slice %arg3[%dma_start3A_122, %add3A_113] : memref<2x160000xi32, #tpu.memory_space<hbm>> -> memref<2x128xi32, #tpu.memory_space<hbm>>
    tpu.enqueue_dma source(%dma_start3A_123 : memref<2x128xi32, #tpu.memory_space<hbm>>) target(%dma_start3A_121 : memref<2x128xi32, #tpu.memory_space<vmem>>) target_semaphore(%arg9 : memref<!tpu.dma_semaphore, #tpu.memory_space<semaphore_mem>>)
    %add3A_124 = arith.constant 1280 : i32
    %add3A_125 = arith.addi %mul3A_2, %add3A_124 : i32
    %dma_start3A_126 = arith.constant 20 : i32
    %dma_start3A_127 = arith.constant 0 : i32
    %dma_start3A_128 = tpu.memref_slice %arg5[%dma_start3A_126, %dma_start3A_127] : memref<80x128xi32, #tpu.memory_space<vmem>> -> memref<2x128xi32, #tpu.memory_space<vmem>>
    %dma_start3A_129 = arith.constant 0 : i32
    %dma_start3A_130 = tpu.memref_slice %arg3[%dma_start3A_129, %add3A_125] : memref<2x160000xi32, #tpu.memory_space<hbm>> -> memref<2x128xi32, #tpu.memory_space<hbm>>
    %dma_start3A_131 = arith.constant 20 : i32
    %dma_start3A_132 = arith.constant 0 : i32
    %dma_start3A_133 = tpu.memref_slice %arg5[%dma_start3A_131, %dma_start3A_132] : memref<80x128xi32, #tpu.memory_space<vmem>> -> memref<2x128xi32, #tpu.memory_space<vmem>>
    %dma_start3A_134 = arith.constant 0 : i32
    %dma_start3A_135 = tpu.memref_slice %arg3[%dma_start3A_134, %add3A_125] : memref<2x160000xi32, #tpu.memory_space<hbm>> -> memref<2x128xi32, #tpu.memory_space<hbm>>
    tpu.enqueue_dma source(%dma_start3A_135 : memref<2x128xi32, #tpu.memory_space<hbm>>) target(%dma_start3A_133 : memref<2x128xi32, #tpu.memory_space<vmem>>) target_semaphore(%arg9 : memref<!tpu.dma_semaphore, #tpu.memory_space<semaphore_mem>>)
    %add3A_136 = arith.constant 1408 : i32
    %add3A_137 = arith.addi %mul3A_2, %add3A_136 : i32
    %dma_start3A_138 = arith.constant 22 : i32
    %dma_start3A_139 = arith.constant 0 : i32
    %dma_start3A_140 = tpu.memref_slice %arg5[%dma_start3A_138, %dma_start3A_139] : memref<80x128xi32, #tpu.memory_space<vmem>> -> memref<2x128xi32, #tpu.memory_space<vmem>>
    %dma_start3A_141 = arith.constant 0 : i32
    %dma_start3A_142 = tpu.memref_slice %arg3[%dma_start3A_141, %add3A_137] : memref<2x160000xi32, #tpu.memory_space<hbm>> -> memref<2x128xi32, #tpu.memory_space<hbm>>
    %dma_start3A_143 = arith.constant 22 : i32
    %dma_start3A_144 = arith.constant 0 : i32
    %dma_start3A_145 = tpu.memref_slice %arg5[%dma_start3A_143, %dma_start3A_144] : memref<80x128xi32, #tpu.memory_space<vmem>> -> memref<2x128xi32, #tpu.memory_space<vmem>>
    %dma_start3A_146 = arith.constant 0 : i32
    %dma_start3A_147 = tpu.memref_slice %arg3[%dma_start3A_146, %add3A_137] : memref<2x160000xi32, #tpu.memory_space<hbm>> -> memref<2x128xi32, #tpu.memory_space<hbm>>
    tpu.enqueue_dma source(%dma_start3A_147 : memref<2x128xi32, #tpu.memory_space<hbm>>) target(%dma_start3A_145 : memref<2x128xi32, #tpu.memory_space<vmem>>) target_semaphore(%arg9 : memref<!tpu.dma_semaphore, #tpu.memory_space<semaphore_mem>>)
    %add3A_148 = arith.constant 1536 : i32
    %add3A_149 = arith.addi %mul3A_2, %add3A_148 : i32
    %dma_start3A_150 = arith.constant 24 : i32
    %dma_start3A_151 = arith.constant 0 : i32
    %dma_start3A_152 = tpu.memref_slice %arg5[%dma_start3A_150, %dma_start3A_151] : memref<80x128xi32, #tpu.memory_space<vmem>> -> memref<2x128xi32, #tpu.memory_space<vmem>>
    %dma_start3A_153 = arith.constant 0 : i32
    %dma_start3A_154 = tpu.memref_slice %arg3[%dma_start3A_153, %add3A_149] : memref<2x160000xi32, #tpu.memory_space<hbm>> -> memref<2x128xi32, #tpu.memory_space<hbm>>
    %dma_start3A_155 = arith.constant 24 : i32
    %dma_start3A_156 = arith.constant 0 : i32
    %dma_start3A_157 = tpu.memref_slice %arg5[%dma_start3A_155, %dma_start3A_156] : memref<80x128xi32, #tpu.memory_space<vmem>> -> memref<2x128xi32, #tpu.memory_space<vmem>>
    %dma_start3A_158 = arith.constant 0 : i32
    %dma_start3A_159 = tpu.memref_slice %arg3[%dma_start3A_158, %add3A_149] : memref<2x160000xi32, #tpu.memory_space<hbm>> -> memref<2x128xi32, #tpu.memory_space<hbm>>
    tpu.enqueue_dma source(%dma_start3A_159 : memref<2x128xi32, #tpu.memory_space<hbm>>) target(%dma_start3A_157 : memref<2x128xi32, #tpu.memory_space<vmem>>) target_semaphore(%arg9 : memref<!tpu.dma_semaphore, #tpu.memory_space<semaphore_mem>>)
    %add3A_160 = arith.constant 1664 : i32
    %add3A_161 = arith.addi %mul3A_2, %add3A_160 : i32
    %dma_start3A_162 = arith.constant 26 : i32
    %dma_start3A_163 = arith.constant 0 : i32
    %dma_start3A_164 = tpu.memref_slice %arg5[%dma_start3A_162, %dma_start3A_163] : memref<80x128xi32, #tpu.memory_space<vmem>> -> memref<2x128xi32, #tpu.memory_space<vmem>>
    %dma_start3A_165 = arith.constant 0 : i32
    %dma_start3A_166 = tpu.memref_slice %arg3[%dma_start3A_165, %add3A_161] : memref<2x160000xi32, #tpu.memory_space<hbm>> -> memref<2x128xi32, #tpu.memory_space<hbm>>
    %dma_start3A_167 = arith.constant 26 : i32
    %dma_start3A_168 = arith.constant 0 : i32
    %dma_start3A_169 = tpu.memref_slice %arg5[%dma_start3A_167, %dma_start3A_168] : memref<80x128xi32, #tpu.memory_space<vmem>> -> memref<2x128xi32, #tpu.memory_space<vmem>>
    %dma_start3A_170 = arith.constant 0 : i32
    %dma_start3A_171 = tpu.memref_slice %arg3[%dma_start3A_170, %add3A_161] : memref<2x160000xi32, #tpu.memory_space<hbm>> -> memref<2x128xi32, #tpu.memory_space<hbm>>
    tpu.enqueue_dma source(%dma_start3A_171 : memref<2x128xi32, #tpu.memory_space<hbm>>) target(%dma_start3A_169 : memref<2x128xi32, #tpu.memory_space<vmem>>) target_semaphore(%arg9 : memref<!tpu.dma_semaphore, #tpu.memory_space<semaphore_mem>>)
    %add3A_172 = arith.constant 1792 : i32
    %add3A_173 = arith.addi %mul3A_2, %add3A_172 : i32
    %dma_start3A_174 = arith.constant 28 : i32
    %dma_start3A_175 = arith.constant 0 : i32
    %dma_start3A_176 = tpu.memref_slice %arg5[%dma_start3A_174, %dma_start3A_175] : memref<80x128xi32, #tpu.memory_space<vmem>> -> memref<2x128xi32, #tpu.memory_space<vmem>>
    %dma_start3A_177 = arith.constant 0 : i32
    %dma_start3A_178 = tpu.memref_slice %arg3[%dma_start3A_177, %add3A_173] : memref<2x160000xi32, #tpu.memory_space<hbm>> -> memref<2x128xi32, #tpu.memory_space<hbm>>
    %dma_start3A_179 = arith.constant 28 : i32
    %dma_start3A_180 = arith.constant 0 : i32
    %dma_start3A_181 = tpu.memref_slice %arg5[%dma_start3A_179, %dma_start3A_180] : memref<80x128xi32, #tpu.memory_space<vmem>> -> memref<2x128xi32, #tpu.memory_space<vmem>>
    %dma_start3A_182 = arith.constant 0 : i32
    %dma_start3A_183 = tpu.memref_slice %arg3[%dma_start3A_182, %add3A_173] : memref<2x160000xi32, #tpu.memory_space<hbm>> -> memref<2x128xi32, #tpu.memory_space<hbm>>
    tpu.enqueue_dma source(%dma_start3A_183 : memref<2x128xi32, #tpu.memory_space<hbm>>) target(%dma_start3A_181 : memref<2x128xi32, #tpu.memory_space<vmem>>) target_semaphore(%arg9 : memref<!tpu.dma_semaphore, #tpu.memory_space<semaphore_mem>>)
    %add3A_184 = arith.constant 1920 : i32
    %add3A_185 = arith.addi %mul3A_2, %add3A_184 : i32
    %dma_start3A_186 = arith.constant 30 : i32
    %dma_start3A_187 = arith.constant 0 : i32
    %dma_start3A_188 = tpu.memref_slice %arg5[%dma_start3A_186, %dma_start3A_187] : memref<80x128xi32, #tpu.memory_space<vmem>> -> memref<2x128xi32, #tpu.memory_space<vmem>>
    %dma_start3A_189 = arith.constant 0 : i32
    %dma_start3A_190 = tpu.memref_slice %arg3[%dma_start3A_189, %add3A_185] : memref<2x160000xi32, #tpu.memory_space<hbm>> -> memref<2x128xi32, #tpu.memory_space<hbm>>
    %dma_start3A_191 = arith.constant 30 : i32
    %dma_start3A_192 = arith.constant 0 : i32
    %dma_start3A_193 = tpu.memref_slice %arg5[%dma_start3A_191, %dma_start3A_192] : memref<80x128xi32, #tpu.memory_space<vmem>> -> memref<2x128xi32, #tpu.memory_space<vmem>>
    %dma_start3A_194 = arith.constant 0 : i32
    %dma_start3A_195 = tpu.memref_slice %arg3[%dma_start3A_194, %add3A_185] : memref<2x160000xi32, #tpu.memory_space<hbm>> -> memref<2x128xi32, #tpu.memory_space<hbm>>
    tpu.enqueue_dma source(%dma_start3A_195 : memref<2x128xi32, #tpu.memory_space<hbm>>) target(%dma_start3A_193 : memref<2x128xi32, #tpu.memory_space<vmem>>) target_semaphore(%arg9 : memref<!tpu.dma_semaphore, #tpu.memory_space<semaphore_mem>>)
    %add3A_196 = arith.constant 2048 : i32
    %add3A_197 = arith.addi %mul3A_2, %add3A_196 : i32
    %dma_start3A_198 = arith.constant 32 : i32
    %dma_start3A_199 = arith.constant 0 : i32
    %dma_start3A_200 = tpu.memref_slice %arg5[%dma_start3A_198, %dma_start3A_199] : memref<80x128xi32, #tpu.memory_space<vmem>> -> memref<2x128xi32, #tpu.memory_space<vmem>>
    %dma_start3A_201 = arith.constant 0 : i32
    %dma_start3A_202 = tpu.memref_slice %arg3[%dma_start3A_201, %add3A_197] : memref<2x160000xi32, #tpu.memory_space<hbm>> -> memref<2x128xi32, #tpu.memory_space<hbm>>
    %dma_start3A_203 = arith.constant 32 : i32
    %dma_start3A_204 = arith.constant 0 : i32
    %dma_start3A_205 = tpu.memref_slice %arg5[%dma_start3A_203, %dma_start3A_204] : memref<80x128xi32, #tpu.memory_space<vmem>> -> memref<2x128xi32, #tpu.memory_space<vmem>>
    %dma_start3A_206 = arith.constant 0 : i32
    %dma_start3A_207 = tpu.memref_slice %arg3[%dma_start3A_206, %add3A_197] : memref<2x160000xi32, #tpu.memory_space<hbm>> -> memref<2x128xi32, #tpu.memory_space<hbm>>
    tpu.enqueue_dma source(%dma_start3A_207 : memref<2x128xi32, #tpu.memory_space<hbm>>) target(%dma_start3A_205 : memref<2x128xi32, #tpu.memory_space<vmem>>) target_semaphore(%arg9 : memref<!tpu.dma_semaphore, #tpu.memory_space<semaphore_mem>>)
    %add3A_208 = arith.constant 2176 : i32
    %add3A_209 = arith.addi %mul3A_2, %add3A_208 : i32
    %dma_start3A_210 = arith.constant 34 : i32
    %dma_start3A_211 = arith.constant 0 : i32
    %dma_start3A_212 = tpu.memref_slice %arg5[%dma_start3A_210, %dma_start3A_211] : memref<80x128xi32, #tpu.memory_space<vmem>> -> memref<2x128xi32, #tpu.memory_space<vmem>>
    %dma_start3A_213 = arith.constant 0 : i32
    %dma_start3A_214 = tpu.memref_slice %arg3[%dma_start3A_213, %add3A_209] : memref<2x160000xi32, #tpu.memory_space<hbm>> -> memref<2x128xi32, #tpu.memory_space<hbm>>
    %dma_start3A_215 = arith.constant 34 : i32
    %dma_start3A_216 = arith.constant 0 : i32
    %dma_start3A_217 = tpu.memref_slice %arg5[%dma_start3A_215, %dma_start3A_216] : memref<80x128xi32, #tpu.memory_space<vmem>> -> memref<2x128xi32, #tpu.memory_space<vmem>>
    %dma_start3A_218 = arith.constant 0 : i32
    %dma_start3A_219 = tpu.memref_slice %arg3[%dma_start3A_218, %add3A_209] : memref<2x160000xi32, #tpu.memory_space<hbm>> -> memref<2x128xi32, #tpu.memory_space<hbm>>
    tpu.enqueue_dma source(%dma_start3A_219 : memref<2x128xi32, #tpu.memory_space<hbm>>) target(%dma_start3A_217 : memref<2x128xi32, #tpu.memory_space<vmem>>) target_semaphore(%arg9 : memref<!tpu.dma_semaphore, #tpu.memory_space<semaphore_mem>>)
    %add3A_220 = arith.constant 2304 : i32
    %add3A_221 = arith.addi %mul3A_2, %add3A_220 : i32
    %dma_start3A_222 = arith.constant 36 : i32
    %dma_start3A_223 = arith.constant 0 : i32
    %dma_start3A_224 = tpu.memref_slice %arg5[%dma_start3A_222, %dma_start3A_223] : memref<80x128xi32, #tpu.memory_space<vmem>> -> memref<2x128xi32, #tpu.memory_space<vmem>>
    %dma_start3A_225 = arith.constant 0 : i32
    %dma_start3A_226 = tpu.memref_slice %arg3[%dma_start3A_225, %add3A_221] : memref<2x160000xi32, #tpu.memory_space<hbm>> -> memref<2x128xi32, #tpu.memory_space<hbm>>
    %dma_start3A_227 = arith.constant 36 : i32
    %dma_start3A_228 = arith.constant 0 : i32
    %dma_start3A_229 = tpu.memref_slice %arg5[%dma_start3A_227, %dma_start3A_228] : memref<80x128xi32, #tpu.memory_space<vmem>> -> memref<2x128xi32, #tpu.memory_space<vmem>>
    %dma_start3A_230 = arith.constant 0 : i32
    %dma_start3A_231 = tpu.memref_slice %arg3[%dma_start3A_230, %add3A_221] : memref<2x160000xi32, #tpu.memory_space<hbm>> -> memref<2x128xi32, #tpu.memory_space<hbm>>
    tpu.enqueue_dma source(%dma_start3A_231 : memref<2x128xi32, #tpu.memory_space<hbm>>) target(%dma_start3A_229 : memref<2x128xi32, #tpu.memory_space<vmem>>) target_semaphore(%arg9 : memref<!tpu.dma_semaphore, #tpu.memory_space<semaphore_mem>>)
    %add3A_232 = arith.constant 2432 : i32
    %add3A_233 = arith.addi %mul3A_2, %add3A_232 : i32
    %dma_start3A_234 = arith.constant 38 : i32
    %dma_start3A_235 = arith.constant 0 : i32
    %dma_start3A_236 = tpu.memref_slice %arg5[%dma_start3A_234, %dma_start3A_235] : memref<80x128xi32, #tpu.memory_space<vmem>> -> memref<2x128xi32, #tpu.memory_space<vmem>>
    %dma_start3A_237 = arith.constant 0 : i32
    %dma_start3A_238 = tpu.memref_slice %arg3[%dma_start3A_237, %add3A_233] : memref<2x160000xi32, #tpu.memory_space<hbm>> -> memref<2x128xi32, #tpu.memory_space<hbm>>
    %dma_start3A_239 = arith.constant 38 : i32
    %dma_start3A_240 = arith.constant 0 : i32
    %dma_start3A_241 = tpu.memref_slice %arg5[%dma_start3A_239, %dma_start3A_240] : memref<80x128xi32, #tpu.memory_space<vmem>> -> memref<2x128xi32, #tpu.memory_space<vmem>>
    %dma_start3A_242 = arith.constant 0 : i32
    %dma_start3A_243 = tpu.memref_slice %arg3[%dma_start3A_242, %add3A_233] : memref<2x160000xi32, #tpu.memory_space<hbm>> -> memref<2x128xi32, #tpu.memory_space<hbm>>
    tpu.enqueue_dma source(%dma_start3A_243 : memref<2x128xi32, #tpu.memory_space<hbm>>) target(%dma_start3A_241 : memref<2x128xi32, #tpu.memory_space<vmem>>) target_semaphore(%arg9 : memref<!tpu.dma_semaphore, #tpu.memory_space<semaphore_mem>>)
    %add3A_244 = arith.constant 2560 : i32
    %add3A_245 = arith.addi %mul3A_2, %add3A_244 : i32
    %dma_start3A_246 = arith.constant 40 : i32
    %dma_start3A_247 = arith.constant 0 : i32
    %dma_start3A_248 = tpu.memref_slice %arg5[%dma_start3A_246, %dma_start3A_247] : memref<80x128xi32, #tpu.memory_space<vmem>> -> memref<2x128xi32, #tpu.memory_space<vmem>>
    %dma_start3A_249 = arith.constant 0 : i32
    %dma_start3A_250 = tpu.memref_slice %arg3[%dma_start3A_249, %add3A_245] : memref<2x160000xi32, #tpu.memory_space<hbm>> -> memref<2x128xi32, #tpu.memory_space<hbm>>
    %dma_start3A_251 = arith.constant 40 : i32
    %dma_start3A_252 = arith.constant 0 : i32
    %dma_start3A_253 = tpu.memref_slice %arg5[%dma_start3A_251, %dma_start3A_252] : memref<80x128xi32, #tpu.memory_space<vmem>> -> memref<2x128xi32, #tpu.memory_space<vmem>>
    %dma_start3A_254 = arith.constant 0 : i32
    %dma_start3A_255 = tpu.memref_slice %arg3[%dma_start3A_254, %add3A_245] : memref<2x160000xi32, #tpu.memory_space<hbm>> -> memref<2x128xi32, #tpu.memory_space<hbm>>
    tpu.enqueue_dma source(%dma_start3A_255 : memref<2x128xi32, #tpu.memory_space<hbm>>) target(%dma_start3A_253 : memref<2x128xi32, #tpu.memory_space<vmem>>) target_semaphore(%arg9 : memref<!tpu.dma_semaphore, #tpu.memory_space<semaphore_mem>>)
    %add3A_256 = arith.constant 2688 : i32
    %add3A_257 = arith.addi %mul3A_2, %add3A_256 : i32
    %dma_start3A_258 = arith.constant 42 : i32
    %dma_start3A_259 = arith.constant 0 : i32
    %dma_start3A_260 = tpu.memref_slice %arg5[%dma_start3A_258, %dma_start3A_259] : memref<80x128xi32, #tpu.memory_space<vmem>> -> memref<2x128xi32, #tpu.memory_space<vmem>>
    %dma_start3A_261 = arith.constant 0 : i32
    %dma_start3A_262 = tpu.memref_slice %arg3[%dma_start3A_261, %add3A_257] : memref<2x160000xi32, #tpu.memory_space<hbm>> -> memref<2x128xi32, #tpu.memory_space<hbm>>
    %dma_start3A_263 = arith.constant 42 : i32
    %dma_start3A_264 = arith.constant 0 : i32
    %dma_start3A_265 = tpu.memref_slice %arg5[%dma_start3A_263, %dma_start3A_264] : memref<80x128xi32, #tpu.memory_space<vmem>> -> memref<2x128xi32, #tpu.memory_space<vmem>>
    %dma_start3A_266 = arith.constant 0 : i32
    %dma_start3A_267 = tpu.memref_slice %arg3[%dma_start3A_266, %add3A_257] : memref<2x160000xi32, #tpu.memory_space<hbm>> -> memref<2x128xi32, #tpu.memory_space<hbm>>
    tpu.enqueue_dma source(%dma_start3A_267 : memref<2x128xi32, #tpu.memory_space<hbm>>) target(%dma_start3A_265 : memref<2x128xi32, #tpu.memory_space<vmem>>) target_semaphore(%arg9 : memref<!tpu.dma_semaphore, #tpu.memory_space<semaphore_mem>>)
    %add3A_268 = arith.constant 2816 : i32
    %add3A_269 = arith.addi %mul3A_2, %add3A_268 : i32
    %dma_start3A_270 = arith.constant 44 : i32
    %dma_start3A_271 = arith.constant 0 : i32
    %dma_start3A_272 = tpu.memref_slice %arg5[%dma_start3A_270, %dma_start3A_271] : memref<80x128xi32, #tpu.memory_space<vmem>> -> memref<2x128xi32, #tpu.memory_space<vmem>>
    %dma_start3A_273 = arith.constant 0 : i32
    %dma_start3A_274 = tpu.memref_slice %arg3[%dma_start3A_273, %add3A_269] : memref<2x160000xi32, #tpu.memory_space<hbm>> -> memref<2x128xi32, #tpu.memory_space<hbm>>
    %dma_start3A_275 = arith.constant 44 : i32
    %dma_start3A_276 = arith.constant 0 : i32
    %dma_start3A_277 = tpu.memref_slice %arg5[%dma_start3A_275, %dma_start3A_276] : memref<80x128xi32, #tpu.memory_space<vmem>> -> memref<2x128xi32, #tpu.memory_space<vmem>>
    %dma_start3A_278 = arith.constant 0 : i32
    %dma_start3A_279 = tpu.memref_slice %arg3[%dma_start3A_278, %add3A_269] : memref<2x160000xi32, #tpu.memory_space<hbm>> -> memref<2x128xi32, #tpu.memory_space<hbm>>
    tpu.enqueue_dma source(%dma_start3A_279 : memref<2x128xi32, #tpu.memory_space<hbm>>) target(%dma_start3A_277 : memref<2x128xi32, #tpu.memory_space<vmem>>) target_semaphore(%arg9 : memref<!tpu.dma_semaphore, #tpu.memory_space<semaphore_mem>>)
    %add3A_280 = arith.constant 2944 : i32
    %add3A_281 = arith.addi %mul3A_2, %add3A_280 : i32
    %dma_start3A_282 = arith.constant 46 : i32
    %dma_start3A_283 = arith.constant 0 : i32
    %dma_start3A_284 = tpu.memref_slice %arg5[%dma_start3A_282, %dma_start3A_283] : memref<80x128xi32, #tpu.memory_space<vmem>> -> memref<2x128xi32, #tpu.memory_space<vmem>>
    %dma_start3A_285 = arith.constant 0 : i32
    %dma_start3A_286 = tpu.memref_slice %arg3[%dma_start3A_285, %add3A_281] : memref<2x160000xi32, #tpu.memory_space<hbm>> -> memref<2x128xi32, #tpu.memory_space<hbm>>
    %dma_start3A_287 = arith.constant 46 : i32
    %dma_start3A_288 = arith.constant 0 : i32
    %dma_start3A_289 = tpu.memref_slice %arg5[%dma_start3A_287, %dma_start3A_288] : memref<80x128xi32, #tpu.memory_space<vmem>> -> memref<2x128xi32, #tpu.memory_space<vmem>>
    %dma_start3A_290 = arith.constant 0 : i32
    %dma_start3A_291 = tpu.memref_slice %arg3[%dma_start3A_290, %add3A_281] : memref<2x160000xi32, #tpu.memory_space<hbm>> -> memref<2x128xi32, #tpu.memory_space<hbm>>
    tpu.enqueue_dma source(%dma_start3A_291 : memref<2x128xi32, #tpu.memory_space<hbm>>) target(%dma_start3A_289 : memref<2x128xi32, #tpu.memory_space<vmem>>) target_semaphore(%arg9 : memref<!tpu.dma_semaphore, #tpu.memory_space<semaphore_mem>>)
    %add3A_292 = arith.constant 3072 : i32
    %add3A_293 = arith.addi %mul3A_2, %add3A_292 : i32
    %dma_start3A_294 = arith.constant 48 : i32
    %dma_start3A_295 = arith.constant 0 : i32
    %dma_start3A_296 = tpu.memref_slice %arg5[%dma_start3A_294, %dma_start3A_295] : memref<80x128xi32, #tpu.memory_space<vmem>> -> memref<2x128xi32, #tpu.memory_space<vmem>>
    %dma_start3A_297 = arith.constant 0 : i32
    %dma_start3A_298 = tpu.memref_slice %arg3[%dma_start3A_297, %add3A_293] : memref<2x160000xi32, #tpu.memory_space<hbm>> -> memref<2x128xi32, #tpu.memory_space<hbm>>
    %dma_start3A_299 = arith.constant 48 : i32
    %dma_start3A_300 = arith.constant 0 : i32
    %dma_start3A_301 = tpu.memref_slice %arg5[%dma_start3A_299, %dma_start3A_300] : memref<80x128xi32, #tpu.memory_space<vmem>> -> memref<2x128xi32, #tpu.memory_space<vmem>>
    %dma_start3A_302 = arith.constant 0 : i32
    %dma_start3A_303 = tpu.memref_slice %arg3[%dma_start3A_302, %add3A_293] : memref<2x160000xi32, #tpu.memory_space<hbm>> -> memref<2x128xi32, #tpu.memory_space<hbm>>
    tpu.enqueue_dma source(%dma_start3A_303 : memref<2x128xi32, #tpu.memory_space<hbm>>) target(%dma_start3A_301 : memref<2x128xi32, #tpu.memory_space<vmem>>) target_semaphore(%arg9 : memref<!tpu.dma_semaphore, #tpu.memory_space<semaphore_mem>>)
    %add3A_304 = arith.constant 3200 : i32
    %add3A_305 = arith.addi %mul3A_2, %add3A_304 : i32
    %dma_start3A_306 = arith.constant 50 : i32
    %dma_start3A_307 = arith.constant 0 : i32
    %dma_start3A_308 = tpu.memref_slice %arg5[%dma_start3A_306, %dma_start3A_307] : memref<80x128xi32, #tpu.memory_space<vmem>> -> memref<2x128xi32, #tpu.memory_space<vmem>>
    %dma_start3A_309 = arith.constant 0 : i32
    %dma_start3A_310 = tpu.memref_slice %arg3[%dma_start3A_309, %add3A_305] : memref<2x160000xi32, #tpu.memory_space<hbm>> -> memref<2x128xi32, #tpu.memory_space<hbm>>
    %dma_start3A_311 = arith.constant 50 : i32
    %dma_start3A_312 = arith.constant 0 : i32
    %dma_start3A_313 = tpu.memref_slice %arg5[%dma_start3A_311, %dma_start3A_312] : memref<80x128xi32, #tpu.memory_space<vmem>> -> memref<2x128xi32, #tpu.memory_space<vmem>>
    %dma_start3A_314 = arith.constant 0 : i32
    %dma_start3A_315 = tpu.memref_slice %arg3[%dma_start3A_314, %add3A_305] : memref<2x160000xi32, #tpu.memory_space<hbm>> -> memref<2x128xi32, #tpu.memory_space<hbm>>
    tpu.enqueue_dma source(%dma_start3A_315 : memref<2x128xi32, #tpu.memory_space<hbm>>) target(%dma_start3A_313 : memref<2x128xi32, #tpu.memory_space<vmem>>) target_semaphore(%arg9 : memref<!tpu.dma_semaphore, #tpu.memory_space<semaphore_mem>>)
    %add3A_316 = arith.constant 3328 : i32
    %add3A_317 = arith.addi %mul3A_2, %add3A_316 : i32
    %dma_start3A_318 = arith.constant 52 : i32
    %dma_start3A_319 = arith.constant 0 : i32
    %dma_start3A_320 = tpu.memref_slice %arg5[%dma_start3A_318, %dma_start3A_319] : memref<80x128xi32, #tpu.memory_space<vmem>> -> memref<2x128xi32, #tpu.memory_space<vmem>>
    %dma_start3A_321 = arith.constant 0 : i32
    %dma_start3A_322 = tpu.memref_slice %arg3[%dma_start3A_321, %add3A_317] : memref<2x160000xi32, #tpu.memory_space<hbm>> -> memref<2x128xi32, #tpu.memory_space<hbm>>
    %dma_start3A_323 = arith.constant 52 : i32
    %dma_start3A_324 = arith.constant 0 : i32
    %dma_start3A_325 = tpu.memref_slice %arg5[%dma_start3A_323, %dma_start3A_324] : memref<80x128xi32, #tpu.memory_space<vmem>> -> memref<2x128xi32, #tpu.memory_space<vmem>>
    %dma_start3A_326 = arith.constant 0 : i32
    %dma_start3A_327 = tpu.memref_slice %arg3[%dma_start3A_326, %add3A_317] : memref<2x160000xi32, #tpu.memory_space<hbm>> -> memref<2x128xi32, #tpu.memory_space<hbm>>
    tpu.enqueue_dma source(%dma_start3A_327 : memref<2x128xi32, #tpu.memory_space<hbm>>) target(%dma_start3A_325 : memref<2x128xi32, #tpu.memory_space<vmem>>) target_semaphore(%arg9 : memref<!tpu.dma_semaphore, #tpu.memory_space<semaphore_mem>>)
    %add3A_328 = arith.constant 3456 : i32
    %add3A_329 = arith.addi %mul3A_2, %add3A_328 : i32
    %dma_start3A_330 = arith.constant 54 : i32
    %dma_start3A_331 = arith.constant 0 : i32
    %dma_start3A_332 = tpu.memref_slice %arg5[%dma_start3A_330, %dma_start3A_331] : memref<80x128xi32, #tpu.memory_space<vmem>> -> memref<2x128xi32, #tpu.memory_space<vmem>>
    %dma_start3A_333 = arith.constant 0 : i32
    %dma_start3A_334 = tpu.memref_slice %arg3[%dma_start3A_333, %add3A_329] : memref<2x160000xi32, #tpu.memory_space<hbm>> -> memref<2x128xi32, #tpu.memory_space<hbm>>
    %dma_start3A_335 = arith.constant 54 : i32
    %dma_start3A_336 = arith.constant 0 : i32
    %dma_start3A_337 = tpu.memref_slice %arg5[%dma_start3A_335, %dma_start3A_336] : memref<80x128xi32, #tpu.memory_space<vmem>> -> memref<2x128xi32, #tpu.memory_space<vmem>>
    %dma_start3A_338 = arith.constant 0 : i32
    %dma_start3A_339 = tpu.memref_slice %arg3[%dma_start3A_338, %add3A_329] : memref<2x160000xi32, #tpu.memory_space<hbm>> -> memref<2x128xi32, #tpu.memory_space<hbm>>
    tpu.enqueue_dma source(%dma_start3A_339 : memref<2x128xi32, #tpu.memory_space<hbm>>) target(%dma_start3A_337 : memref<2x128xi32, #tpu.memory_space<vmem>>) target_semaphore(%arg9 : memref<!tpu.dma_semaphore, #tpu.memory_space<semaphore_mem>>)
    %add3A_340 = arith.constant 3584 : i32
    %add3A_341 = arith.addi %mul3A_2, %add3A_340 : i32
    %dma_start3A_342 = arith.constant 56 : i32
    %dma_start3A_343 = arith.constant 0 : i32
    %dma_start3A_344 = tpu.memref_slice %arg5[%dma_start3A_342, %dma_start3A_343] : memref<80x128xi32, #tpu.memory_space<vmem>> -> memref<2x128xi32, #tpu.memory_space<vmem>>
    %dma_start3A_345 = arith.constant 0 : i32
    %dma_start3A_346 = tpu.memref_slice %arg3[%dma_start3A_345, %add3A_341] : memref<2x160000xi32, #tpu.memory_space<hbm>> -> memref<2x128xi32, #tpu.memory_space<hbm>>
    %dma_start3A_347 = arith.constant 56 : i32
    %dma_start3A_348 = arith.constant 0 : i32
    %dma_start3A_349 = tpu.memref_slice %arg5[%dma_start3A_347, %dma_start3A_348] : memref<80x128xi32, #tpu.memory_space<vmem>> -> memref<2x128xi32, #tpu.memory_space<vmem>>
    %dma_start3A_350 = arith.constant 0 : i32
    %dma_start3A_351 = tpu.memref_slice %arg3[%dma_start3A_350, %add3A_341] : memref<2x160000xi32, #tpu.memory_space<hbm>> -> memref<2x128xi32, #tpu.memory_space<hbm>>
    tpu.enqueue_dma source(%dma_start3A_351 : memref<2x128xi32, #tpu.memory_space<hbm>>) target(%dma_start3A_349 : memref<2x128xi32, #tpu.memory_space<vmem>>) target_semaphore(%arg9 : memref<!tpu.dma_semaphore, #tpu.memory_space<semaphore_mem>>)
    %add3A_352 = arith.constant 3712 : i32
    %add3A_353 = arith.addi %mul3A_2, %add3A_352 : i32
    %dma_start3A_354 = arith.constant 58 : i32
    %dma_start3A_355 = arith.constant 0 : i32
    %dma_start3A_356 = tpu.memref_slice %arg5[%dma_start3A_354, %dma_start3A_355] : memref<80x128xi32, #tpu.memory_space<vmem>> -> memref<2x128xi32, #tpu.memory_space<vmem>>
    %dma_start3A_357 = arith.constant 0 : i32
    %dma_start3A_358 = tpu.memref_slice %arg3[%dma_start3A_357, %add3A_353] : memref<2x160000xi32, #tpu.memory_space<hbm>> -> memref<2x128xi32, #tpu.memory_space<hbm>>
    %dma_start3A_359 = arith.constant 58 : i32
    %dma_start3A_360 = arith.constant 0 : i32
    %dma_start3A_361 = tpu.memref_slice %arg5[%dma_start3A_359, %dma_start3A_360] : memref<80x128xi32, #tpu.memory_space<vmem>> -> memref<2x128xi32, #tpu.memory_space<vmem>>
    %dma_start3A_362 = arith.constant 0 : i32
    %dma_start3A_363 = tpu.memref_slice %arg3[%dma_start3A_362, %add3A_353] : memref<2x160000xi32, #tpu.memory_space<hbm>> -> memref<2x128xi32, #tpu.memory_space<hbm>>
    tpu.enqueue_dma source(%dma_start3A_363 : memref<2x128xi32, #tpu.memory_space<hbm>>) target(%dma_start3A_361 : memref<2x128xi32, #tpu.memory_space<vmem>>) target_semaphore(%arg9 : memref<!tpu.dma_semaphore, #tpu.memory_space<semaphore_mem>>)
    %add3A_364 = arith.constant 3840 : i32
    %add3A_365 = arith.addi %mul3A_2, %add3A_364 : i32
    %dma_start3A_366 = arith.constant 60 : i32
    %dma_start3A_367 = arith.constant 0 : i32
    %dma_start3A_368 = tpu.memref_slice %arg5[%dma_start3A_366, %dma_start3A_367] : memref<80x128xi32, #tpu.memory_space<vmem>> -> memref<2x128xi32, #tpu.memory_space<vmem>>
    %dma_start3A_369 = arith.constant 0 : i32
    %dma_start3A_370 = tpu.memref_slice %arg3[%dma_start3A_369, %add3A_365] : memref<2x160000xi32, #tpu.memory_space<hbm>> -> memref<2x128xi32, #tpu.memory_space<hbm>>
    %dma_start3A_371 = arith.constant 60 : i32
    %dma_start3A_372 = arith.constant 0 : i32
    %dma_start3A_373 = tpu.memref_slice %arg5[%dma_start3A_371, %dma_start3A_372] : memref<80x128xi32, #tpu.memory_space<vmem>> -> memref<2x128xi32, #tpu.memory_space<vmem>>
    %dma_start3A_374 = arith.constant 0 : i32
    %dma_start3A_375 = tpu.memref_slice %arg3[%dma_start3A_374, %add3A_365] : memref<2x160000xi32, #tpu.memory_space<hbm>> -> memref<2x128xi32, #tpu.memory_space<hbm>>
    tpu.enqueue_dma source(%dma_start3A_375 : memref<2x128xi32, #tpu.memory_space<hbm>>) target(%dma_start3A_373 : memref<2x128xi32, #tpu.memory_space<vmem>>) target_semaphore(%arg9 : memref<!tpu.dma_semaphore, #tpu.memory_space<semaphore_mem>>)
    %add3A_376 = arith.constant 3968 : i32
    %add3A_377 = arith.addi %mul3A_2, %add3A_376 : i32
    %dma_start3A_378 = arith.constant 62 : i32
    %dma_start3A_379 = arith.constant 0 : i32
    %dma_start3A_380 = tpu.memref_slice %arg5[%dma_start3A_378, %dma_start3A_379] : memref<80x128xi32, #tpu.memory_space<vmem>> -> memref<2x128xi32, #tpu.memory_space<vmem>>
    %dma_start3A_381 = arith.constant 0 : i32
    %dma_start3A_382 = tpu.memref_slice %arg3[%dma_start3A_381, %add3A_377] : memref<2x160000xi32, #tpu.memory_space<hbm>> -> memref<2x128xi32, #tpu.memory_space<hbm>>
    %dma_start3A_383 = arith.constant 62 : i32
    %dma_start3A_384 = arith.constant 0 : i32
    %dma_start3A_385 = tpu.memref_slice %arg5[%dma_start3A_383, %dma_start3A_384] : memref<80x128xi32, #tpu.memory_space<vmem>> -> memref<2x128xi32, #tpu.memory_space<vmem>>
    %dma_start3A_386 = arith.constant 0 : i32
    %dma_start3A_387 = tpu.memref_slice %arg3[%dma_start3A_386, %add3A_377] : memref<2x160000xi32, #tpu.memory_space<hbm>> -> memref<2x128xi32, #tpu.memory_space<hbm>>
    tpu.enqueue_dma source(%dma_start3A_387 : memref<2x128xi32, #tpu.memory_space<hbm>>) target(%dma_start3A_385 : memref<2x128xi32, #tpu.memory_space<vmem>>) target_semaphore(%arg9 : memref<!tpu.dma_semaphore, #tpu.memory_space<semaphore_mem>>)
    %add3A_388 = arith.constant 4096 : i32
    %add3A_389 = arith.addi %mul3A_2, %add3A_388 : i32
    %dma_start3A_390 = arith.constant 64 : i32
    %dma_start3A_391 = arith.constant 0 : i32
    %dma_start3A_392 = tpu.memref_slice %arg5[%dma_start3A_390, %dma_start3A_391] : memref<80x128xi32, #tpu.memory_space<vmem>> -> memref<2x128xi32, #tpu.memory_space<vmem>>
    %dma_start3A_393 = arith.constant 0 : i32
    %dma_start3A_394 = tpu.memref_slice %arg3[%dma_start3A_393, %add3A_389] : memref<2x160000xi32, #tpu.memory_space<hbm>> -> memref<2x128xi32, #tpu.memory_space<hbm>>
    %dma_start3A_395 = arith.constant 64 : i32
    %dma_start3A_396 = arith.constant 0 : i32
    %dma_start3A_397 = tpu.memref_slice %arg5[%dma_start3A_395, %dma_start3A_396] : memref<80x128xi32, #tpu.memory_space<vmem>> -> memref<2x128xi32, #tpu.memory_space<vmem>>
    %dma_start3A_398 = arith.constant 0 : i32
    %dma_start3A_399 = tpu.memref_slice %arg3[%dma_start3A_398, %add3A_389] : memref<2x160000xi32, #tpu.memory_space<hbm>> -> memref<2x128xi32, #tpu.memory_space<hbm>>
    tpu.enqueue_dma source(%dma_start3A_399 : memref<2x128xi32, #tpu.memory_space<hbm>>) target(%dma_start3A_397 : memref<2x128xi32, #tpu.memory_space<vmem>>) target_semaphore(%arg9 : memref<!tpu.dma_semaphore, #tpu.memory_space<semaphore_mem>>)
    %add3A_400 = arith.constant 4224 : i32
    %add3A_401 = arith.addi %mul3A_2, %add3A_400 : i32
    %dma_start3A_402 = arith.constant 66 : i32
    %dma_start3A_403 = arith.constant 0 : i32
    %dma_start3A_404 = tpu.memref_slice %arg5[%dma_start3A_402, %dma_start3A_403] : memref<80x128xi32, #tpu.memory_space<vmem>> -> memref<2x128xi32, #tpu.memory_space<vmem>>
    %dma_start3A_405 = arith.constant 0 : i32
    %dma_start3A_406 = tpu.memref_slice %arg3[%dma_start3A_405, %add3A_401] : memref<2x160000xi32, #tpu.memory_space<hbm>> -> memref<2x128xi32, #tpu.memory_space<hbm>>
    %dma_start3A_407 = arith.constant 66 : i32
    %dma_start3A_408 = arith.constant 0 : i32
    %dma_start3A_409 = tpu.memref_slice %arg5[%dma_start3A_407, %dma_start3A_408] : memref<80x128xi32, #tpu.memory_space<vmem>> -> memref<2x128xi32, #tpu.memory_space<vmem>>
    %dma_start3A_410 = arith.constant 0 : i32
    %dma_start3A_411 = tpu.memref_slice %arg3[%dma_start3A_410, %add3A_401] : memref<2x160000xi32, #tpu.memory_space<hbm>> -> memref<2x128xi32, #tpu.memory_space<hbm>>
    tpu.enqueue_dma source(%dma_start3A_411 : memref<2x128xi32, #tpu.memory_space<hbm>>) target(%dma_start3A_409 : memref<2x128xi32, #tpu.memory_space<vmem>>) target_semaphore(%arg9 : memref<!tpu.dma_semaphore, #tpu.memory_space<semaphore_mem>>)
    %add3A_412 = arith.constant 4352 : i32
    %add3A_413 = arith.addi %mul3A_2, %add3A_412 : i32
    %dma_start3A_414 = arith.constant 68 : i32
    %dma_start3A_415 = arith.constant 0 : i32
    %dma_start3A_416 = tpu.memref_slice %arg5[%dma_start3A_414, %dma_start3A_415] : memref<80x128xi32, #tpu.memory_space<vmem>> -> memref<2x128xi32, #tpu.memory_space<vmem>>
    %dma_start3A_417 = arith.constant 0 : i32
    %dma_start3A_418 = tpu.memref_slice %arg3[%dma_start3A_417, %add3A_413] : memref<2x160000xi32, #tpu.memory_space<hbm>> -> memref<2x128xi32, #tpu.memory_space<hbm>>
    %dma_start3A_419 = arith.constant 68 : i32
    %dma_start3A_420 = arith.constant 0 : i32
    %dma_start3A_421 = tpu.memref_slice %arg5[%dma_start3A_419, %dma_start3A_420] : memref<80x128xi32, #tpu.memory_space<vmem>> -> memref<2x128xi32, #tpu.memory_space<vmem>>
    %dma_start3A_422 = arith.constant 0 : i32
    %dma_start3A_423 = tpu.memref_slice %arg3[%dma_start3A_422, %add3A_413] : memref<2x160000xi32, #tpu.memory_space<hbm>> -> memref<2x128xi32, #tpu.memory_space<hbm>>
    tpu.enqueue_dma source(%dma_start3A_423 : memref<2x128xi32, #tpu.memory_space<hbm>>) target(%dma_start3A_421 : memref<2x128xi32, #tpu.memory_space<vmem>>) target_semaphore(%arg9 : memref<!tpu.dma_semaphore, #tpu.memory_space<semaphore_mem>>)
    %add3A_424 = arith.constant 4480 : i32
    %add3A_425 = arith.addi %mul3A_2, %add3A_424 : i32
    %dma_start3A_426 = arith.constant 70 : i32
    %dma_start3A_427 = arith.constant 0 : i32
    %dma_start3A_428 = tpu.memref_slice %arg5[%dma_start3A_426, %dma_start3A_427] : memref<80x128xi32, #tpu.memory_space<vmem>> -> memref<2x128xi32, #tpu.memory_space<vmem>>
    %dma_start3A_429 = arith.constant 0 : i32
    %dma_start3A_430 = tpu.memref_slice %arg3[%dma_start3A_429, %add3A_425] : memref<2x160000xi32, #tpu.memory_space<hbm>> -> memref<2x128xi32, #tpu.memory_space<hbm>>
    %dma_start3A_431 = arith.constant 70 : i32
    %dma_start3A_432 = arith.constant 0 : i32
    %dma_start3A_433 = tpu.memref_slice %arg5[%dma_start3A_431, %dma_start3A_432] : memref<80x128xi32, #tpu.memory_space<vmem>> -> memref<2x128xi32, #tpu.memory_space<vmem>>
    %dma_start3A_434 = arith.constant 0 : i32
    %dma_start3A_435 = tpu.memref_slice %arg3[%dma_start3A_434, %add3A_425] : memref<2x160000xi32, #tpu.memory_space<hbm>> -> memref<2x128xi32, #tpu.memory_space<hbm>>
    tpu.enqueue_dma source(%dma_start3A_435 : memref<2x128xi32, #tpu.memory_space<hbm>>) target(%dma_start3A_433 : memref<2x128xi32, #tpu.memory_space<vmem>>) target_semaphore(%arg9 : memref<!tpu.dma_semaphore, #tpu.memory_space<semaphore_mem>>)
    %add3A_436 = arith.constant 4608 : i32
    %add3A_437 = arith.addi %mul3A_2, %add3A_436 : i32
    %dma_start3A_438 = arith.constant 72 : i32
    %dma_start3A_439 = arith.constant 0 : i32
    %dma_start3A_440 = tpu.memref_slice %arg5[%dma_start3A_438, %dma_start3A_439] : memref<80x128xi32, #tpu.memory_space<vmem>> -> memref<2x128xi32, #tpu.memory_space<vmem>>
    %dma_start3A_441 = arith.constant 0 : i32
    %dma_start3A_442 = tpu.memref_slice %arg3[%dma_start3A_441, %add3A_437] : memref<2x160000xi32, #tpu.memory_space<hbm>> -> memref<2x128xi32, #tpu.memory_space<hbm>>
    %dma_start3A_443 = arith.constant 72 : i32
    %dma_start3A_444 = arith.constant 0 : i32
    %dma_start3A_445 = tpu.memref_slice %arg5[%dma_start3A_443, %dma_start3A_444] : memref<80x128xi32, #tpu.memory_space<vmem>> -> memref<2x128xi32, #tpu.memory_space<vmem>>
    %dma_start3A_446 = arith.constant 0 : i32
    %dma_start3A_447 = tpu.memref_slice %arg3[%dma_start3A_446, %add3A_437] : memref<2x160000xi32, #tpu.memory_space<hbm>> -> memref<2x128xi32, #tpu.memory_space<hbm>>
    tpu.enqueue_dma source(%dma_start3A_447 : memref<2x128xi32, #tpu.memory_space<hbm>>) target(%dma_start3A_445 : memref<2x128xi32, #tpu.memory_space<vmem>>) target_semaphore(%arg9 : memref<!tpu.dma_semaphore, #tpu.memory_space<semaphore_mem>>)
    %add3A_448 = arith.constant 4736 : i32
    %add3A_449 = arith.addi %mul3A_2, %add3A_448 : i32
    %dma_start3A_450 = arith.constant 74 : i32
    %dma_start3A_451 = arith.constant 0 : i32
    %dma_start3A_452 = tpu.memref_slice %arg5[%dma_start3A_450, %dma_start3A_451] : memref<80x128xi32, #tpu.memory_space<vmem>> -> memref<2x128xi32, #tpu.memory_space<vmem>>
    %dma_start3A_453 = arith.constant 0 : i32
    %dma_start3A_454 = tpu.memref_slice %arg3[%dma_start3A_453, %add3A_449] : memref<2x160000xi32, #tpu.memory_space<hbm>> -> memref<2x128xi32, #tpu.memory_space<hbm>>
    %dma_start3A_455 = arith.constant 74 : i32
    %dma_start3A_456 = arith.constant 0 : i32
    %dma_start3A_457 = tpu.memref_slice %arg5[%dma_start3A_455, %dma_start3A_456] : memref<80x128xi32, #tpu.memory_space<vmem>> -> memref<2x128xi32, #tpu.memory_space<vmem>>
    %dma_start3A_458 = arith.constant 0 : i32
    %dma_start3A_459 = tpu.memref_slice %arg3[%dma_start3A_458, %add3A_449] : memref<2x160000xi32, #tpu.memory_space<hbm>> -> memref<2x128xi32, #tpu.memory_space<hbm>>
    tpu.enqueue_dma source(%dma_start3A_459 : memref<2x128xi32, #tpu.memory_space<hbm>>) target(%dma_start3A_457 : memref<2x128xi32, #tpu.memory_space<vmem>>) target_semaphore(%arg9 : memref<!tpu.dma_semaphore, #tpu.memory_space<semaphore_mem>>)
    %add3A_460 = arith.constant 4864 : i32
    %add3A_461 = arith.addi %mul3A_2, %add3A_460 : i32
    %dma_start3A_462 = arith.constant 76 : i32
    %dma_start3A_463 = arith.constant 0 : i32
    %dma_start3A_464 = tpu.memref_slice %arg5[%dma_start3A_462, %dma_start3A_463] : memref<80x128xi32, #tpu.memory_space<vmem>> -> memref<2x128xi32, #tpu.memory_space<vmem>>
    %dma_start3A_465 = arith.constant 0 : i32
    %dma_start3A_466 = tpu.memref_slice %arg3[%dma_start3A_465, %add3A_461] : memref<2x160000xi32, #tpu.memory_space<hbm>> -> memref<2x128xi32, #tpu.memory_space<hbm>>
    %dma_start3A_467 = arith.constant 76 : i32
    %dma_start3A_468 = arith.constant 0 : i32
    %dma_start3A_469 = tpu.memref_slice %arg5[%dma_start3A_467, %dma_start3A_468] : memref<80x128xi32, #tpu.memory_space<vmem>> -> memref<2x128xi32, #tpu.memory_space<vmem>>
    %dma_start3A_470 = arith.constant 0 : i32
    %dma_start3A_471 = tpu.memref_slice %arg3[%dma_start3A_470, %add3A_461] : memref<2x160000xi32, #tpu.memory_space<hbm>> -> memref<2x128xi32, #tpu.memory_space<hbm>>
    tpu.enqueue_dma source(%dma_start3A_471 : memref<2x128xi32, #tpu.memory_space<hbm>>) target(%dma_start3A_469 : memref<2x128xi32, #tpu.memory_space<vmem>>) target_semaphore(%arg9 : memref<!tpu.dma_semaphore, #tpu.memory_space<semaphore_mem>>)
    %lt3A = arith.constant 2 : i32
    %lt3A_472 = arith.cmpi slt, %add3A, %lt3A : i32
    %convert_element_type3A = arith.extui %lt3A_472 : i1 to i32
    %cond3A = arith.constant 0 : i32
    %cond3A_473 = arith.cmpi ne, %convert_element_type3A, %cond3A : i32
    scf.if %cond3A_473 {
      %mul3A_930 = arith.constant 128 : i32
      %mul3A_931 = arith.muli %add3A, %mul3A_930 : i32
      %add3A_932 = arith.constant 159744 : i32
      %add3A_933 = arith.addi %add3A_932, %mul3A_931 : i32
      "tpu.region"() ({
        %run_scoped3A = tpu.sem_alloc : memref<!tpu.dma_semaphore, #tpu.memory_space<semaphore_mem>>
        %dma_start3A_934 = arith.constant 78 : i32
        %dma_start3A_935 = arith.constant 0 : i32
        %dma_start3A_936 = tpu.memref_slice %arg5[%dma_start3A_934, %dma_start3A_935] : memref<80x128xi32, #tpu.memory_space<vmem>> -> memref<2x128xi32, #tpu.memory_space<vmem>>
        %dma_start3A_937 = arith.constant 0 : i32
        %dma_start3A_938 = tpu.memref_slice %arg3[%dma_start3A_937, %add3A_933] : memref<2x160000xi32, #tpu.memory_space<hbm>> -> memref<2x128xi32, #tpu.memory_space<hbm>>
        %dma_start3A_939 = arith.constant 78 : i32
        %dma_start3A_940 = arith.constant 0 : i32
        %dma_start3A_941 = tpu.memref_slice %arg5[%dma_start3A_939, %dma_start3A_940] : memref<80x128xi32, #tpu.memory_space<vmem>> -> memref<2x128xi32, #tpu.memory_space<vmem>>
        %dma_start3A_942 = arith.constant 0 : i32
        %dma_start3A_943 = tpu.memref_slice %arg3[%dma_start3A_942, %add3A_933] : memref<2x160000xi32, #tpu.memory_space<hbm>> -> memref<2x128xi32, #tpu.memory_space<hbm>>
        tpu.enqueue_dma source(%dma_start3A_943 : memref<2x128xi32, #tpu.memory_space<hbm>>) target(%dma_start3A_941 : memref<2x128xi32, #tpu.memory_space<vmem>>) target_semaphore(%run_scoped3A : memref<!tpu.dma_semaphore, #tpu.memory_space<semaphore_mem>>)
        %dma_wait3A_944 = arith.constant 78 : i32
        %dma_wait3A_945 = arith.constant 0 : i32
        %dma_wait3A_946 = tpu.memref_slice %arg5[%dma_wait3A_944, %dma_wait3A_945] : memref<80x128xi32, #tpu.memory_space<vmem>> -> memref<2x128xi32, #tpu.memory_space<vmem>>
        %dma_wait3A_947 = arith.constant 0 : i32
        %dma_wait3A_948 = tpu.memref_slice %arg3[%dma_wait3A_947, %add3A_933] : memref<2x160000xi32, #tpu.memory_space<hbm>> -> memref<2x128xi32, #tpu.memory_space<hbm>>
        %dma_wait3A_949 = arith.constant 78 : i32
        %dma_wait3A_950 = arith.constant 0 : i32
        %dma_wait3A_951 = tpu.memref_slice %arg5[%dma_wait3A_949, %dma_wait3A_950] : memref<80x128xi32, #tpu.memory_space<vmem>> -> memref<2x128xi32, #tpu.memory_space<vmem>>
        %dma_wait3A_952 = arith.constant 0 : i32
        %dma_wait3A_953 = tpu.memref_slice %arg3[%dma_wait3A_952, %add3A_933] : memref<2x160000xi32, #tpu.memory_space<hbm>> -> memref<2x128xi32, #tpu.memory_space<hbm>>
        tpu.wait_dma2 semaphore(%run_scoped3A : memref<!tpu.dma_semaphore, #tpu.memory_space<semaphore_mem>>) src(%dma_wait3A_953 : memref<2x128xi32, #tpu.memory_space<hbm>>) dst(%dma_wait3A_951 : memref<2x128xi32, #tpu.memory_space<vmem>>)
        tpu.yield
      }) : () -> ()
    } else {
    }
    %scan3A = arith.constant 0 : i32
    %scan3A_474 = arith.constant 0 : i32
    %scan3A_475 = arith.constant 1024 : i32
    %scan3A_476 = arith.addi %scan3A_474, %scan3A_475 : i32
    %scan3A_477 = arith.constant 1 : i32
    %scan3A_478 = scf.for %scan3A_930 = %scan3A_474 to %scan3A_476 step %scan3A_477 iter_args(%scan3A_931 = %scan3A) -> (i32)  : i32 {
      %broadcast_in_dim3A = arith.constant 0.000000e+00 : f32
      %broadcast_in_dim3A_932 = vector.broadcast %broadcast_in_dim3A : f32 to vector<16xf32>
      %shift_right_logical3A = arith.constant 3 : i32
      %shift_right_logical3A_933 = arith.shrui %scan3A_930, %shift_right_logical3A : i32
      %and3A = arith.constant 7 : i32
      %and3A_934 = arith.andi %scan3A_930, %and3A : i32
      %mul3A_935 = arith.constant 16 : i32
      %mul3A_936 = arith.muli %and3A_934, %mul3A_935 : i32
      %swap3A = arith.index_cast %shift_right_logical3A_933 : i32 to index
      %swap3A_937 = arith.index_cast %mul3A_936 : i32 to index
      %swap3A_938 = tpu.vector_load %arg6[%swap3A, %swap3A_937] {strides = array<i32>} : memref<128x128xf32, #tpu.memory_space<vmem>>, vector<16xf32>,
      tpu.vector_store %arg6[%swap3A, %swap3A_937], %broadcast_in_dim3A_932 {strides = array<i32>} : memref<128x128xf32, #tpu.memory_space<vmem>>, vector<16xf32>,
      %scan3A_939 = arith.constant 0 : i32
      scf.yield %scan3A_939 : i32
    }
    %scan3A_479 = arith.constant 1024 : i32
    %add3A_480 = arith.constant 0 : i32
    %add3A_481 = arith.addi %mul3A_4, %add3A_480 : i32
    "tpu.region"() ({
      %run_scoped3A = tpu.sem_alloc : memref<!tpu.dma_semaphore, #tpu.memory_space<semaphore_mem>>
      %dma_start3A_930 = arith.constant 0 : i32
      %dma_start3A_931 = tpu.memref_slice %arg8[%add3A_481, %dma_start3A_930] : memref<10240x128xf32, #tpu.memory_space<vmem_shared>> -> memref<128x128xf32, #tpu.memory_space<vmem_shared>>
      %dma_start3A_932 = arith.constant 0 : i32
      %dma_start3A_933 = tpu.memref_slice %arg8[%add3A_481, %dma_start3A_932] : memref<10240x128xf32, #tpu.memory_space<vmem_shared>> -> memref<128x128xf32, #tpu.memory_space<vmem_shared>>
      tpu.enqueue_dma source(%arg6 : memref<128x128xf32, #tpu.memory_space<vmem>>) target(%dma_start3A_933 : memref<128x128xf32, #tpu.memory_space<vmem_shared>>) target_semaphore(%run_scoped3A : memref<!tpu.dma_semaphore, #tpu.memory_space<semaphore_mem>>)
      %dma_wait3A_934 = arith.constant 0 : i32
      %dma_wait3A_935 = tpu.memref_slice %arg8[%add3A_481, %dma_wait3A_934] : memref<10240x128xf32, #tpu.memory_space<vmem_shared>> -> memref<128x128xf32, #tpu.memory_space<vmem_shared>>
      %dma_wait3A_936 = arith.constant 0 : i32
      %dma_wait3A_937 = tpu.memref_slice %arg8[%add3A_481, %dma_wait3A_936] : memref<10240x128xf32, #tpu.memory_space<vmem_shared>> -> memref<128x128xf32, #tpu.memory_space<vmem_shared>>
      tpu.wait_dma2 semaphore(%run_scoped3A : memref<!tpu.dma_semaphore, #tpu.memory_space<semaphore_mem>>) src(%arg6 : memref<128x128xf32, #tpu.memory_space<vmem>>) dst(%dma_wait3A_937 : memref<128x128xf32, #tpu.memory_space<vmem_shared>>)
      tpu.yield
    }) : () -> ()
    %add3A_482 = arith.constant 128 : i32
    %add3A_483 = arith.addi %mul3A_4, %add3A_482 : i32
    "tpu.region"() ({
      %run_scoped3A = tpu.sem_alloc : memref<!tpu.dma_semaphore, #tpu.memory_space<semaphore_mem>>
      %dma_start3A_930 = arith.constant 0 : i32
      %dma_start3A_931 = tpu.memref_slice %arg8[%add3A_483, %dma_start3A_930] : memref<10240x128xf32, #tpu.memory_space<vmem_shared>> -> memref<128x128xf32, #tpu.memory_space<vmem_shared>>
      %dma_start3A_932 = arith.constant 0 : i32
      %dma_start3A_933 = tpu.memref_slice %arg8[%add3A_483, %dma_start3A_932] : memref<10240x128xf32, #tpu.memory_space<vmem_shared>> -> memref<128x128xf32, #tpu.memory_space<vmem_shared>>
      tpu.enqueue_dma source(%arg6 : memref<128x128xf32, #tpu.memory_space<vmem>>) target(%dma_start3A_933 : memref<128x128xf32, #tpu.memory_space<vmem_shared>>) target_semaphore(%run_scoped3A : memref<!tpu.dma_semaphore, #tpu.memory_space<semaphore_mem>>)
      %dma_wait3A_934 = arith.constant 0 : i32
      %dma_wait3A_935 = tpu.memref_slice %arg8[%add3A_483, %dma_wait3A_934] : memref<10240x128xf32, #tpu.memory_space<vmem_shared>> -> memref<128x128xf32, #tpu.memory_space<vmem_shared>>
      %dma_wait3A_936 = arith.constant 0 : i32
      %dma_wait3A_937 = tpu.memref_slice %arg8[%add3A_483, %dma_wait3A_936] : memref<10240x128xf32, #tpu.memory_space<vmem_shared>> -> memref<128x128xf32, #tpu.memory_space<vmem_shared>>
      tpu.wait_dma2 semaphore(%run_scoped3A : memref<!tpu.dma_semaphore, #tpu.memory_space<semaphore_mem>>) src(%arg6 : memref<128x128xf32, #tpu.memory_space<vmem>>) dst(%dma_wait3A_937 : memref<128x128xf32, #tpu.memory_space<vmem_shared>>)
      tpu.yield
    }) : () -> ()
    %add3A_484 = arith.constant 256 : i32
    %add3A_485 = arith.addi %mul3A_4, %add3A_484 : i32
    "tpu.region"() ({
      %run_scoped3A = tpu.sem_alloc : memref<!tpu.dma_semaphore, #tpu.memory_space<semaphore_mem>>
      %dma_start3A_930 = arith.constant 0 : i32
      %dma_start3A_931 = tpu.memref_slice %arg8[%add3A_485, %dma_start3A_930] : memref<10240x128xf32, #tpu.memory_space<vmem_shared>> -> memref<128x128xf32, #tpu.memory_space<vmem_shared>>
      %dma_start3A_932 = arith.constant 0 : i32
      %dma_start3A_933 = tpu.memref_slice %arg8[%add3A_485, %dma_start3A_932] : memref<10240x128xf32, #tpu.memory_space<vmem_shared>> -> memref<128x128xf32, #tpu.memory_space<vmem_shared>>
      tpu.enqueue_dma source(%arg6 : memref<128x128xf32, #tpu.memory_space<vmem>>) target(%dma_start3A_933 : memref<128x128xf32, #tpu.memory_space<vmem_shared>>) target_semaphore(%run_scoped3A : memref<!tpu.dma_semaphore, #tpu.memory_space<semaphore_mem>>)
      %dma_wait3A_934 = arith.constant 0 : i32
      %dma_wait3A_935 = tpu.memref_slice %arg8[%add3A_485, %dma_wait3A_934] : memref<10240x128xf32, #tpu.memory_space<vmem_shared>> -> memref<128x128xf32, #tpu.memory_space<vmem_shared>>
      %dma_wait3A_936 = arith.constant 0 : i32
      %dma_wait3A_937 = tpu.memref_slice %arg8[%add3A_485, %dma_wait3A_936] : memref<10240x128xf32, #tpu.memory_space<vmem_shared>> -> memref<128x128xf32, #tpu.memory_space<vmem_shared>>
      tpu.wait_dma2 semaphore(%run_scoped3A : memref<!tpu.dma_semaphore, #tpu.memory_space<semaphore_mem>>) src(%arg6 : memref<128x128xf32, #tpu.memory_space<vmem>>) dst(%dma_wait3A_937 : memref<128x128xf32, #tpu.memory_space<vmem_shared>>)
      tpu.yield
    }) : () -> ()
    %add3A_486 = arith.constant 384 : i32
    %add3A_487 = arith.addi %mul3A_4, %add3A_486 : i32
    "tpu.region"() ({
      %run_scoped3A = tpu.sem_alloc : memref<!tpu.dma_semaphore, #tpu.memory_space<semaphore_mem>>
      %dma_start3A_930 = arith.constant 0 : i32
      %dma_start3A_931 = tpu.memref_slice %arg8[%add3A_487, %dma_start3A_930] : memref<10240x128xf32, #tpu.memory_space<vmem_shared>> -> memref<128x128xf32, #tpu.memory_space<vmem_shared>>
      %dma_start3A_932 = arith.constant 0 : i32
      %dma_start3A_933 = tpu.memref_slice %arg8[%add3A_487, %dma_start3A_932] : memref<10240x128xf32, #tpu.memory_space<vmem_shared>> -> memref<128x128xf32, #tpu.memory_space<vmem_shared>>
      tpu.enqueue_dma source(%arg6 : memref<128x128xf32, #tpu.memory_space<vmem>>) target(%dma_start3A_933 : memref<128x128xf32, #tpu.memory_space<vmem_shared>>) target_semaphore(%run_scoped3A : memref<!tpu.dma_semaphore, #tpu.memory_space<semaphore_mem>>)
      %dma_wait3A_934 = arith.constant 0 : i32
      %dma_wait3A_935 = tpu.memref_slice %arg8[%add3A_487, %dma_wait3A_934] : memref<10240x128xf32, #tpu.memory_space<vmem_shared>> -> memref<128x128xf32, #tpu.memory_space<vmem_shared>>
      %dma_wait3A_936 = arith.constant 0 : i32
      %dma_wait3A_937 = tpu.memref_slice %arg8[%add3A_487, %dma_wait3A_936] : memref<10240x128xf32, #tpu.memory_space<vmem_shared>> -> memref<128x128xf32, #tpu.memory_space<vmem_shared>>
      tpu.wait_dma2 semaphore(%run_scoped3A : memref<!tpu.dma_semaphore, #tpu.memory_space<semaphore_mem>>) src(%arg6 : memref<128x128xf32, #tpu.memory_space<vmem>>) dst(%dma_wait3A_937 : memref<128x128xf32, #tpu.memory_space<vmem_shared>>)
      tpu.yield
    }) : () -> ()
    %add3A_488 = arith.constant 512 : i32
    %add3A_489 = arith.addi %mul3A_4, %add3A_488 : i32
    "tpu.region"() ({
      %run_scoped3A = tpu.sem_alloc : memref<!tpu.dma_semaphore, #tpu.memory_space<semaphore_mem>>
      %dma_start3A_930 = arith.constant 0 : i32
      %dma_start3A_931 = tpu.memref_slice %arg8[%add3A_489, %dma_start3A_930] : memref<10240x128xf32, #tpu.memory_space<vmem_shared>> -> memref<128x128xf32, #tpu.memory_space<vmem_shared>>
      %dma_start3A_932 = arith.constant 0 : i32
      %dma_start3A_933 = tpu.memref_slice %arg8[%add3A_489, %dma_start3A_932] : memref<10240x128xf32, #tpu.memory_space<vmem_shared>> -> memref<128x128xf32, #tpu.memory_space<vmem_shared>>
      tpu.enqueue_dma source(%arg6 : memref<128x128xf32, #tpu.memory_space<vmem>>) target(%dma_start3A_933 : memref<128x128xf32, #tpu.memory_space<vmem_shared>>) target_semaphore(%run_scoped3A : memref<!tpu.dma_semaphore, #tpu.memory_space<semaphore_mem>>)
      %dma_wait3A_934 = arith.constant 0 : i32
      %dma_wait3A_935 = tpu.memref_slice %arg8[%add3A_489, %dma_wait3A_934] : memref<10240x128xf32, #tpu.memory_space<vmem_shared>> -> memref<128x128xf32, #tpu.memory_space<vmem_shared>>
      %dma_wait3A_936 = arith.constant 0 : i32
      %dma_wait3A_937 = tpu.memref_slice %arg8[%add3A_489, %dma_wait3A_936] : memref<10240x128xf32, #tpu.memory_space<vmem_shared>> -> memref<128x128xf32, #tpu.memory_space<vmem_shared>>
      tpu.wait_dma2 semaphore(%run_scoped3A : memref<!tpu.dma_semaphore, #tpu.memory_space<semaphore_mem>>) src(%arg6 : memref<128x128xf32, #tpu.memory_space<vmem>>) dst(%dma_wait3A_937 : memref<128x128xf32, #tpu.memory_space<vmem_shared>>)
      tpu.yield
    }) : () -> ()
    %dma_wait3A = arith.constant 0 : i32
    %dma_wait3A_490 = arith.constant 0 : i32
    %dma_wait3A_491 = tpu.memref_slice %arg5[%dma_wait3A, %dma_wait3A_490] : memref<80x128xi32, #tpu.memory_space<vmem>> -> memref<2x128xi32, #tpu.memory_space<vmem>>
    %dma_wait3A_492 = arith.constant 0 : i32
    %dma_wait3A_493 = tpu.memref_slice %arg3[%dma_wait3A_492, %add3A_6] : memref<2x160000xi32, #tpu.memory_space<hbm>> -> memref<2x128xi32, #tpu.memory_space<hbm>>
    %dma_wait3A_494 = arith.constant 0 : i32
    %dma_wait3A_495 = arith.constant 0 : i32
    %dma_wait3A_496 = tpu.memref_slice %arg5[%dma_wait3A_494, %dma_wait3A_495] : memref<80x128xi32, #tpu.memory_space<vmem>> -> memref<2x128xi32, #tpu.memory_space<vmem>>
    %dma_wait3A_497 = arith.constant 0 : i32
    %dma_wait3A_498 = tpu.memref_slice %arg3[%dma_wait3A_497, %add3A_6] : memref<2x160000xi32, #tpu.memory_space<hbm>> -> memref<2x128xi32, #tpu.memory_space<hbm>>
    tpu.wait_dma2 semaphore(%arg9 : memref<!tpu.dma_semaphore, #tpu.memory_space<semaphore_mem>>) src(%dma_wait3A_498 : memref<2x128xi32, #tpu.memory_space<hbm>>) dst(%dma_wait3A_496 : memref<2x128xi32, #tpu.memory_space<vmem>>)
    %dma_wait3A_499 = arith.constant 2 : i32
    %dma_wait3A_500 = arith.constant 0 : i32
    %dma_wait3A_501 = tpu.memref_slice %arg5[%dma_wait3A_499, %dma_wait3A_500] : memref<80x128xi32, #tpu.memory_space<vmem>> -> memref<2x128xi32, #tpu.memory_space<vmem>>
    %dma_wait3A_502 = arith.constant 0 : i32
    %dma_wait3A_503 = tpu.memref_slice %arg3[%dma_wait3A_502, %add3A_17] : memref<2x160000xi32, #tpu.memory_space<hbm>> -> memref<2x128xi32, #tpu.memory_space<hbm>>
    %dma_wait3A_504 = arith.constant 2 : i32
    %dma_wait3A_505 = arith.constant 0 : i32
    %dma_wait3A_506 = tpu.memref_slice %arg5[%dma_wait3A_504, %dma_wait3A_505] : memref<80x128xi32, #tpu.memory_space<vmem>> -> memref<2x128xi32, #tpu.memory_space<vmem>>
    %dma_wait3A_507 = arith.constant 0 : i32
    %dma_wait3A_508 = tpu.memref_slice %arg3[%dma_wait3A_507, %add3A_17] : memref<2x160000xi32, #tpu.memory_space<hbm>> -> memref<2x128xi32, #tpu.memory_space<hbm>>
    tpu.wait_dma2 semaphore(%arg9 : memref<!tpu.dma_semaphore, #tpu.memory_space<semaphore_mem>>) src(%dma_wait3A_508 : memref<2x128xi32, #tpu.memory_space<hbm>>) dst(%dma_wait3A_506 : memref<2x128xi32, #tpu.memory_space<vmem>>)
    %dma_wait3A_509 = arith.constant 4 : i32
    %dma_wait3A_510 = arith.constant 0 : i32
    %dma_wait3A_511 = tpu.memref_slice %arg5[%dma_wait3A_509, %dma_wait3A_510] : memref<80x128xi32, #tpu.memory_space<vmem>> -> memref<2x128xi32, #tpu.memory_space<vmem>>
    %dma_wait3A_512 = arith.constant 0 : i32
    %dma_wait3A_513 = tpu.memref_slice %arg3[%dma_wait3A_512, %add3A_29] : memref<2x160000xi32, #tpu.memory_space<hbm>> -> memref<2x128xi32, #tpu.memory_space<hbm>>
    %dma_wait3A_514 = arith.constant 4 : i32
    %dma_wait3A_515 = arith.constant 0 : i32
    %dma_wait3A_516 = tpu.memref_slice %arg5[%dma_wait3A_514, %dma_wait3A_515] : memref<80x128xi32, #tpu.memory_space<vmem>> -> memref<2x128xi32, #tpu.memory_space<vmem>>
    %dma_wait3A_517 = arith.constant 0 : i32
    %dma_wait3A_518 = tpu.memref_slice %arg3[%dma_wait3A_517, %add3A_29] : memref<2x160000xi32, #tpu.memory_space<hbm>> -> memref<2x128xi32, #tpu.memory_space<hbm>>
    tpu.wait_dma2 semaphore(%arg9 : memref<!tpu.dma_semaphore, #tpu.memory_space<semaphore_mem>>) src(%dma_wait3A_518 : memref<2x128xi32, #tpu.memory_space<hbm>>) dst(%dma_wait3A_516 : memref<2x128xi32, #tpu.memory_space<vmem>>)
    %dma_wait3A_519 = arith.constant 6 : i32
    %dma_wait3A_520 = arith.constant 0 : i32
    %dma_wait3A_521 = tpu.memref_slice %arg5[%dma_wait3A_519, %dma_wait3A_520] : memref<80x128xi32, #tpu.memory_space<vmem>> -> memref<2x128xi32, #tpu.memory_space<vmem>>
    %dma_wait3A_522 = arith.constant 0 : i32
    %dma_wait3A_523 = tpu.memref_slice %arg3[%dma_wait3A_522, %add3A_41] : memref<2x160000xi32, #tpu.memory_space<hbm>> -> memref<2x128xi32, #tpu.memory_space<hbm>>
    %dma_wait3A_524 = arith.constant 6 : i32
    %dma_wait3A_525 = arith.constant 0 : i32
    %dma_wait3A_526 = tpu.memref_slice %arg5[%dma_wait3A_524, %dma_wait3A_525] : memref<80x128xi32, #tpu.memory_space<vmem>> -> memref<2x128xi32, #tpu.memory_space<vmem>>
    %dma_wait3A_527 = arith.constant 0 : i32
    %dma_wait3A_528 = tpu.memref_slice %arg3[%dma_wait3A_527, %add3A_41] : memref<2x160000xi32, #tpu.memory_space<hbm>> -> memref<2x128xi32, #tpu.memory_space<hbm>>
    tpu.wait_dma2 semaphore(%arg9 : memref<!tpu.dma_semaphore, #tpu.memory_space<semaphore_mem>>) src(%dma_wait3A_528 : memref<2x128xi32, #tpu.memory_space<hbm>>) dst(%dma_wait3A_526 : memref<2x128xi32, #tpu.memory_space<vmem>>)
    %dma_wait3A_529 = arith.constant 8 : i32
    %dma_wait3A_530 = arith.constant 0 : i32
    %dma_wait3A_531 = tpu.memref_slice %arg5[%dma_wait3A_529, %dma_wait3A_530] : memref<80x128xi32, #tpu.memory_space<vmem>> -> memref<2x128xi32, #tpu.memory_space<vmem>>
    %dma_wait3A_532 = arith.constant 0 : i32
    %dma_wait3A_533 = tpu.memref_slice %arg3[%dma_wait3A_532, %add3A_53] : memref<2x160000xi32, #tpu.memory_space<hbm>> -> memref<2x128xi32, #tpu.memory_space<hbm>>
    %dma_wait3A_534 = arith.constant 8 : i32
    %dma_wait3A_535 = arith.constant 0 : i32
    %dma_wait3A_536 = tpu.memref_slice %arg5[%dma_wait3A_534, %dma_wait3A_535] : memref<80x128xi32, #tpu.memory_space<vmem>> -> memref<2x128xi32, #tpu.memory_space<vmem>>
    %dma_wait3A_537 = arith.constant 0 : i32
    %dma_wait3A_538 = tpu.memref_slice %arg3[%dma_wait3A_537, %add3A_53] : memref<2x160000xi32, #tpu.memory_space<hbm>> -> memref<2x128xi32, #tpu.memory_space<hbm>>
    tpu.wait_dma2 semaphore(%arg9 : memref<!tpu.dma_semaphore, #tpu.memory_space<semaphore_mem>>) src(%dma_wait3A_538 : memref<2x128xi32, #tpu.memory_space<hbm>>) dst(%dma_wait3A_536 : memref<2x128xi32, #tpu.memory_space<vmem>>)
    %dma_wait3A_539 = arith.constant 10 : i32
    %dma_wait3A_540 = arith.constant 0 : i32
    %dma_wait3A_541 = tpu.memref_slice %arg5[%dma_wait3A_539, %dma_wait3A_540] : memref<80x128xi32, #tpu.memory_space<vmem>> -> memref<2x128xi32, #tpu.memory_space<vmem>>
    %dma_wait3A_542 = arith.constant 0 : i32
    %dma_wait3A_543 = tpu.memref_slice %arg3[%dma_wait3A_542, %add3A_65] : memref<2x160000xi32, #tpu.memory_space<hbm>> -> memref<2x128xi32, #tpu.memory_space<hbm>>
    %dma_wait3A_544 = arith.constant 10 : i32
    %dma_wait3A_545 = arith.constant 0 : i32
    %dma_wait3A_546 = tpu.memref_slice %arg5[%dma_wait3A_544, %dma_wait3A_545] : memref<80x128xi32, #tpu.memory_space<vmem>> -> memref<2x128xi32, #tpu.memory_space<vmem>>
    %dma_wait3A_547 = arith.constant 0 : i32
    %dma_wait3A_548 = tpu.memref_slice %arg3[%dma_wait3A_547, %add3A_65] : memref<2x160000xi32, #tpu.memory_space<hbm>> -> memref<2x128xi32, #tpu.memory_space<hbm>>
    tpu.wait_dma2 semaphore(%arg9 : memref<!tpu.dma_semaphore, #tpu.memory_space<semaphore_mem>>) src(%dma_wait3A_548 : memref<2x128xi32, #tpu.memory_space<hbm>>) dst(%dma_wait3A_546 : memref<2x128xi32, #tpu.memory_space<vmem>>)
    %dma_wait3A_549 = arith.constant 12 : i32
    %dma_wait3A_550 = arith.constant 0 : i32
    %dma_wait3A_551 = tpu.memref_slice %arg5[%dma_wait3A_549, %dma_wait3A_550] : memref<80x128xi32, #tpu.memory_space<vmem>> -> memref<2x128xi32, #tpu.memory_space<vmem>>
    %dma_wait3A_552 = arith.constant 0 : i32
    %dma_wait3A_553 = tpu.memref_slice %arg3[%dma_wait3A_552, %add3A_77] : memref<2x160000xi32, #tpu.memory_space<hbm>> -> memref<2x128xi32, #tpu.memory_space<hbm>>
    %dma_wait3A_554 = arith.constant 12 : i32
    %dma_wait3A_555 = arith.constant 0 : i32
    %dma_wait3A_556 = tpu.memref_slice %arg5[%dma_wait3A_554, %dma_wait3A_555] : memref<80x128xi32, #tpu.memory_space<vmem>> -> memref<2x128xi32, #tpu.memory_space<vmem>>
    %dma_wait3A_557 = arith.constant 0 : i32
    %dma_wait3A_558 = tpu.memref_slice %arg3[%dma_wait3A_557, %add3A_77] : memref<2x160000xi32, #tpu.memory_space<hbm>> -> memref<2x128xi32, #tpu.memory_space<hbm>>
    tpu.wait_dma2 semaphore(%arg9 : memref<!tpu.dma_semaphore, #tpu.memory_space<semaphore_mem>>) src(%dma_wait3A_558 : memref<2x128xi32, #tpu.memory_space<hbm>>) dst(%dma_wait3A_556 : memref<2x128xi32, #tpu.memory_space<vmem>>)
    %dma_wait3A_559 = arith.constant 14 : i32
    %dma_wait3A_560 = arith.constant 0 : i32
    %dma_wait3A_561 = tpu.memref_slice %arg5[%dma_wait3A_559, %dma_wait3A_560] : memref<80x128xi32, #tpu.memory_space<vmem>> -> memref<2x128xi32, #tpu.memory_space<vmem>>
    %dma_wait3A_562 = arith.constant 0 : i32
    %dma_wait3A_563 = tpu.memref_slice %arg3[%dma_wait3A_562, %add3A_89] : memref<2x160000xi32, #tpu.memory_space<hbm>> -> memref<2x128xi32, #tpu.memory_space<hbm>>
    %dma_wait3A_564 = arith.constant 14 : i32
    %dma_wait3A_565 = arith.constant 0 : i32
    %dma_wait3A_566 = tpu.memref_slice %arg5[%dma_wait3A_564, %dma_wait3A_565] : memref<80x128xi32, #tpu.memory_space<vmem>> -> memref<2x128xi32, #tpu.memory_space<vmem>>
    %dma_wait3A_567 = arith.constant 0 : i32
    %dma_wait3A_568 = tpu.memref_slice %arg3[%dma_wait3A_567, %add3A_89] : memref<2x160000xi32, #tpu.memory_space<hbm>> -> memref<2x128xi32, #tpu.memory_space<hbm>>
    tpu.wait_dma2 semaphore(%arg9 : memref<!tpu.dma_semaphore, #tpu.memory_space<semaphore_mem>>) src(%dma_wait3A_568 : memref<2x128xi32, #tpu.memory_space<hbm>>) dst(%dma_wait3A_566 : memref<2x128xi32, #tpu.memory_space<vmem>>)
    %dma_wait3A_569 = arith.constant 16 : i32
    %dma_wait3A_570 = arith.constant 0 : i32
    %dma_wait3A_571 = tpu.memref_slice %arg5[%dma_wait3A_569, %dma_wait3A_570] : memref<80x128xi32, #tpu.memory_space<vmem>> -> memref<2x128xi32, #tpu.memory_space<vmem>>
    %dma_wait3A_572 = arith.constant 0 : i32
    %dma_wait3A_573 = tpu.memref_slice %arg3[%dma_wait3A_572, %add3A_101] : memref<2x160000xi32, #tpu.memory_space<hbm>> -> memref<2x128xi32, #tpu.memory_space<hbm>>
    %dma_wait3A_574 = arith.constant 16 : i32
    %dma_wait3A_575 = arith.constant 0 : i32
    %dma_wait3A_576 = tpu.memref_slice %arg5[%dma_wait3A_574, %dma_wait3A_575] : memref<80x128xi32, #tpu.memory_space<vmem>> -> memref<2x128xi32, #tpu.memory_space<vmem>>
    %dma_wait3A_577 = arith.constant 0 : i32
    %dma_wait3A_578 = tpu.memref_slice %arg3[%dma_wait3A_577, %add3A_101] : memref<2x160000xi32, #tpu.memory_space<hbm>> -> memref<2x128xi32, #tpu.memory_space<hbm>>
    tpu.wait_dma2 semaphore(%arg9 : memref<!tpu.dma_semaphore, #tpu.memory_space<semaphore_mem>>) src(%dma_wait3A_578 : memref<2x128xi32, #tpu.memory_space<hbm>>) dst(%dma_wait3A_576 : memref<2x128xi32, #tpu.memory_space<vmem>>)
    %dma_wait3A_579 = arith.constant 18 : i32
    %dma_wait3A_580 = arith.constant 0 : i32
    %dma_wait3A_581 = tpu.memref_slice %arg5[%dma_wait3A_579, %dma_wait3A_580] : memref<80x128xi32, #tpu.memory_space<vmem>> -> memref<2x128xi32, #tpu.memory_space<vmem>>
    %dma_wait3A_582 = arith.constant 0 : i32
    %dma_wait3A_583 = tpu.memref_slice %arg3[%dma_wait3A_582, %add3A_113] : memref<2x160000xi32, #tpu.memory_space<hbm>> -> memref<2x128xi32, #tpu.memory_space<hbm>>
    %dma_wait3A_584 = arith.constant 18 : i32
    %dma_wait3A_585 = arith.constant 0 : i32
    %dma_wait3A_586 = tpu.memref_slice %arg5[%dma_wait3A_584, %dma_wait3A_585] : memref<80x128xi32, #tpu.memory_space<vmem>> -> memref<2x128xi32, #tpu.memory_space<vmem>>
    %dma_wait3A_587 = arith.constant 0 : i32
    %dma_wait3A_588 = tpu.memref_slice %arg3[%dma_wait3A_587, %add3A_113] : memref<2x160000xi32, #tpu.memory_space<hbm>> -> memref<2x128xi32, #tpu.memory_space<hbm>>
    tpu.wait_dma2 semaphore(%arg9 : memref<!tpu.dma_semaphore, #tpu.memory_space<semaphore_mem>>) src(%dma_wait3A_588 : memref<2x128xi32, #tpu.memory_space<hbm>>) dst(%dma_wait3A_586 : memref<2x128xi32, #tpu.memory_space<vmem>>)
    %dma_wait3A_589 = arith.constant 20 : i32
    %dma_wait3A_590 = arith.constant 0 : i32
    %dma_wait3A_591 = tpu.memref_slice %arg5[%dma_wait3A_589, %dma_wait3A_590] : memref<80x128xi32, #tpu.memory_space<vmem>> -> memref<2x128xi32, #tpu.memory_space<vmem>>
    %dma_wait3A_592 = arith.constant 0 : i32
    %dma_wait3A_593 = tpu.memref_slice %arg3[%dma_wait3A_592, %add3A_125] : memref<2x160000xi32, #tpu.memory_space<hbm>> -> memref<2x128xi32, #tpu.memory_space<hbm>>
    %dma_wait3A_594 = arith.constant 20 : i32
    %dma_wait3A_595 = arith.constant 0 : i32
    %dma_wait3A_596 = tpu.memref_slice %arg5[%dma_wait3A_594, %dma_wait3A_595] : memref<80x128xi32, #tpu.memory_space<vmem>> -> memref<2x128xi32, #tpu.memory_space<vmem>>
    %dma_wait3A_597 = arith.constant 0 : i32
    %dma_wait3A_598 = tpu.memref_slice %arg3[%dma_wait3A_597, %add3A_125] : memref<2x160000xi32, #tpu.memory_space<hbm>> -> memref<2x128xi32, #tpu.memory_space<hbm>>
    tpu.wait_dma2 semaphore(%arg9 : memref<!tpu.dma_semaphore, #tpu.memory_space<semaphore_mem>>) src(%dma_wait3A_598 : memref<2x128xi32, #tpu.memory_space<hbm>>) dst(%dma_wait3A_596 : memref<2x128xi32, #tpu.memory_space<vmem>>)
    %dma_wait3A_599 = arith.constant 22 : i32
    %dma_wait3A_600 = arith.constant 0 : i32
    %dma_wait3A_601 = tpu.memref_slice %arg5[%dma_wait3A_599, %dma_wait3A_600] : memref<80x128xi32, #tpu.memory_space<vmem>> -> memref<2x128xi32, #tpu.memory_space<vmem>>
    %dma_wait3A_602 = arith.constant 0 : i32
    %dma_wait3A_603 = tpu.memref_slice %arg3[%dma_wait3A_602, %add3A_137] : memref<2x160000xi32, #tpu.memory_space<hbm>> -> memref<2x128xi32, #tpu.memory_space<hbm>>
    %dma_wait3A_604 = arith.constant 22 : i32
    %dma_wait3A_605 = arith.constant 0 : i32
    %dma_wait3A_606 = tpu.memref_slice %arg5[%dma_wait3A_604, %dma_wait3A_605] : memref<80x128xi32, #tpu.memory_space<vmem>> -> memref<2x128xi32, #tpu.memory_space<vmem>>
    %dma_wait3A_607 = arith.constant 0 : i32
    %dma_wait3A_608 = tpu.memref_slice %arg3[%dma_wait3A_607, %add3A_137] : memref<2x160000xi32, #tpu.memory_space<hbm>> -> memref<2x128xi32, #tpu.memory_space<hbm>>
    tpu.wait_dma2 semaphore(%arg9 : memref<!tpu.dma_semaphore, #tpu.memory_space<semaphore_mem>>) src(%dma_wait3A_608 : memref<2x128xi32, #tpu.memory_space<hbm>>) dst(%dma_wait3A_606 : memref<2x128xi32, #tpu.memory_space<vmem>>)
    %dma_wait3A_609 = arith.constant 24 : i32
    %dma_wait3A_610 = arith.constant 0 : i32
    %dma_wait3A_611 = tpu.memref_slice %arg5[%dma_wait3A_609, %dma_wait3A_610] : memref<80x128xi32, #tpu.memory_space<vmem>> -> memref<2x128xi32, #tpu.memory_space<vmem>>
    %dma_wait3A_612 = arith.constant 0 : i32
    %dma_wait3A_613 = tpu.memref_slice %arg3[%dma_wait3A_612, %add3A_149] : memref<2x160000xi32, #tpu.memory_space<hbm>> -> memref<2x128xi32, #tpu.memory_space<hbm>>
    %dma_wait3A_614 = arith.constant 24 : i32
    %dma_wait3A_615 = arith.constant 0 : i32
    %dma_wait3A_616 = tpu.memref_slice %arg5[%dma_wait3A_614, %dma_wait3A_615] : memref<80x128xi32, #tpu.memory_space<vmem>> -> memref<2x128xi32, #tpu.memory_space<vmem>>
    %dma_wait3A_617 = arith.constant 0 : i32
    %dma_wait3A_618 = tpu.memref_slice %arg3[%dma_wait3A_617, %add3A_149] : memref<2x160000xi32, #tpu.memory_space<hbm>> -> memref<2x128xi32, #tpu.memory_space<hbm>>
    tpu.wait_dma2 semaphore(%arg9 : memref<!tpu.dma_semaphore, #tpu.memory_space<semaphore_mem>>) src(%dma_wait3A_618 : memref<2x128xi32, #tpu.memory_space<hbm>>) dst(%dma_wait3A_616 : memref<2x128xi32, #tpu.memory_space<vmem>>)
    %dma_wait3A_619 = arith.constant 26 : i32
    %dma_wait3A_620 = arith.constant 0 : i32
    %dma_wait3A_621 = tpu.memref_slice %arg5[%dma_wait3A_619, %dma_wait3A_620] : memref<80x128xi32, #tpu.memory_space<vmem>> -> memref<2x128xi32, #tpu.memory_space<vmem>>
    %dma_wait3A_622 = arith.constant 0 : i32
    %dma_wait3A_623 = tpu.memref_slice %arg3[%dma_wait3A_622, %add3A_161] : memref<2x160000xi32, #tpu.memory_space<hbm>> -> memref<2x128xi32, #tpu.memory_space<hbm>>
    %dma_wait3A_624 = arith.constant 26 : i32
    %dma_wait3A_625 = arith.constant 0 : i32
    %dma_wait3A_626 = tpu.memref_slice %arg5[%dma_wait3A_624, %dma_wait3A_625] : memref<80x128xi32, #tpu.memory_space<vmem>> -> memref<2x128xi32, #tpu.memory_space<vmem>>
    %dma_wait3A_627 = arith.constant 0 : i32
    %dma_wait3A_628 = tpu.memref_slice %arg3[%dma_wait3A_627, %add3A_161] : memref<2x160000xi32, #tpu.memory_space<hbm>> -> memref<2x128xi32, #tpu.memory_space<hbm>>
    tpu.wait_dma2 semaphore(%arg9 : memref<!tpu.dma_semaphore, #tpu.memory_space<semaphore_mem>>) src(%dma_wait3A_628 : memref<2x128xi32, #tpu.memory_space<hbm>>) dst(%dma_wait3A_626 : memref<2x128xi32, #tpu.memory_space<vmem>>)
    %dma_wait3A_629 = arith.constant 28 : i32
    %dma_wait3A_630 = arith.constant 0 : i32
    %dma_wait3A_631 = tpu.memref_slice %arg5[%dma_wait3A_629, %dma_wait3A_630] : memref<80x128xi32, #tpu.memory_space<vmem>> -> memref<2x128xi32, #tpu.memory_space<vmem>>
    %dma_wait3A_632 = arith.constant 0 : i32
    %dma_wait3A_633 = tpu.memref_slice %arg3[%dma_wait3A_632, %add3A_173] : memref<2x160000xi32, #tpu.memory_space<hbm>> -> memref<2x128xi32, #tpu.memory_space<hbm>>
    %dma_wait3A_634 = arith.constant 28 : i32
    %dma_wait3A_635 = arith.constant 0 : i32
    %dma_wait3A_636 = tpu.memref_slice %arg5[%dma_wait3A_634, %dma_wait3A_635] : memref<80x128xi32, #tpu.memory_space<vmem>> -> memref<2x128xi32, #tpu.memory_space<vmem>>
    %dma_wait3A_637 = arith.constant 0 : i32
    %dma_wait3A_638 = tpu.memref_slice %arg3[%dma_wait3A_637, %add3A_173] : memref<2x160000xi32, #tpu.memory_space<hbm>> -> memref<2x128xi32, #tpu.memory_space<hbm>>
    tpu.wait_dma2 semaphore(%arg9 : memref<!tpu.dma_semaphore, #tpu.memory_space<semaphore_mem>>) src(%dma_wait3A_638 : memref<2x128xi32, #tpu.memory_space<hbm>>) dst(%dma_wait3A_636 : memref<2x128xi32, #tpu.memory_space<vmem>>)
    %dma_wait3A_639 = arith.constant 30 : i32
    %dma_wait3A_640 = arith.constant 0 : i32
    %dma_wait3A_641 = tpu.memref_slice %arg5[%dma_wait3A_639, %dma_wait3A_640] : memref<80x128xi32, #tpu.memory_space<vmem>> -> memref<2x128xi32, #tpu.memory_space<vmem>>
    %dma_wait3A_642 = arith.constant 0 : i32
    %dma_wait3A_643 = tpu.memref_slice %arg3[%dma_wait3A_642, %add3A_185] : memref<2x160000xi32, #tpu.memory_space<hbm>> -> memref<2x128xi32, #tpu.memory_space<hbm>>
    %dma_wait3A_644 = arith.constant 30 : i32
    %dma_wait3A_645 = arith.constant 0 : i32
    %dma_wait3A_646 = tpu.memref_slice %arg5[%dma_wait3A_644, %dma_wait3A_645] : memref<80x128xi32, #tpu.memory_space<vmem>> -> memref<2x128xi32, #tpu.memory_space<vmem>>
    %dma_wait3A_647 = arith.constant 0 : i32
    %dma_wait3A_648 = tpu.memref_slice %arg3[%dma_wait3A_647, %add3A_185] : memref<2x160000xi32, #tpu.memory_space<hbm>> -> memref<2x128xi32, #tpu.memory_space<hbm>>
    tpu.wait_dma2 semaphore(%arg9 : memref<!tpu.dma_semaphore, #tpu.memory_space<semaphore_mem>>) src(%dma_wait3A_648 : memref<2x128xi32, #tpu.memory_space<hbm>>) dst(%dma_wait3A_646 : memref<2x128xi32, #tpu.memory_space<vmem>>)
    %dma_wait3A_649 = arith.constant 32 : i32
    %dma_wait3A_650 = arith.constant 0 : i32
    %dma_wait3A_651 = tpu.memref_slice %arg5[%dma_wait3A_649, %dma_wait3A_650] : memref<80x128xi32, #tpu.memory_space<vmem>> -> memref<2x128xi32, #tpu.memory_space<vmem>>
    %dma_wait3A_652 = arith.constant 0 : i32
    %dma_wait3A_653 = tpu.memref_slice %arg3[%dma_wait3A_652, %add3A_197] : memref<2x160000xi32, #tpu.memory_space<hbm>> -> memref<2x128xi32, #tpu.memory_space<hbm>>
    %dma_wait3A_654 = arith.constant 32 : i32
    %dma_wait3A_655 = arith.constant 0 : i32
    %dma_wait3A_656 = tpu.memref_slice %arg5[%dma_wait3A_654, %dma_wait3A_655] : memref<80x128xi32, #tpu.memory_space<vmem>> -> memref<2x128xi32, #tpu.memory_space<vmem>>
    %dma_wait3A_657 = arith.constant 0 : i32
    %dma_wait3A_658 = tpu.memref_slice %arg3[%dma_wait3A_657, %add3A_197] : memref<2x160000xi32, #tpu.memory_space<hbm>> -> memref<2x128xi32, #tpu.memory_space<hbm>>
    tpu.wait_dma2 semaphore(%arg9 : memref<!tpu.dma_semaphore, #tpu.memory_space<semaphore_mem>>) src(%dma_wait3A_658 : memref<2x128xi32, #tpu.memory_space<hbm>>) dst(%dma_wait3A_656 : memref<2x128xi32, #tpu.memory_space<vmem>>)
    %dma_wait3A_659 = arith.constant 34 : i32
    %dma_wait3A_660 = arith.constant 0 : i32
    %dma_wait3A_661 = tpu.memref_slice %arg5[%dma_wait3A_659, %dma_wait3A_660] : memref<80x128xi32, #tpu.memory_space<vmem>> -> memref<2x128xi32, #tpu.memory_space<vmem>>
    %dma_wait3A_662 = arith.constant 0 : i32
    %dma_wait3A_663 = tpu.memref_slice %arg3[%dma_wait3A_662, %add3A_209] : memref<2x160000xi32, #tpu.memory_space<hbm>> -> memref<2x128xi32, #tpu.memory_space<hbm>>
    %dma_wait3A_664 = arith.constant 34 : i32
    %dma_wait3A_665 = arith.constant 0 : i32
    %dma_wait3A_666 = tpu.memref_slice %arg5[%dma_wait3A_664, %dma_wait3A_665] : memref<80x128xi32, #tpu.memory_space<vmem>> -> memref<2x128xi32, #tpu.memory_space<vmem>>
    %dma_wait3A_667 = arith.constant 0 : i32
    %dma_wait3A_668 = tpu.memref_slice %arg3[%dma_wait3A_667, %add3A_209] : memref<2x160000xi32, #tpu.memory_space<hbm>> -> memref<2x128xi32, #tpu.memory_space<hbm>>
    tpu.wait_dma2 semaphore(%arg9 : memref<!tpu.dma_semaphore, #tpu.memory_space<semaphore_mem>>) src(%dma_wait3A_668 : memref<2x128xi32, #tpu.memory_space<hbm>>) dst(%dma_wait3A_666 : memref<2x128xi32, #tpu.memory_space<vmem>>)
    %dma_wait3A_669 = arith.constant 36 : i32
    %dma_wait3A_670 = arith.constant 0 : i32
    %dma_wait3A_671 = tpu.memref_slice %arg5[%dma_wait3A_669, %dma_wait3A_670] : memref<80x128xi32, #tpu.memory_space<vmem>> -> memref<2x128xi32, #tpu.memory_space<vmem>>
    %dma_wait3A_672 = arith.constant 0 : i32
    %dma_wait3A_673 = tpu.memref_slice %arg3[%dma_wait3A_672, %add3A_221] : memref<2x160000xi32, #tpu.memory_space<hbm>> -> memref<2x128xi32, #tpu.memory_space<hbm>>
    %dma_wait3A_674 = arith.constant 36 : i32
    %dma_wait3A_675 = arith.constant 0 : i32
    %dma_wait3A_676 = tpu.memref_slice %arg5[%dma_wait3A_674, %dma_wait3A_675] : memref<80x128xi32, #tpu.memory_space<vmem>> -> memref<2x128xi32, #tpu.memory_space<vmem>>
    %dma_wait3A_677 = arith.constant 0 : i32
    %dma_wait3A_678 = tpu.memref_slice %arg3[%dma_wait3A_677, %add3A_221] : memref<2x160000xi32, #tpu.memory_space<hbm>> -> memref<2x128xi32, #tpu.memory_space<hbm>>
    tpu.wait_dma2 semaphore(%arg9 : memref<!tpu.dma_semaphore, #tpu.memory_space<semaphore_mem>>) src(%dma_wait3A_678 : memref<2x128xi32, #tpu.memory_space<hbm>>) dst(%dma_wait3A_676 : memref<2x128xi32, #tpu.memory_space<vmem>>)
    %dma_wait3A_679 = arith.constant 38 : i32
    %dma_wait3A_680 = arith.constant 0 : i32
    %dma_wait3A_681 = tpu.memref_slice %arg5[%dma_wait3A_679, %dma_wait3A_680] : memref<80x128xi32, #tpu.memory_space<vmem>> -> memref<2x128xi32, #tpu.memory_space<vmem>>
    %dma_wait3A_682 = arith.constant 0 : i32
    %dma_wait3A_683 = tpu.memref_slice %arg3[%dma_wait3A_682, %add3A_233] : memref<2x160000xi32, #tpu.memory_space<hbm>> -> memref<2x128xi32, #tpu.memory_space<hbm>>
    %dma_wait3A_684 = arith.constant 38 : i32
    %dma_wait3A_685 = arith.constant 0 : i32
    %dma_wait3A_686 = tpu.memref_slice %arg5[%dma_wait3A_684, %dma_wait3A_685] : memref<80x128xi32, #tpu.memory_space<vmem>> -> memref<2x128xi32, #tpu.memory_space<vmem>>
    %dma_wait3A_687 = arith.constant 0 : i32
    %dma_wait3A_688 = tpu.memref_slice %arg3[%dma_wait3A_687, %add3A_233] : memref<2x160000xi32, #tpu.memory_space<hbm>> -> memref<2x128xi32, #tpu.memory_space<hbm>>
    tpu.wait_dma2 semaphore(%arg9 : memref<!tpu.dma_semaphore, #tpu.memory_space<semaphore_mem>>) src(%dma_wait3A_688 : memref<2x128xi32, #tpu.memory_space<hbm>>) dst(%dma_wait3A_686 : memref<2x128xi32, #tpu.memory_space<vmem>>)
    %dma_wait3A_689 = arith.constant 40 : i32
    %dma_wait3A_690 = arith.constant 0 : i32
    %dma_wait3A_691 = tpu.memref_slice %arg5[%dma_wait3A_689, %dma_wait3A_690] : memref<80x128xi32, #tpu.memory_space<vmem>> -> memref<2x128xi32, #tpu.memory_space<vmem>>
    %dma_wait3A_692 = arith.constant 0 : i32
    %dma_wait3A_693 = tpu.memref_slice %arg3[%dma_wait3A_692, %add3A_245] : memref<2x160000xi32, #tpu.memory_space<hbm>> -> memref<2x128xi32, #tpu.memory_space<hbm>>
    %dma_wait3A_694 = arith.constant 40 : i32
    %dma_wait3A_695 = arith.constant 0 : i32
    %dma_wait3A_696 = tpu.memref_slice %arg5[%dma_wait3A_694, %dma_wait3A_695] : memref<80x128xi32, #tpu.memory_space<vmem>> -> memref<2x128xi32, #tpu.memory_space<vmem>>
    %dma_wait3A_697 = arith.constant 0 : i32
    %dma_wait3A_698 = tpu.memref_slice %arg3[%dma_wait3A_697, %add3A_245] : memref<2x160000xi32, #tpu.memory_space<hbm>> -> memref<2x128xi32, #tpu.memory_space<hbm>>
    tpu.wait_dma2 semaphore(%arg9 : memref<!tpu.dma_semaphore, #tpu.memory_space<semaphore_mem>>) src(%dma_wait3A_698 : memref<2x128xi32, #tpu.memory_space<hbm>>) dst(%dma_wait3A_696 : memref<2x128xi32, #tpu.memory_space<vmem>>)
    %dma_wait3A_699 = arith.constant 42 : i32
    %dma_wait3A_700 = arith.constant 0 : i32
    %dma_wait3A_701 = tpu.memref_slice %arg5[%dma_wait3A_699, %dma_wait3A_700] : memref<80x128xi32, #tpu.memory_space<vmem>> -> memref<2x128xi32, #tpu.memory_space<vmem>>
    %dma_wait3A_702 = arith.constant 0 : i32
    %dma_wait3A_703 = tpu.memref_slice %arg3[%dma_wait3A_702, %add3A_257] : memref<2x160000xi32, #tpu.memory_space<hbm>> -> memref<2x128xi32, #tpu.memory_space<hbm>>
    %dma_wait3A_704 = arith.constant 42 : i32
    %dma_wait3A_705 = arith.constant 0 : i32
    %dma_wait3A_706 = tpu.memref_slice %arg5[%dma_wait3A_704, %dma_wait3A_705] : memref<80x128xi32, #tpu.memory_space<vmem>> -> memref<2x128xi32, #tpu.memory_space<vmem>>
    %dma_wait3A_707 = arith.constant 0 : i32
    %dma_wait3A_708 = tpu.memref_slice %arg3[%dma_wait3A_707, %add3A_257] : memref<2x160000xi32, #tpu.memory_space<hbm>> -> memref<2x128xi32, #tpu.memory_space<hbm>>
    tpu.wait_dma2 semaphore(%arg9 : memref<!tpu.dma_semaphore, #tpu.memory_space<semaphore_mem>>) src(%dma_wait3A_708 : memref<2x128xi32, #tpu.memory_space<hbm>>) dst(%dma_wait3A_706 : memref<2x128xi32, #tpu.memory_space<vmem>>)
    %dma_wait3A_709 = arith.constant 44 : i32
    %dma_wait3A_710 = arith.constant 0 : i32
    %dma_wait3A_711 = tpu.memref_slice %arg5[%dma_wait3A_709, %dma_wait3A_710] : memref<80x128xi32, #tpu.memory_space<vmem>> -> memref<2x128xi32, #tpu.memory_space<vmem>>
    %dma_wait3A_712 = arith.constant 0 : i32
    %dma_wait3A_713 = tpu.memref_slice %arg3[%dma_wait3A_712, %add3A_269] : memref<2x160000xi32, #tpu.memory_space<hbm>> -> memref<2x128xi32, #tpu.memory_space<hbm>>
    %dma_wait3A_714 = arith.constant 44 : i32
    %dma_wait3A_715 = arith.constant 0 : i32
    %dma_wait3A_716 = tpu.memref_slice %arg5[%dma_wait3A_714, %dma_wait3A_715] : memref<80x128xi32, #tpu.memory_space<vmem>> -> memref<2x128xi32, #tpu.memory_space<vmem>>
    %dma_wait3A_717 = arith.constant 0 : i32
    %dma_wait3A_718 = tpu.memref_slice %arg3[%dma_wait3A_717, %add3A_269] : memref<2x160000xi32, #tpu.memory_space<hbm>> -> memref<2x128xi32, #tpu.memory_space<hbm>>
    tpu.wait_dma2 semaphore(%arg9 : memref<!tpu.dma_semaphore, #tpu.memory_space<semaphore_mem>>) src(%dma_wait3A_718 : memref<2x128xi32, #tpu.memory_space<hbm>>) dst(%dma_wait3A_716 : memref<2x128xi32, #tpu.memory_space<vmem>>)
    %dma_wait3A_719 = arith.constant 46 : i32
    %dma_wait3A_720 = arith.constant 0 : i32
    %dma_wait3A_721 = tpu.memref_slice %arg5[%dma_wait3A_719, %dma_wait3A_720] : memref<80x128xi32, #tpu.memory_space<vmem>> -> memref<2x128xi32, #tpu.memory_space<vmem>>
    %dma_wait3A_722 = arith.constant 0 : i32
    %dma_wait3A_723 = tpu.memref_slice %arg3[%dma_wait3A_722, %add3A_281] : memref<2x160000xi32, #tpu.memory_space<hbm>> -> memref<2x128xi32, #tpu.memory_space<hbm>>
    %dma_wait3A_724 = arith.constant 46 : i32
    %dma_wait3A_725 = arith.constant 0 : i32
    %dma_wait3A_726 = tpu.memref_slice %arg5[%dma_wait3A_724, %dma_wait3A_725] : memref<80x128xi32, #tpu.memory_space<vmem>> -> memref<2x128xi32, #tpu.memory_space<vmem>>
    %dma_wait3A_727 = arith.constant 0 : i32
    %dma_wait3A_728 = tpu.memref_slice %arg3[%dma_wait3A_727, %add3A_281] : memref<2x160000xi32, #tpu.memory_space<hbm>> -> memref<2x128xi32, #tpu.memory_space<hbm>>
    tpu.wait_dma2 semaphore(%arg9 : memref<!tpu.dma_semaphore, #tpu.memory_space<semaphore_mem>>) src(%dma_wait3A_728 : memref<2x128xi32, #tpu.memory_space<hbm>>) dst(%dma_wait3A_726 : memref<2x128xi32, #tpu.memory_space<vmem>>)
    %dma_wait3A_729 = arith.constant 48 : i32
    %dma_wait3A_730 = arith.constant 0 : i32
    %dma_wait3A_731 = tpu.memref_slice %arg5[%dma_wait3A_729, %dma_wait3A_730] : memref<80x128xi32, #tpu.memory_space<vmem>> -> memref<2x128xi32, #tpu.memory_space<vmem>>
    %dma_wait3A_732 = arith.constant 0 : i32
    %dma_wait3A_733 = tpu.memref_slice %arg3[%dma_wait3A_732, %add3A_293] : memref<2x160000xi32, #tpu.memory_space<hbm>> -> memref<2x128xi32, #tpu.memory_space<hbm>>
    %dma_wait3A_734 = arith.constant 48 : i32
    %dma_wait3A_735 = arith.constant 0 : i32
    %dma_wait3A_736 = tpu.memref_slice %arg5[%dma_wait3A_734, %dma_wait3A_735] : memref<80x128xi32, #tpu.memory_space<vmem>> -> memref<2x128xi32, #tpu.memory_space<vmem>>
    %dma_wait3A_737 = arith.constant 0 : i32
    %dma_wait3A_738 = tpu.memref_slice %arg3[%dma_wait3A_737, %add3A_293] : memref<2x160000xi32, #tpu.memory_space<hbm>> -> memref<2x128xi32, #tpu.memory_space<hbm>>
    tpu.wait_dma2 semaphore(%arg9 : memref<!tpu.dma_semaphore, #tpu.memory_space<semaphore_mem>>) src(%dma_wait3A_738 : memref<2x128xi32, #tpu.memory_space<hbm>>) dst(%dma_wait3A_736 : memref<2x128xi32, #tpu.memory_space<vmem>>)
    %dma_wait3A_739 = arith.constant 50 : i32
    %dma_wait3A_740 = arith.constant 0 : i32
    %dma_wait3A_741 = tpu.memref_slice %arg5[%dma_wait3A_739, %dma_wait3A_740] : memref<80x128xi32, #tpu.memory_space<vmem>> -> memref<2x128xi32, #tpu.memory_space<vmem>>
    %dma_wait3A_742 = arith.constant 0 : i32
    %dma_wait3A_743 = tpu.memref_slice %arg3[%dma_wait3A_742, %add3A_305] : memref<2x160000xi32, #tpu.memory_space<hbm>> -> memref<2x128xi32, #tpu.memory_space<hbm>>
    %dma_wait3A_744 = arith.constant 50 : i32
    %dma_wait3A_745 = arith.constant 0 : i32
    %dma_wait3A_746 = tpu.memref_slice %arg5[%dma_wait3A_744, %dma_wait3A_745] : memref<80x128xi32, #tpu.memory_space<vmem>> -> memref<2x128xi32, #tpu.memory_space<vmem>>
    %dma_wait3A_747 = arith.constant 0 : i32
    %dma_wait3A_748 = tpu.memref_slice %arg3[%dma_wait3A_747, %add3A_305] : memref<2x160000xi32, #tpu.memory_space<hbm>> -> memref<2x128xi32, #tpu.memory_space<hbm>>
    tpu.wait_dma2 semaphore(%arg9 : memref<!tpu.dma_semaphore, #tpu.memory_space<semaphore_mem>>) src(%dma_wait3A_748 : memref<2x128xi32, #tpu.memory_space<hbm>>) dst(%dma_wait3A_746 : memref<2x128xi32, #tpu.memory_space<vmem>>)
    %dma_wait3A_749 = arith.constant 52 : i32
    %dma_wait3A_750 = arith.constant 0 : i32
    %dma_wait3A_751 = tpu.memref_slice %arg5[%dma_wait3A_749, %dma_wait3A_750] : memref<80x128xi32, #tpu.memory_space<vmem>> -> memref<2x128xi32, #tpu.memory_space<vmem>>
    %dma_wait3A_752 = arith.constant 0 : i32
    %dma_wait3A_753 = tpu.memref_slice %arg3[%dma_wait3A_752, %add3A_317] : memref<2x160000xi32, #tpu.memory_space<hbm>> -> memref<2x128xi32, #tpu.memory_space<hbm>>
    %dma_wait3A_754 = arith.constant 52 : i32
    %dma_wait3A_755 = arith.constant 0 : i32
    %dma_wait3A_756 = tpu.memref_slice %arg5[%dma_wait3A_754, %dma_wait3A_755] : memref<80x128xi32, #tpu.memory_space<vmem>> -> memref<2x128xi32, #tpu.memory_space<vmem>>
    %dma_wait3A_757 = arith.constant 0 : i32
    %dma_wait3A_758 = tpu.memref_slice %arg3[%dma_wait3A_757, %add3A_317] : memref<2x160000xi32, #tpu.memory_space<hbm>> -> memref<2x128xi32, #tpu.memory_space<hbm>>
    tpu.wait_dma2 semaphore(%arg9 : memref<!tpu.dma_semaphore, #tpu.memory_space<semaphore_mem>>) src(%dma_wait3A_758 : memref<2x128xi32, #tpu.memory_space<hbm>>) dst(%dma_wait3A_756 : memref<2x128xi32, #tpu.memory_space<vmem>>)
    %dma_wait3A_759 = arith.constant 54 : i32
    %dma_wait3A_760 = arith.constant 0 : i32
    %dma_wait3A_761 = tpu.memref_slice %arg5[%dma_wait3A_759, %dma_wait3A_760] : memref<80x128xi32, #tpu.memory_space<vmem>> -> memref<2x128xi32, #tpu.memory_space<vmem>>
    %dma_wait3A_762 = arith.constant 0 : i32
    %dma_wait3A_763 = tpu.memref_slice %arg3[%dma_wait3A_762, %add3A_329] : memref<2x160000xi32, #tpu.memory_space<hbm>> -> memref<2x128xi32, #tpu.memory_space<hbm>>
    %dma_wait3A_764 = arith.constant 54 : i32
    %dma_wait3A_765 = arith.constant 0 : i32
    %dma_wait3A_766 = tpu.memref_slice %arg5[%dma_wait3A_764, %dma_wait3A_765] : memref<80x128xi32, #tpu.memory_space<vmem>> -> memref<2x128xi32, #tpu.memory_space<vmem>>
    %dma_wait3A_767 = arith.constant 0 : i32
    %dma_wait3A_768 = tpu.memref_slice %arg3[%dma_wait3A_767, %add3A_329] : memref<2x160000xi32, #tpu.memory_space<hbm>> -> memref<2x128xi32, #tpu.memory_space<hbm>>
    tpu.wait_dma2 semaphore(%arg9 : memref<!tpu.dma_semaphore, #tpu.memory_space<semaphore_mem>>) src(%dma_wait3A_768 : memref<2x128xi32, #tpu.memory_space<hbm>>) dst(%dma_wait3A_766 : memref<2x128xi32, #tpu.memory_space<vmem>>)
    %dma_wait3A_769 = arith.constant 56 : i32
    %dma_wait3A_770 = arith.constant 0 : i32
    %dma_wait3A_771 = tpu.memref_slice %arg5[%dma_wait3A_769, %dma_wait3A_770] : memref<80x128xi32, #tpu.memory_space<vmem>> -> memref<2x128xi32, #tpu.memory_space<vmem>>
    %dma_wait3A_772 = arith.constant 0 : i32
    %dma_wait3A_773 = tpu.memref_slice %arg3[%dma_wait3A_772, %add3A_341] : memref<2x160000xi32, #tpu.memory_space<hbm>> -> memref<2x128xi32, #tpu.memory_space<hbm>>
    %dma_wait3A_774 = arith.constant 56 : i32
    %dma_wait3A_775 = arith.constant 0 : i32
    %dma_wait3A_776 = tpu.memref_slice %arg5[%dma_wait3A_774, %dma_wait3A_775] : memref<80x128xi32, #tpu.memory_space<vmem>> -> memref<2x128xi32, #tpu.memory_space<vmem>>
    %dma_wait3A_777 = arith.constant 0 : i32
    %dma_wait3A_778 = tpu.memref_slice %arg3[%dma_wait3A_777, %add3A_341] : memref<2x160000xi32, #tpu.memory_space<hbm>> -> memref<2x128xi32, #tpu.memory_space<hbm>>
    tpu.wait_dma2 semaphore(%arg9 : memref<!tpu.dma_semaphore, #tpu.memory_space<semaphore_mem>>) src(%dma_wait3A_778 : memref<2x128xi32, #tpu.memory_space<hbm>>) dst(%dma_wait3A_776 : memref<2x128xi32, #tpu.memory_space<vmem>>)
    %dma_wait3A_779 = arith.constant 58 : i32
    %dma_wait3A_780 = arith.constant 0 : i32
    %dma_wait3A_781 = tpu.memref_slice %arg5[%dma_wait3A_779, %dma_wait3A_780] : memref<80x128xi32, #tpu.memory_space<vmem>> -> memref<2x128xi32, #tpu.memory_space<vmem>>
    %dma_wait3A_782 = arith.constant 0 : i32
    %dma_wait3A_783 = tpu.memref_slice %arg3[%dma_wait3A_782, %add3A_353] : memref<2x160000xi32, #tpu.memory_space<hbm>> -> memref<2x128xi32, #tpu.memory_space<hbm>>
    %dma_wait3A_784 = arith.constant 58 : i32
    %dma_wait3A_785 = arith.constant 0 : i32
    %dma_wait3A_786 = tpu.memref_slice %arg5[%dma_wait3A_784, %dma_wait3A_785] : memref<80x128xi32, #tpu.memory_space<vmem>> -> memref<2x128xi32, #tpu.memory_space<vmem>>
    %dma_wait3A_787 = arith.constant 0 : i32
    %dma_wait3A_788 = tpu.memref_slice %arg3[%dma_wait3A_787, %add3A_353] : memref<2x160000xi32, #tpu.memory_space<hbm>> -> memref<2x128xi32, #tpu.memory_space<hbm>>
    tpu.wait_dma2 semaphore(%arg9 : memref<!tpu.dma_semaphore, #tpu.memory_space<semaphore_mem>>) src(%dma_wait3A_788 : memref<2x128xi32, #tpu.memory_space<hbm>>) dst(%dma_wait3A_786 : memref<2x128xi32, #tpu.memory_space<vmem>>)
    %dma_wait3A_789 = arith.constant 60 : i32
    %dma_wait3A_790 = arith.constant 0 : i32
    %dma_wait3A_791 = tpu.memref_slice %arg5[%dma_wait3A_789, %dma_wait3A_790] : memref<80x128xi32, #tpu.memory_space<vmem>> -> memref<2x128xi32, #tpu.memory_space<vmem>>
    %dma_wait3A_792 = arith.constant 0 : i32
    %dma_wait3A_793 = tpu.memref_slice %arg3[%dma_wait3A_792, %add3A_365] : memref<2x160000xi32, #tpu.memory_space<hbm>> -> memref<2x128xi32, #tpu.memory_space<hbm>>
    %dma_wait3A_794 = arith.constant 60 : i32
    %dma_wait3A_795 = arith.constant 0 : i32
    %dma_wait3A_796 = tpu.memref_slice %arg5[%dma_wait3A_794, %dma_wait3A_795] : memref<80x128xi32, #tpu.memory_space<vmem>> -> memref<2x128xi32, #tpu.memory_space<vmem>>
    %dma_wait3A_797 = arith.constant 0 : i32
    %dma_wait3A_798 = tpu.memref_slice %arg3[%dma_wait3A_797, %add3A_365] : memref<2x160000xi32, #tpu.memory_space<hbm>> -> memref<2x128xi32, #tpu.memory_space<hbm>>
    tpu.wait_dma2 semaphore(%arg9 : memref<!tpu.dma_semaphore, #tpu.memory_space<semaphore_mem>>) src(%dma_wait3A_798 : memref<2x128xi32, #tpu.memory_space<hbm>>) dst(%dma_wait3A_796 : memref<2x128xi32, #tpu.memory_space<vmem>>)
    %dma_wait3A_799 = arith.constant 62 : i32
    %dma_wait3A_800 = arith.constant 0 : i32
    %dma_wait3A_801 = tpu.memref_slice %arg5[%dma_wait3A_799, %dma_wait3A_800] : memref<80x128xi32, #tpu.memory_space<vmem>> -> memref<2x128xi32, #tpu.memory_space<vmem>>
    %dma_wait3A_802 = arith.constant 0 : i32
    %dma_wait3A_803 = tpu.memref_slice %arg3[%dma_wait3A_802, %add3A_377] : memref<2x160000xi32, #tpu.memory_space<hbm>> -> memref<2x128xi32, #tpu.memory_space<hbm>>
    %dma_wait3A_804 = arith.constant 62 : i32
    %dma_wait3A_805 = arith.constant 0 : i32
    %dma_wait3A_806 = tpu.memref_slice %arg5[%dma_wait3A_804, %dma_wait3A_805] : memref<80x128xi32, #tpu.memory_space<vmem>> -> memref<2x128xi32, #tpu.memory_space<vmem>>
    %dma_wait3A_807 = arith.constant 0 : i32
    %dma_wait3A_808 = tpu.memref_slice %arg3[%dma_wait3A_807, %add3A_377] : memref<2x160000xi32, #tpu.memory_space<hbm>> -> memref<2x128xi32, #tpu.memory_space<hbm>>
    tpu.wait_dma2 semaphore(%arg9 : memref<!tpu.dma_semaphore, #tpu.memory_space<semaphore_mem>>) src(%dma_wait3A_808 : memref<2x128xi32, #tpu.memory_space<hbm>>) dst(%dma_wait3A_806 : memref<2x128xi32, #tpu.memory_space<vmem>>)
    %dma_wait3A_809 = arith.constant 64 : i32
    %dma_wait3A_810 = arith.constant 0 : i32
    %dma_wait3A_811 = tpu.memref_slice %arg5[%dma_wait3A_809, %dma_wait3A_810] : memref<80x128xi32, #tpu.memory_space<vmem>> -> memref<2x128xi32, #tpu.memory_space<vmem>>
    %dma_wait3A_812 = arith.constant 0 : i32
    %dma_wait3A_813 = tpu.memref_slice %arg3[%dma_wait3A_812, %add3A_389] : memref<2x160000xi32, #tpu.memory_space<hbm>> -> memref<2x128xi32, #tpu.memory_space<hbm>>
    %dma_wait3A_814 = arith.constant 64 : i32
    %dma_wait3A_815 = arith.constant 0 : i32
    %dma_wait3A_816 = tpu.memref_slice %arg5[%dma_wait3A_814, %dma_wait3A_815] : memref<80x128xi32, #tpu.memory_space<vmem>> -> memref<2x128xi32, #tpu.memory_space<vmem>>
    %dma_wait3A_817 = arith.constant 0 : i32
    %dma_wait3A_818 = tpu.memref_slice %arg3[%dma_wait3A_817, %add3A_389] : memref<2x160000xi32, #tpu.memory_space<hbm>> -> memref<2x128xi32, #tpu.memory_space<hbm>>
    tpu.wait_dma2 semaphore(%arg9 : memref<!tpu.dma_semaphore, #tpu.memory_space<semaphore_mem>>) src(%dma_wait3A_818 : memref<2x128xi32, #tpu.memory_space<hbm>>) dst(%dma_wait3A_816 : memref<2x128xi32, #tpu.memory_space<vmem>>)
    %dma_wait3A_819 = arith.constant 66 : i32
    %dma_wait3A_820 = arith.constant 0 : i32
    %dma_wait3A_821 = tpu.memref_slice %arg5[%dma_wait3A_819, %dma_wait3A_820] : memref<80x128xi32, #tpu.memory_space<vmem>> -> memref<2x128xi32, #tpu.memory_space<vmem>>
    %dma_wait3A_822 = arith.constant 0 : i32
    %dma_wait3A_823 = tpu.memref_slice %arg3[%dma_wait3A_822, %add3A_401] : memref<2x160000xi32, #tpu.memory_space<hbm>> -> memref<2x128xi32, #tpu.memory_space<hbm>>
    %dma_wait3A_824 = arith.constant 66 : i32
    %dma_wait3A_825 = arith.constant 0 : i32
    %dma_wait3A_826 = tpu.memref_slice %arg5[%dma_wait3A_824, %dma_wait3A_825] : memref<80x128xi32, #tpu.memory_space<vmem>> -> memref<2x128xi32, #tpu.memory_space<vmem>>
    %dma_wait3A_827 = arith.constant 0 : i32
    %dma_wait3A_828 = tpu.memref_slice %arg3[%dma_wait3A_827, %add3A_401] : memref<2x160000xi32, #tpu.memory_space<hbm>> -> memref<2x128xi32, #tpu.memory_space<hbm>>
    tpu.wait_dma2 semaphore(%arg9 : memref<!tpu.dma_semaphore, #tpu.memory_space<semaphore_mem>>) src(%dma_wait3A_828 : memref<2x128xi32, #tpu.memory_space<hbm>>) dst(%dma_wait3A_826 : memref<2x128xi32, #tpu.memory_space<vmem>>)
    %dma_wait3A_829 = arith.constant 68 : i32
    %dma_wait3A_830 = arith.constant 0 : i32
    %dma_wait3A_831 = tpu.memref_slice %arg5[%dma_wait3A_829, %dma_wait3A_830] : memref<80x128xi32, #tpu.memory_space<vmem>> -> memref<2x128xi32, #tpu.memory_space<vmem>>
    %dma_wait3A_832 = arith.constant 0 : i32
    %dma_wait3A_833 = tpu.memref_slice %arg3[%dma_wait3A_832, %add3A_413] : memref<2x160000xi32, #tpu.memory_space<hbm>> -> memref<2x128xi32, #tpu.memory_space<hbm>>
    %dma_wait3A_834 = arith.constant 68 : i32
    %dma_wait3A_835 = arith.constant 0 : i32
    %dma_wait3A_836 = tpu.memref_slice %arg5[%dma_wait3A_834, %dma_wait3A_835] : memref<80x128xi32, #tpu.memory_space<vmem>> -> memref<2x128xi32, #tpu.memory_space<vmem>>
    %dma_wait3A_837 = arith.constant 0 : i32
    %dma_wait3A_838 = tpu.memref_slice %arg3[%dma_wait3A_837, %add3A_413] : memref<2x160000xi32, #tpu.memory_space<hbm>> -> memref<2x128xi32, #tpu.memory_space<hbm>>
    tpu.wait_dma2 semaphore(%arg9 : memref<!tpu.dma_semaphore, #tpu.memory_space<semaphore_mem>>) src(%dma_wait3A_838 : memref<2x128xi32, #tpu.memory_space<hbm>>) dst(%dma_wait3A_836 : memref<2x128xi32, #tpu.memory_space<vmem>>)
    %dma_wait3A_839 = arith.constant 70 : i32
    %dma_wait3A_840 = arith.constant 0 : i32
    %dma_wait3A_841 = tpu.memref_slice %arg5[%dma_wait3A_839, %dma_wait3A_840] : memref<80x128xi32, #tpu.memory_space<vmem>> -> memref<2x128xi32, #tpu.memory_space<vmem>>
    %dma_wait3A_842 = arith.constant 0 : i32
    %dma_wait3A_843 = tpu.memref_slice %arg3[%dma_wait3A_842, %add3A_425] : memref<2x160000xi32, #tpu.memory_space<hbm>> -> memref<2x128xi32, #tpu.memory_space<hbm>>
    %dma_wait3A_844 = arith.constant 70 : i32
    %dma_wait3A_845 = arith.constant 0 : i32
    %dma_wait3A_846 = tpu.memref_slice %arg5[%dma_wait3A_844, %dma_wait3A_845] : memref<80x128xi32, #tpu.memory_space<vmem>> -> memref<2x128xi32, #tpu.memory_space<vmem>>
    %dma_wait3A_847 = arith.constant 0 : i32
    %dma_wait3A_848 = tpu.memref_slice %arg3[%dma_wait3A_847, %add3A_425] : memref<2x160000xi32, #tpu.memory_space<hbm>> -> memref<2x128xi32, #tpu.memory_space<hbm>>
    tpu.wait_dma2 semaphore(%arg9 : memref<!tpu.dma_semaphore, #tpu.memory_space<semaphore_mem>>) src(%dma_wait3A_848 : memref<2x128xi32, #tpu.memory_space<hbm>>) dst(%dma_wait3A_846 : memref<2x128xi32, #tpu.memory_space<vmem>>)
    %dma_wait3A_849 = arith.constant 72 : i32
    %dma_wait3A_850 = arith.constant 0 : i32
    %dma_wait3A_851 = tpu.memref_slice %arg5[%dma_wait3A_849, %dma_wait3A_850] : memref<80x128xi32, #tpu.memory_space<vmem>> -> memref<2x128xi32, #tpu.memory_space<vmem>>
    %dma_wait3A_852 = arith.constant 0 : i32
    %dma_wait3A_853 = tpu.memref_slice %arg3[%dma_wait3A_852, %add3A_437] : memref<2x160000xi32, #tpu.memory_space<hbm>> -> memref<2x128xi32, #tpu.memory_space<hbm>>
    %dma_wait3A_854 = arith.constant 72 : i32
    %dma_wait3A_855 = arith.constant 0 : i32
    %dma_wait3A_856 = tpu.memref_slice %arg5[%dma_wait3A_854, %dma_wait3A_855] : memref<80x128xi32, #tpu.memory_space<vmem>> -> memref<2x128xi32, #tpu.memory_space<vmem>>
    %dma_wait3A_857 = arith.constant 0 : i32
    %dma_wait3A_858 = tpu.memref_slice %arg3[%dma_wait3A_857, %add3A_437] : memref<2x160000xi32, #tpu.memory_space<hbm>> -> memref<2x128xi32, #tpu.memory_space<hbm>>
    tpu.wait_dma2 semaphore(%arg9 : memref<!tpu.dma_semaphore, #tpu.memory_space<semaphore_mem>>) src(%dma_wait3A_858 : memref<2x128xi32, #tpu.memory_space<hbm>>) dst(%dma_wait3A_856 : memref<2x128xi32, #tpu.memory_space<vmem>>)
    %dma_wait3A_859 = arith.constant 74 : i32
    %dma_wait3A_860 = arith.constant 0 : i32
    %dma_wait3A_861 = tpu.memref_slice %arg5[%dma_wait3A_859, %dma_wait3A_860] : memref<80x128xi32, #tpu.memory_space<vmem>> -> memref<2x128xi32, #tpu.memory_space<vmem>>
    %dma_wait3A_862 = arith.constant 0 : i32
    %dma_wait3A_863 = tpu.memref_slice %arg3[%dma_wait3A_862, %add3A_449] : memref<2x160000xi32, #tpu.memory_space<hbm>> -> memref<2x128xi32, #tpu.memory_space<hbm>>
    %dma_wait3A_864 = arith.constant 74 : i32
    %dma_wait3A_865 = arith.constant 0 : i32
    %dma_wait3A_866 = tpu.memref_slice %arg5[%dma_wait3A_864, %dma_wait3A_865] : memref<80x128xi32, #tpu.memory_space<vmem>> -> memref<2x128xi32, #tpu.memory_space<vmem>>
    %dma_wait3A_867 = arith.constant 0 : i32
    %dma_wait3A_868 = tpu.memref_slice %arg3[%dma_wait3A_867, %add3A_449] : memref<2x160000xi32, #tpu.memory_space<hbm>> -> memref<2x128xi32, #tpu.memory_space<hbm>>
    tpu.wait_dma2 semaphore(%arg9 : memref<!tpu.dma_semaphore, #tpu.memory_space<semaphore_mem>>) src(%dma_wait3A_868 : memref<2x128xi32, #tpu.memory_space<hbm>>) dst(%dma_wait3A_866 : memref<2x128xi32, #tpu.memory_space<vmem>>)
    %dma_wait3A_869 = arith.constant 76 : i32
    %dma_wait3A_870 = arith.constant 0 : i32
    %dma_wait3A_871 = tpu.memref_slice %arg5[%dma_wait3A_869, %dma_wait3A_870] : memref<80x128xi32, #tpu.memory_space<vmem>> -> memref<2x128xi32, #tpu.memory_space<vmem>>
    %dma_wait3A_872 = arith.constant 0 : i32
    %dma_wait3A_873 = tpu.memref_slice %arg3[%dma_wait3A_872, %add3A_461] : memref<2x160000xi32, #tpu.memory_space<hbm>> -> memref<2x128xi32, #tpu.memory_space<hbm>>
    %dma_wait3A_874 = arith.constant 76 : i32
    %dma_wait3A_875 = arith.constant 0 : i32
    %dma_wait3A_876 = tpu.memref_slice %arg5[%dma_wait3A_874, %dma_wait3A_875] : memref<80x128xi32, #tpu.memory_space<vmem>> -> memref<2x128xi32, #tpu.memory_space<vmem>>
    %dma_wait3A_877 = arith.constant 0 : i32
    %dma_wait3A_878 = tpu.memref_slice %arg3[%dma_wait3A_877, %add3A_461] : memref<2x160000xi32, #tpu.memory_space<hbm>> -> memref<2x128xi32, #tpu.memory_space<hbm>>
    tpu.wait_dma2 semaphore(%arg9 : memref<!tpu.dma_semaphore, #tpu.memory_space<semaphore_mem>>) src(%dma_wait3A_878 : memref<2x128xi32, #tpu.memory_space<hbm>>) dst(%dma_wait3A_876 : memref<2x128xi32, #tpu.memory_space<vmem>>)
    %barrier3A = arith.constant 0 : index
    tpu.barrier barrier_id(%barrier3A)
    %dma_start3A_879 = arith.constant 0 : i32
    %dma_start3A_880 = arith.constant 0 : i32
    %dma_start3A_881 = tpu.memref_slice %arg5[%dma_start3A_879, %dma_start3A_880] : memref<80x128xi32, #tpu.memory_space<vmem>> -> memref<1x128xi32, #tpu.memory_space<vmem>>
    %dma_start3A_882 = tpu.memref_squeeze %dma_start3A_881 : memref<1x128xi32, #tpu.memory_space<vmem>> -> memref<128xi32, #tpu.memory_space<vmem>>
    %dma_start3A_883 = arith.constant 0 : i32
    %dma_start3A_884 = arith.constant 0 : i32
    %dma_start3A_885 = tpu.memref_slice %arg2[%dma_start3A_883, %dma_start3A_884] : memref<10000x128xf32, #tpu.memory_space<hbm>> -> memref<10000x128xf32, #tpu.memory_space<hbm>>
    tpu.enqueue_indirect_dma source(%dma_start3A_885 : memref<10000x128xf32, #tpu.memory_space<hbm>>) target(%arg6 : memref<128x128xf32, #tpu.memory_space<vmem>>) offsets(%dma_start3A_882 : memref<128xi32, #tpu.memory_space<vmem>>) semaphore(%arg10 : memref<!tpu.dma_semaphore, #tpu.memory_space<semaphore_mem>>)
    %scan3A_886 = arith.constant 0 : i32
    %scan3A_887 = arith.constant 0 : i32
    %scan3A_888 = arith.constant 19 : i32
    %scan3A_889 = arith.addi %scan3A_887, %scan3A_888 : i32
    %scan3A_890 = arith.constant 1 : i32
    %scan3A_891 = scf.for %scan3A_930 = %scan3A_887 to %scan3A_889 step %scan3A_890 iter_args(%scan3A_931 = %scan3A_886) -> (i32)  : i32 {
      %mul3A_932 = arith.constant 2 : i32
      %mul3A_933 = arith.muli %scan3A_930, %mul3A_932 : i32
      %add3A_934 = arith.constant 1 : i32
      %add3A_935 = arith.addi %mul3A_933, %add3A_934 : i32
      %ge3A = arith.constant 1 : i32
      %ge3A_936 = arith.cmpi sge, %scan3A_930, %ge3A : i32
      %convert_element_type3A_937 = arith.extui %ge3A_936 : i1 to i32
      %cond3A_938 = arith.constant 0 : i32
      %cond3A_939 = arith.cmpi ne, %convert_element_type3A_937, %cond3A_938 : i32
      scf.if %cond3A_939 {
        %sub3A = arith.constant 1 : i32
        %sub3A_1002 = arith.subi %mul3A_933, %sub3A : i32
        %mul3A_1003 = arith.constant 2 : i32
        %mul3A_1004 = arith.muli %mul3A_1003, %sub3A_1002 : i32
        %add3A_1005 = arith.constant 1 : i32
        %add3A_1006 = arith.addi %mul3A_1004, %add3A_1005 : i32
        %dma_wait3A_1007 = arith.constant 0 : i32
        %dma_wait3A_1008 = tpu.memref_slice %arg5[%add3A_1006, %dma_wait3A_1007] : memref<80x128xi32, #tpu.memory_space<vmem>> -> memref<1x128xi32, #tpu.memory_space<vmem>>
        %dma_wait3A_1009 = tpu.memref_squeeze %dma_wait3A_1008 : memref<1x128xi32, #tpu.memory_space<vmem>> -> memref<128xi32, #tpu.memory_space<vmem>>
        %dma_wait3A_1010 = arith.constant 0 : i32
        %dma_wait3A_1011 = arith.constant 0 : i32
        %dma_wait3A_1012 = tpu.memref_slice %arg8[%dma_wait3A_1010, %dma_wait3A_1011] : memref<10240x128xf32, #tpu.memory_space<vmem_shared>> -> memref<10240x128xf32, #tpu.memory_space<vmem_shared>>
        tpu.wait_indirect_dma semaphore(%arg13 : memref<!tpu.dma_semaphore, #tpu.memory_space<semaphore_mem>>) src(%arg7 : memref<128x128xf32, #tpu.memory_space<vmem>>) dst(%dma_wait3A_1012 : memref<10240x128xf32, #tpu.memory_space<vmem_shared>>)
      } else {
      }
      %mul3A_940 = arith.constant 2 : i32
      %mul3A_941 = arith.muli %mul3A_940, %add3A_935 : i32
      %dma_start3A_942 = arith.constant 0 : i32
      %dma_start3A_943 = tpu.memref_slice %arg5[%mul3A_941, %dma_start3A_942] : memref<80x128xi32, #tpu.memory_space<vmem>> -> memref<1x128xi32, #tpu.memory_space<vmem>>
      %dma_start3A_944 = tpu.memref_squeeze %dma_start3A_943 : memref<1x128xi32, #tpu.memory_space<vmem>> -> memref<128xi32, #tpu.memory_space<vmem>>
      %dma_start3A_945 = arith.constant 0 : i32
      %dma_start3A_946 = arith.constant 0 : i32
      %dma_start3A_947 = tpu.memref_slice %arg2[%dma_start3A_945, %dma_start3A_946] : memref<10000x128xf32, #tpu.memory_space<hbm>> -> memref<10000x128xf32, #tpu.memory_space<hbm>>
      tpu.enqueue_indirect_dma source(%dma_start3A_947 : memref<10000x128xf32, #tpu.memory_space<hbm>>) target(%arg7 : memref<128x128xf32, #tpu.memory_space<vmem>>) offsets(%dma_start3A_944 : memref<128xi32, #tpu.memory_space<vmem>>) semaphore(%arg11 : memref<!tpu.dma_semaphore, #tpu.memory_space<semaphore_mem>>)
      %mul3A_948 = arith.constant 2 : i32
      %mul3A_949 = arith.muli %mul3A_948, %mul3A_933 : i32
      %dma_wait3A_950 = arith.constant 0 : i32
      %dma_wait3A_951 = tpu.memref_slice %arg5[%mul3A_949, %dma_wait3A_950] : memref<80x128xi32, #tpu.memory_space<vmem>> -> memref<1x128xi32, #tpu.memory_space<vmem>>
      %dma_wait3A_952 = tpu.memref_squeeze %dma_wait3A_951 : memref<1x128xi32, #tpu.memory_space<vmem>> -> memref<128xi32, #tpu.memory_space<vmem>>
      %dma_wait3A_953 = arith.constant 0 : i32
      %dma_wait3A_954 = arith.constant 0 : i32
      %dma_wait3A_955 = tpu.memref_slice %arg2[%dma_wait3A_953, %dma_wait3A_954] : memref<10000x128xf32, #tpu.memory_space<hbm>> -> memref<10000x128xf32, #tpu.memory_space<hbm>>
      tpu.wait_indirect_dma semaphore(%arg10 : memref<!tpu.dma_semaphore, #tpu.memory_space<semaphore_mem>>) src(%dma_wait3A_955 : memref<10000x128xf32, #tpu.memory_space<hbm>>) dst(%arg6 : memref<128x128xf32, #tpu.memory_space<vmem>>)
      %mul3A_956 = arith.constant 2 : i32
      %mul3A_957 = arith.muli %mul3A_956, %mul3A_933 : i32
      %add3A_958 = arith.constant 1 : i32
      %add3A_959 = arith.addi %mul3A_957, %add3A_958 : i32
      %dma_start3A_960 = arith.constant 0 : i32
      %dma_start3A_961 = tpu.memref_slice %arg5[%add3A_959, %dma_start3A_960] : memref<80x128xi32, #tpu.memory_space<vmem>> -> memref<1x128xi32, #tpu.memory_space<vmem>>
      %dma_start3A_962 = tpu.memref_squeeze %dma_start3A_961 : memref<1x128xi32, #tpu.memory_space<vmem>> -> memref<128xi32, #tpu.memory_space<vmem>>
      %dma_start3A_963 = arith.constant 0 : i32
      %dma_start3A_964 = arith.constant 0 : i32
      %dma_start3A_965 = tpu.memref_slice %arg8[%dma_start3A_963, %dma_start3A_964] : memref<10240x128xf32, #tpu.memory_space<vmem_shared>> -> memref<10240x128xf32, #tpu.memory_space<vmem_shared>>
      tpu.enqueue_indirect_dma source(%arg6 : memref<128x128xf32, #tpu.memory_space<vmem>>) target(%dma_start3A_965 : memref<10240x128xf32, #tpu.memory_space<vmem_shared>>) offsets(%dma_start3A_962 : memref<128xi32, #tpu.memory_space<vmem>>) semaphore(%arg12 : memref<!tpu.dma_semaphore, #tpu.memory_space<semaphore_mem>>) {add = true}
      %mul3A_966 = arith.constant 2 : i32
      %mul3A_967 = arith.muli %mul3A_966, %mul3A_933 : i32
      %add3A_968 = arith.constant 1 : i32
      %add3A_969 = arith.addi %mul3A_967, %add3A_968 : i32
      %dma_wait3A_970 = arith.constant 0 : i32
      %dma_wait3A_971 = tpu.memref_slice %arg5[%add3A_969, %dma_wait3A_970] : memref<80x128xi32, #tpu.memory_space<vmem>> -> memref<1x128xi32, #tpu.memory_space<vmem>>
      %dma_wait3A_972 = tpu.memref_squeeze %dma_wait3A_971 : memref<1x128xi32, #tpu.memory_space<vmem>> -> memref<128xi32, #tpu.memory_space<vmem>>
      %dma_wait3A_973 = arith.constant 0 : i32
      %dma_wait3A_974 = arith.constant 0 : i32
      %dma_wait3A_975 = tpu.memref_slice %arg8[%dma_wait3A_973, %dma_wait3A_974] : memref<10240x128xf32, #tpu.memory_space<vmem_shared>> -> memref<10240x128xf32, #tpu.memory_space<vmem_shared>>
      tpu.wait_indirect_dma semaphore(%arg12 : memref<!tpu.dma_semaphore, #tpu.memory_space<semaphore_mem>>) src(%arg6 : memref<128x128xf32, #tpu.memory_space<vmem>>) dst(%dma_wait3A_975 : memref<10240x128xf32, #tpu.memory_space<vmem_shared>>)
      %add3A_976 = arith.constant 1 : i32
      %add3A_977 = arith.addi %add3A_935, %add3A_976 : i32
      %lt3A_978 = arith.constant 39 : i32
      %lt3A_979 = arith.cmpi slt, %add3A_977, %lt3A_978 : i32
      %convert_element_type3A_980 = arith.extui %lt3A_979 : i1 to i32
      %cond3A_981 = arith.constant 0 : i32
      %cond3A_982 = arith.cmpi ne, %convert_element_type3A_980, %cond3A_981 : i32
      scf.if %cond3A_982 {
        %add3A_1002 = arith.constant 1 : i32
        %add3A_1003 = arith.addi %add3A_935, %add3A_1002 : i32
        %mul3A_1004 = arith.constant 2 : i32
        %mul3A_1005 = arith.muli %mul3A_1004, %add3A_1003 : i32
        %dma_start3A_1006 = arith.constant 0 : i32
        %dma_start3A_1007 = tpu.memref_slice %arg5[%mul3A_1005, %dma_start3A_1006] : memref<80x128xi32, #tpu.memory_space<vmem>> -> memref<1x128xi32, #tpu.memory_space<vmem>>
        %dma_start3A_1008 = tpu.memref_squeeze %dma_start3A_1007 : memref<1x128xi32, #tpu.memory_space<vmem>> -> memref<128xi32, #tpu.memory_space<vmem>>
        %dma_start3A_1009 = arith.constant 0 : i32
        %dma_start3A_1010 = arith.constant 0 : i32
        %dma_start3A_1011 = tpu.memref_slice %arg2[%dma_start3A_1009, %dma_start3A_1010] : memref<10000x128xf32, #tpu.memory_space<hbm>> -> memref<10000x128xf32, #tpu.memory_space<hbm>>
        tpu.enqueue_indirect_dma source(%dma_start3A_1011 : memref<10000x128xf32, #tpu.memory_space<hbm>>) target(%arg6 : memref<128x128xf32, #tpu.memory_space<vmem>>) offsets(%dma_start3A_1008 : memref<128xi32, #tpu.memory_space<vmem>>) semaphore(%arg10 : memref<!tpu.dma_semaphore, #tpu.memory_space<semaphore_mem>>)
      } else {
      }
      %mul3A_983 = arith.constant 2 : i32
      %mul3A_984 = arith.muli %mul3A_983, %add3A_935 : i32
      %dma_wait3A_985 = arith.constant 0 : i32
      %dma_wait3A_986 = tpu.memref_slice %arg5[%mul3A_984, %dma_wait3A_985] : memref<80x128xi32, #tpu.memory_space<vmem>> -> memref<1x128xi32, #tpu.memory_space<vmem>>
      %dma_wait3A_987 = tpu.memref_squeeze %dma_wait3A_986 : memref<1x128xi32, #tpu.memory_space<vmem>> -> memref<128xi32, #tpu.memory_space<vmem>>
      %dma_wait3A_988 = arith.constant 0 : i32
      %dma_wait3A_989 = arith.constant 0 : i32
      %dma_wait3A_990 = tpu.memref_slice %arg2[%dma_wait3A_988, %dma_wait3A_989] : memref<10000x128xf32, #tpu.memory_space<hbm>> -> memref<10000x128xf32, #tpu.memory_space<hbm>>
      tpu.wait_indirect_dma semaphore(%arg11 : memref<!tpu.dma_semaphore, #tpu.memory_space<semaphore_mem>>) src(%dma_wait3A_990 : memref<10000x128xf32, #tpu.memory_space<hbm>>) dst(%arg7 : memref<128x128xf32, #tpu.memory_space<vmem>>)
      %mul3A_991 = arith.constant 2 : i32
      %mul3A_992 = arith.muli %mul3A_991, %add3A_935 : i32
      %add3A_993 = arith.constant 1 : i32
      %add3A_994 = arith.addi %mul3A_992, %add3A_993 : i32
      %dma_start3A_995 = arith.constant 0 : i32
      %dma_start3A_996 = tpu.memref_slice %arg5[%add3A_994, %dma_start3A_995] : memref<80x128xi32, #tpu.memory_space<vmem>> -> memref<1x128xi32, #tpu.memory_space<vmem>>
      %dma_start3A_997 = tpu.memref_squeeze %dma_start3A_996 : memref<1x128xi32, #tpu.memory_space<vmem>> -> memref<128xi32, #tpu.memory_space<vmem>>
      %dma_start3A_998 = arith.constant 0 : i32
      %dma_start3A_999 = arith.constant 0 : i32
      %dma_start3A_1000 = tpu.memref_slice %arg8[%dma_start3A_998, %dma_start3A_999] : memref<10240x128xf32, #tpu.memory_space<vmem_shared>> -> memref<10240x128xf32, #tpu.memory_space<vmem_shared>>
      tpu.enqueue_indirect_dma source(%arg7 : memref<128x128xf32, #tpu.memory_space<vmem>>) target(%dma_start3A_1000 : memref<10240x128xf32, #tpu.memory_space<vmem_shared>>) offsets(%dma_start3A_997 : memref<128xi32, #tpu.memory_space<vmem>>) semaphore(%arg13 : memref<!tpu.dma_semaphore, #tpu.memory_space<semaphore_mem>>) {add = true}
      %scan3A_1001 = arith.constant 0 : i32
      scf.yield %scan3A_1001 : i32
    }
    %scan3A_892 = arith.constant 19 : i32
    %dma_wait3A_893 = arith.constant 75 : i32
    %dma_wait3A_894 = arith.constant 0 : i32
    %dma_wait3A_895 = tpu.memref_slice %arg5[%dma_wait3A_893, %dma_wait3A_894] : memref<80x128xi32, #tpu.memory_space<vmem>> -> memref<1x128xi32, #tpu.memory_space<vmem>>
    %dma_wait3A_896 = tpu.memref_squeeze %dma_wait3A_895 : memref<1x128xi32, #tpu.memory_space<vmem>> -> memref<128xi32, #tpu.memory_space<vmem>>
    %dma_wait3A_897 = arith.constant 0 : i32
    %dma_wait3A_898 = arith.constant 0 : i32
    %dma_wait3A_899 = tpu.memref_slice %arg8[%dma_wait3A_897, %dma_wait3A_898] : memref<10240x128xf32, #tpu.memory_space<vmem_shared>> -> memref<10240x128xf32, #tpu.memory_space<vmem_shared>>
    tpu.wait_indirect_dma semaphore(%arg13 : memref<!tpu.dma_semaphore, #tpu.memory_space<semaphore_mem>>) src(%arg7 : memref<128x128xf32, #tpu.memory_space<vmem>>) dst(%dma_wait3A_899 : memref<10240x128xf32, #tpu.memory_space<vmem_shared>>)
    %dma_wait3A_900 = arith.constant 76 : i32
    %dma_wait3A_901 = arith.constant 0 : i32
    %dma_wait3A_902 = tpu.memref_slice %arg5[%dma_wait3A_900, %dma_wait3A_901] : memref<80x128xi32, #tpu.memory_space<vmem>> -> memref<1x128xi32, #tpu.memory_space<vmem>>
    %dma_wait3A_903 = tpu.memref_squeeze %dma_wait3A_902 : memref<1x128xi32, #tpu.memory_space<vmem>> -> memref<128xi32, #tpu.memory_space<vmem>>
    %dma_wait3A_904 = arith.constant 0 : i32
    %dma_wait3A_905 = arith.constant 0 : i32
    %dma_wait3A_906 = tpu.memref_slice %arg2[%dma_wait3A_904, %dma_wait3A_905] : memref<10000x128xf32, #tpu.memory_space<hbm>> -> memref<10000x128xf32, #tpu.memory_space<hbm>>
    tpu.wait_indirect_dma semaphore(%arg10 : memref<!tpu.dma_semaphore, #tpu.memory_space<semaphore_mem>>) src(%dma_wait3A_906 : memref<10000x128xf32, #tpu.memory_space<hbm>>) dst(%arg6 : memref<128x128xf32, #tpu.memory_space<vmem>>)
    %dma_start3A_907 = arith.constant 77 : i32
    %dma_start3A_908 = arith.constant 0 : i32
    %dma_start3A_909 = tpu.memref_slice %arg5[%dma_start3A_907, %dma_start3A_908] : memref<80x128xi32, #tpu.memory_space<vmem>> -> memref<1x128xi32, #tpu.memory_space<vmem>>
    %dma_start3A_910 = tpu.memref_squeeze %dma_start3A_909 : memref<1x128xi32, #tpu.memory_space<vmem>> -> memref<128xi32, #tpu.memory_space<vmem>>
    %dma_start3A_911 = arith.constant 0 : i32
    %dma_start3A_912 = arith.constant 0 : i32
    %dma_start3A_913 = tpu.memref_slice %arg8[%dma_start3A_911, %dma_start3A_912] : memref<10240x128xf32, #tpu.memory_space<vmem_shared>> -> memref<10240x128xf32, #tpu.memory_space<vmem_shared>>
    tpu.enqueue_indirect_dma source(%arg6 : memref<128x128xf32, #tpu.memory_space<vmem>>) target(%dma_start3A_913 : memref<10240x128xf32, #tpu.memory_space<vmem_shared>>) offsets(%dma_start3A_910 : memref<128xi32, #tpu.memory_space<vmem>>) semaphore(%arg12 : memref<!tpu.dma_semaphore, #tpu.memory_space<semaphore_mem>>) {add = true}
    %dma_wait3A_914 = arith.constant 77 : i32
    %dma_wait3A_915 = arith.constant 0 : i32
    %dma_wait3A_916 = tpu.memref_slice %arg5[%dma_wait3A_914, %dma_wait3A_915] : memref<80x128xi32, #tpu.memory_space<vmem>> -> memref<1x128xi32, #tpu.memory_space<vmem>>
    %dma_wait3A_917 = tpu.memref_squeeze %dma_wait3A_916 : memref<1x128xi32, #tpu.memory_space<vmem>> -> memref<128xi32, #tpu.memory_space<vmem>>
    %dma_wait3A_918 = arith.constant 0 : i32
    %dma_wait3A_919 = arith.constant 0 : i32
    %dma_wait3A_920 = tpu.memref_slice %arg8[%dma_wait3A_918, %dma_wait3A_919] : memref<10240x128xf32, #tpu.memory_space<vmem_shared>> -> memref<10240x128xf32, #tpu.memory_space<vmem_shared>>
    tpu.wait_indirect_dma semaphore(%arg12 : memref<!tpu.dma_semaphore, #tpu.memory_space<semaphore_mem>>) src(%arg6 : memref<128x128xf32, #tpu.memory_space<vmem>>) dst(%dma_wait3A_920 : memref<10240x128xf32, #tpu.memory_space<vmem_shared>>)
    %lt3A_921 = arith.constant 2 : i32
    %lt3A_922 = arith.cmpi slt, %add3A, %lt3A_921 : i32
    %convert_element_type3A_923 = arith.extui %lt3A_922 : i1 to i32
    %cond3A_924 = arith.constant 0 : i32
    %cond3A_925 = arith.cmpi ne, %convert_element_type3A_923, %cond3A_924 : i32
    scf.if %cond3A_925 {
      %dma_start3A_930 = arith.constant 78 : i32
      %dma_start3A_931 = arith.constant 0 : i32
      %dma_start3A_932 = tpu.memref_slice %arg5[%dma_start3A_930, %dma_start3A_931] : memref<80x128xi32, #tpu.memory_space<vmem>> -> memref<1x128xi32, #tpu.memory_space<vmem>>
      %dma_start3A_933 = tpu.memref_squeeze %dma_start3A_932 : memref<1x128xi32, #tpu.memory_space<vmem>> -> memref<128xi32, #tpu.memory_space<vmem>>
      %dma_start3A_934 = arith.constant 0 : i32
      %dma_start3A_935 = arith.constant 0 : i32
      %dma_start3A_936 = tpu.memref_slice %arg2[%dma_start3A_934, %dma_start3A_935] : memref<10000x128xf32, #tpu.memory_space<hbm>> -> memref<10000x128xf32, #tpu.memory_space<hbm>>
      tpu.enqueue_indirect_dma source(%dma_start3A_936 : memref<10000x128xf32, #tpu.memory_space<hbm>>) target(%arg7 : memref<128x128xf32, #tpu.memory_space<vmem>>) offsets(%dma_start3A_933 : memref<128xi32, #tpu.memory_space<vmem>>) semaphore(%arg11 : memref<!tpu.dma_semaphore, #tpu.memory_space<semaphore_mem>>)
      %dma_wait3A_937 = arith.constant 78 : i32
      %dma_wait3A_938 = arith.constant 0 : i32
      %dma_wait3A_939 = tpu.memref_slice %arg5[%dma_wait3A_937, %dma_wait3A_938] : memref<80x128xi32, #tpu.memory_space<vmem>> -> memref<1x128xi32, #tpu.memory_space<vmem>>
      %dma_wait3A_940 = tpu.memref_squeeze %dma_wait3A_939 : memref<1x128xi32, #tpu.memory_space<vmem>> -> memref<128xi32, #tpu.memory_space<vmem>>
      %dma_wait3A_941 = arith.constant 0 : i32
      %dma_wait3A_942 = arith.constant 0 : i32
      %dma_wait3A_943 = tpu.memref_slice %arg2[%dma_wait3A_941, %dma_wait3A_942] : memref<10000x128xf32, #tpu.memory_space<hbm>> -> memref<10000x128xf32, #tpu.memory_space<hbm>>
      tpu.wait_indirect_dma semaphore(%arg11 : memref<!tpu.dma_semaphore, #tpu.memory_space<semaphore_mem>>) src(%dma_wait3A_943 : memref<10000x128xf32, #tpu.memory_space<hbm>>) dst(%arg7 : memref<128x128xf32, #tpu.memory_space<vmem>>)
      %dma_start3A_944 = arith.constant 79 : i32
      %dma_start3A_945 = arith.constant 0 : i32
      %dma_start3A_946 = tpu.memref_slice %arg5[%dma_start3A_944, %dma_start3A_945] : memref<80x128xi32, #tpu.memory_space<vmem>> -> memref<1x128xi32, #tpu.memory_space<vmem>>
      %dma_start3A_947 = tpu.memref_squeeze %dma_start3A_946 : memref<1x128xi32, #tpu.memory_space<vmem>> -> memref<128xi32, #tpu.memory_space<vmem>>
      %dma_start3A_948 = arith.constant 0 : i32
      %dma_start3A_949 = arith.constant 0 : i32
      %dma_start3A_950 = tpu.memref_slice %arg8[%dma_start3A_948, %dma_start3A_949] : memref<10240x128xf32, #tpu.memory_space<vmem_shared>> -> memref<10240x128xf32, #tpu.memory_space<vmem_shared>>
      tpu.enqueue_indirect_dma source(%arg7 : memref<128x128xf32, #tpu.memory_space<vmem>>) target(%dma_start3A_950 : memref<10240x128xf32, #tpu.memory_space<vmem_shared>>) offsets(%dma_start3A_947 : memref<128xi32, #tpu.memory_space<vmem>>) semaphore(%arg13 : memref<!tpu.dma_semaphore, #tpu.memory_space<semaphore_mem>>) {add = true}
      %dma_wait3A_951 = arith.constant 79 : i32
      %dma_wait3A_952 = arith.constant 0 : i32
      %dma_wait3A_953 = tpu.memref_slice %arg5[%dma_wait3A_951, %dma_wait3A_952] : memref<80x128xi32, #tpu.memory_space<vmem>> -> memref<1x128xi32, #tpu.memory_space<vmem>>
      %dma_wait3A_954 = tpu.memref_squeeze %dma_wait3A_953 : memref<1x128xi32, #tpu.memory_space<vmem>> -> memref<128xi32, #tpu.memory_space<vmem>>
      %dma_wait3A_955 = arith.constant 0 : i32
      %dma_wait3A_956 = arith.constant 0 : i32
      %dma_wait3A_957 = tpu.memref_slice %arg8[%dma_wait3A_955, %dma_wait3A_956] : memref<10240x128xf32, #tpu.memory_space<vmem_shared>> -> memref<10240x128xf32, #tpu.memory_space<vmem_shared>>
      tpu.wait_indirect_dma semaphore(%arg13 : memref<!tpu.dma_semaphore, #tpu.memory_space<semaphore_mem>>) src(%arg7 : memref<128x128xf32, #tpu.memory_space<vmem>>) dst(%dma_wait3A_957 : memref<10240x128xf32, #tpu.memory_space<vmem_shared>>)
    } else {
    }
    %barrier3A_926 = arith.constant 0 : index
    tpu.barrier barrier_id(%barrier3A_926)
    %mul3A_927 = arith.constant 10240 : i32
    %mul3A_928 = arith.muli %arg0, %mul3A_927 : i32
    %add3A_929 = arith.addi %mul3A_928, %mul3A_4 : i32
    "tpu.region"() ({
      %run_scoped3A = tpu.sem_alloc : memref<!tpu.dma_semaphore, #tpu.memory_space<semaphore_mem>>
      %dma_start3A_930 = arith.constant 0 : i32
      %dma_start3A_931 = tpu.memref_slice %arg4[%add3A_929, %dma_start3A_930] : memref<20480x128xf32, #tpu.memory_space<hbm>> -> memref<640x128xf32, #tpu.memory_space<hbm>>
      %dma_start3A_932 = arith.constant 0 : i32
      %dma_start3A_933 = tpu.memref_slice %arg8[%mul3A_4, %dma_start3A_932] : memref<10240x128xf32, #tpu.memory_space<vmem_shared>> -> memref<640x128xf32, #tpu.memory_space<vmem_shared>>
      tpu.enqueue_dma source(%dma_start3A_933 : memref<640x128xf32, #tpu.memory_space<vmem_shared>>) target(%dma_start3A_931 : memref<640x128xf32, #tpu.memory_space<hbm>>) target_semaphore(%run_scoped3A : memref<!tpu.dma_semaphore, #tpu.memory_space<semaphore_mem>>)
      %dma_wait3A_934 = arith.constant 0 : i32
      %dma_wait3A_935 = tpu.memref_slice %arg4[%add3A_929, %dma_wait3A_934] : memref<20480x128xf32, #tpu.memory_space<hbm>> -> memref<640x128xf32, #tpu.memory_space<hbm>>
      %dma_wait3A_936 = arith.constant 0 : i32
      %dma_wait3A_937 = tpu.memref_slice %arg8[%mul3A_4, %dma_wait3A_936] : memref<10240x128xf32, #tpu.memory_space<vmem_shared>> -> memref<640x128xf32, #tpu.memory_space<vmem_shared>>
      tpu.wait_dma2 semaphore(%run_scoped3A : memref<!tpu.dma_semaphore, #tpu.memory_space<semaphore_mem>>) src(%dma_wait3A_937 : memref<640x128xf32, #tpu.memory_space<vmem_shared>>) dst(%dma_wait3A_935 : memref<640x128xf32, #tpu.memory_space<hbm>>)
      tpu.yield
    }) : () -> ()
    return
  }
}

#map = affine_map<(d0, d1) -> (0, 0)>
#map1 = affine_map<(d0, d1) -> (0)>
module attributes {stable_mosaic.version = 14 : i64} {
  func.func @_p2b(%arg0: i32, %arg1: i32, %arg2: memref<2x160000xi32, #tpu.memory_space<hbm>>, %arg3: memref<10240xf32, #tpu.memory_space<hbm>>, %arg4: memref<2x10240xf32, #tpu.memory_space<hbm>>, %arg5: memref<2x5120xi32, #tpu.memory_space<vmem>>, %arg6: memref<10240xf32, #tpu.memory_space<vmem>>, %arg7: memref<10240xf32, #tpu.memory_space<vmem>>, %arg8: memref<16x640xf32, #tpu.memory_space<vmem>>, %arg9: memref<640xf32, #tpu.memory_space<vmem>>, %arg10: memref<16x10240xf32, #tpu.memory_space<vmem_shared>>, %arg11: memref<!tpu.dma_semaphore, #tpu.memory_space<semaphore_mem>>) attributes {dimension_semantics = [#tpu.dimension_semantics<core_parallel>, #tpu.dimension_semantics<subcore_parallel>], iteration_bounds = array<i64: 2, 16>, scalar_prefetch = 0 : i64, scratch_operands = 7 : i64, tpu.core_type = #tpu.core_type<sc_vector_subcore>, window_params = [{transform_indices = #map}, {transform_indices = #map1}, {transform_indices = #map}]} {
    %mul3A = arith.constant 2 : i32
    %mul3A_0 = arith.muli %arg1, %mul3A : i32
    %add3A = arith.addi %mul3A_0, %arg0 : i32
    %mul3A_1 = arith.constant 4992 : i32
    %mul3A_2 = arith.muli %add3A, %mul3A_1 : i32
    %dma_start3A = arith.constant 0 : i32
    %dma_start3A_3 = arith.constant 0 : i32
    %dma_start3A_4 = tpu.memref_slice %arg5[%dma_start3A, %dma_start3A_3] : memref<2x5120xi32, #tpu.memory_space<vmem>> -> memref<2x4992xi32, #tpu.memory_space<vmem>>
    %dma_start3A_5 = arith.constant 0 : i32
    %dma_start3A_6 = tpu.memref_slice %arg2[%dma_start3A_5, %mul3A_2] : memref<2x160000xi32, #tpu.memory_space<hbm>> -> memref<2x4992xi32, #tpu.memory_space<hbm>>
    %dma_start3A_7 = arith.constant 0 : i32
    %dma_start3A_8 = arith.constant 0 : i32
    %dma_start3A_9 = tpu.memref_slice %arg5[%dma_start3A_7, %dma_start3A_8] : memref<2x5120xi32, #tpu.memory_space<vmem>> -> memref<2x4992xi32, #tpu.memory_space<vmem>>
    %dma_start3A_10 = arith.constant 0 : i32
    %dma_start3A_11 = tpu.memref_slice %arg2[%dma_start3A_10, %mul3A_2] : memref<2x160000xi32, #tpu.memory_space<hbm>> -> memref<2x4992xi32, #tpu.memory_space<hbm>>
    tpu.enqueue_dma source(%dma_start3A_11 : memref<2x4992xi32, #tpu.memory_space<hbm>>) target(%dma_start3A_9 : memref<2x4992xi32, #tpu.memory_space<vmem>>) target_semaphore(%arg11 : memref<!tpu.dma_semaphore, #tpu.memory_space<semaphore_mem>>)
    %lt3A = arith.constant 2 : i32
    %lt3A_12 = arith.cmpi slt, %add3A, %lt3A : i32
    %convert_element_type3A = arith.extui %lt3A_12 : i1 to i32
    %cond3A = arith.constant 0 : i32
    %cond3A_13 = arith.cmpi ne, %convert_element_type3A, %cond3A : i32
    scf.if %cond3A_13 {
      %mul3A_52 = arith.constant 128 : i32
      %mul3A_53 = arith.muli %add3A, %mul3A_52 : i32
      %add3A_54 = arith.constant 159744 : i32
      %add3A_55 = arith.addi %add3A_54, %mul3A_53 : i32
      "tpu.region"() ({
        %run_scoped3A = tpu.sem_alloc : memref<!tpu.dma_semaphore, #tpu.memory_space<semaphore_mem>>
        %dma_start3A_56 = arith.constant 0 : i32
        %dma_start3A_57 = arith.constant 4992 : i32
        %dma_start3A_58 = tpu.memref_slice %arg5[%dma_start3A_56, %dma_start3A_57] : memref<2x5120xi32, #tpu.memory_space<vmem>> -> memref<2x128xi32, #tpu.memory_space<vmem>>
        %dma_start3A_59 = arith.constant 0 : i32
        %dma_start3A_60 = tpu.memref_slice %arg2[%dma_start3A_59, %add3A_55] : memref<2x160000xi32, #tpu.memory_space<hbm>> -> memref<2x128xi32, #tpu.memory_space<hbm>>
        %dma_start3A_61 = arith.constant 0 : i32
        %dma_start3A_62 = arith.constant 4992 : i32
        %dma_start3A_63 = tpu.memref_slice %arg5[%dma_start3A_61, %dma_start3A_62] : memref<2x5120xi32, #tpu.memory_space<vmem>> -> memref<2x128xi32, #tpu.memory_space<vmem>>
        %dma_start3A_64 = arith.constant 0 : i32
        %dma_start3A_65 = tpu.memref_slice %arg2[%dma_start3A_64, %add3A_55] : memref<2x160000xi32, #tpu.memory_space<hbm>> -> memref<2x128xi32, #tpu.memory_space<hbm>>
        tpu.enqueue_dma source(%dma_start3A_65 : memref<2x128xi32, #tpu.memory_space<hbm>>) target(%dma_start3A_63 : memref<2x128xi32, #tpu.memory_space<vmem>>) target_semaphore(%run_scoped3A : memref<!tpu.dma_semaphore, #tpu.memory_space<semaphore_mem>>)
        %dma_wait3A_66 = arith.constant 0 : i32
        %dma_wait3A_67 = arith.constant 4992 : i32
        %dma_wait3A_68 = tpu.memref_slice %arg5[%dma_wait3A_66, %dma_wait3A_67] : memref<2x5120xi32, #tpu.memory_space<vmem>> -> memref<2x128xi32, #tpu.memory_space<vmem>>
        %dma_wait3A_69 = arith.constant 0 : i32
        %dma_wait3A_70 = tpu.memref_slice %arg2[%dma_wait3A_69, %add3A_55] : memref<2x160000xi32, #tpu.memory_space<hbm>> -> memref<2x128xi32, #tpu.memory_space<hbm>>
        %dma_wait3A_71 = arith.constant 0 : i32
        %dma_wait3A_72 = arith.constant 4992 : i32
        %dma_wait3A_73 = tpu.memref_slice %arg5[%dma_wait3A_71, %dma_wait3A_72] : memref<2x5120xi32, #tpu.memory_space<vmem>> -> memref<2x128xi32, #tpu.memory_space<vmem>>
        %dma_wait3A_74 = arith.constant 0 : i32
        %dma_wait3A_75 = tpu.memref_slice %arg2[%dma_wait3A_74, %add3A_55] : memref<2x160000xi32, #tpu.memory_space<hbm>> -> memref<2x128xi32, #tpu.memory_space<hbm>>
        tpu.wait_dma2 semaphore(%run_scoped3A : memref<!tpu.dma_semaphore, #tpu.memory_space<semaphore_mem>>) src(%dma_wait3A_75 : memref<2x128xi32, #tpu.memory_space<hbm>>) dst(%dma_wait3A_73 : memref<2x128xi32, #tpu.memory_space<vmem>>)
        tpu.yield
      }) : () -> ()
    } else {
    }
    tpu.enqueue_dma source(%arg3 : memref<10240xf32, #tpu.memory_space<hbm>>) target(%arg6 : memref<10240xf32, #tpu.memory_space<vmem>>) target_semaphore(%arg11 : memref<!tpu.dma_semaphore, #tpu.memory_space<semaphore_mem>>)
    %scan3A = arith.constant 0 : i32
    %scan3A_14 = arith.constant 0 : i32
    %scan3A_15 = arith.constant 640 : i32
    %scan3A_16 = arith.addi %scan3A_14, %scan3A_15 : i32
    %scan3A_17 = arith.constant 1 : i32
    %scan3A_18 = scf.for %scan3A_52 = %scan3A_14 to %scan3A_16 step %scan3A_17 iter_args(%scan3A_53 = %scan3A) -> (i32)  : i32 {
      %broadcast_in_dim3A = arith.constant 0.000000e+00 : f32
      %broadcast_in_dim3A_54 = vector.broadcast %broadcast_in_dim3A : f32 to vector<16xf32>
      %mul3A_55 = arith.constant 16 : i32
      %mul3A_56 = arith.muli %scan3A_52, %mul3A_55 : i32
      %swap3A = arith.index_cast %mul3A_56 : i32 to index
      %swap3A_57 = tpu.vector_load %arg7[%swap3A] {strides = array<i32>} : memref<10240xf32, #tpu.memory_space<vmem>>, vector<16xf32>,
      tpu.vector_store %arg7[%swap3A], %broadcast_in_dim3A_54 {strides = array<i32>} : memref<10240xf32, #tpu.memory_space<vmem>>, vector<16xf32>,
      %scan3A_58 = arith.constant 0 : i32
      scf.yield %scan3A_58 : i32
    }
    %scan3A_19 = arith.constant 640 : i32
    %dma_wait3A = arith.constant 0 : i32
    %dma_wait3A_20 = arith.constant 0 : i32
    %dma_wait3A_21 = tpu.memref_slice %arg5[%dma_wait3A, %dma_wait3A_20] : memref<2x5120xi32, #tpu.memory_space<vmem>> -> memref<2x4992xi32, #tpu.memory_space<vmem>>
    %dma_wait3A_22 = arith.constant 0 : i32
    %dma_wait3A_23 = tpu.memref_slice %arg2[%dma_wait3A_22, %mul3A_2] : memref<2x160000xi32, #tpu.memory_space<hbm>> -> memref<2x4992xi32, #tpu.memory_space<hbm>>
    %dma_wait3A_24 = arith.constant 0 : i32
    %dma_wait3A_25 = arith.constant 0 : i32
    %dma_wait3A_26 = tpu.memref_slice %arg5[%dma_wait3A_24, %dma_wait3A_25] : memref<2x5120xi32, #tpu.memory_space<vmem>> -> memref<2x4992xi32, #tpu.memory_space<vmem>>
    %dma_wait3A_27 = arith.constant 0 : i32
    %dma_wait3A_28 = tpu.memref_slice %arg2[%dma_wait3A_27, %mul3A_2] : memref<2x160000xi32, #tpu.memory_space<hbm>> -> memref<2x4992xi32, #tpu.memory_space<hbm>>
    tpu.wait_dma2 semaphore(%arg11 : memref<!tpu.dma_semaphore, #tpu.memory_space<semaphore_mem>>) src(%dma_wait3A_28 : memref<2x4992xi32, #tpu.memory_space<hbm>>) dst(%dma_wait3A_26 : memref<2x4992xi32, #tpu.memory_space<vmem>>)
    tpu.wait_dma2 semaphore(%arg11 : memref<!tpu.dma_semaphore, #tpu.memory_space<semaphore_mem>>) src(%arg3 : memref<10240xf32, #tpu.memory_space<hbm>>) dst(%arg6 : memref<10240xf32, #tpu.memory_space<vmem>>)
    %scan3A_29 = arith.constant 0 : i32
    %scan3A_30 = arith.constant 0 : i32
    %scan3A_31 = arith.constant 312 : i32
    %scan3A_32 = arith.addi %scan3A_30, %scan3A_31 : i32
    %scan3A_33 = arith.constant 1 : i32
    %scan3A_34 = scf.for %scan3A_52 = %scan3A_30 to %scan3A_32 step %scan3A_33 iter_args(%scan3A_53 = %scan3A_29) -> (i32)  : i32 {
      %mul3A_54 = arith.constant 16 : i32
      %mul3A_55 = arith.muli %scan3A_52, %mul3A_54 : i32
      %get3A = arith.constant 1 : i32
      %get3A_56 = arith.index_cast %get3A : i32 to index
      %get3A_57 = arith.index_cast %mul3A_55 : i32 to index
      %get3A_58 = tpu.vector_load %arg5[%get3A_56, %get3A_57] {strides = array<i32>} : memref<2x5120xi32, #tpu.memory_space<vmem>>, vector<16xi32>,
      %gather3A = tpu.vector_load_idx %arg6[%get3A_58] : memref<10240xf32, #tpu.memory_space<vmem>>[vector<16xi32>], vector<16xf32>,
      %mul3A_59 = arith.constant 16 : i32
      %mul3A_60 = arith.muli %scan3A_52, %mul3A_59 : i32
      %get3A_61 = arith.constant 0 : i32
      %get3A_62 = arith.index_cast %get3A_61 : i32 to index
      %get3A_63 = arith.index_cast %mul3A_60 : i32 to index
      %get3A_64 = tpu.vector_load %arg5[%get3A_62, %get3A_63] {strides = array<i32>} : memref<2x5120xi32, #tpu.memory_space<vmem>>, vector<16xi32>,
      tpu.vector_store_idx %arg7[%get3A_64], %gather3A {add = true} : memref<10240xf32, #tpu.memory_space<vmem>>[vector<16xi32>], vector<16xf32>,
      %scan3A_65 = arith.constant 0 : i32
      scf.yield %scan3A_65 : i32
    }
    %scan3A_35 = arith.constant 312 : i32
    %lt3A_36 = arith.constant 2 : i32
    %lt3A_37 = arith.cmpi slt, %add3A, %lt3A_36 : i32
    %convert_element_type3A_38 = arith.extui %lt3A_37 : i1 to i32
    %cond3A_39 = arith.constant 0 : i32
    %cond3A_40 = arith.cmpi ne, %convert_element_type3A_38, %cond3A_39 : i32
    scf.if %cond3A_40 {
      %scan3A_52 = arith.constant 0 : i32
      %scan3A_53 = arith.constant 312 : i32
      %scan3A_54 = arith.constant 8 : i32
      %scan3A_55 = arith.addi %scan3A_53, %scan3A_54 : i32
      %scan3A_56 = arith.constant 1 : i32
      %scan3A_57 = scf.for %scan3A_59 = %scan3A_53 to %scan3A_55 step %scan3A_56 iter_args(%scan3A_60 = %scan3A_52) -> (i32)  : i32 {
        %mul3A_61 = arith.constant 16 : i32
        %mul3A_62 = arith.muli %scan3A_59, %mul3A_61 : i32
        %get3A = arith.constant 1 : i32
        %get3A_63 = arith.index_cast %get3A : i32 to index
        %get3A_64 = arith.index_cast %mul3A_62 : i32 to index
        %get3A_65 = tpu.vector_load %arg5[%get3A_63, %get3A_64] {strides = array<i32>} : memref<2x5120xi32, #tpu.memory_space<vmem>>, vector<16xi32>,
        %gather3A = tpu.vector_load_idx %arg6[%get3A_65] : memref<10240xf32, #tpu.memory_space<vmem>>[vector<16xi32>], vector<16xf32>,
        %mul3A_66 = arith.constant 16 : i32
        %mul3A_67 = arith.muli %scan3A_59, %mul3A_66 : i32
        %get3A_68 = arith.constant 0 : i32
        %get3A_69 = arith.index_cast %get3A_68 : i32 to index
        %get3A_70 = arith.index_cast %mul3A_67 : i32 to index
        %get3A_71 = tpu.vector_load %arg5[%get3A_69, %get3A_70] {strides = array<i32>} : memref<2x5120xi32, #tpu.memory_space<vmem>>, vector<16xi32>,
        tpu.vector_store_idx %arg7[%get3A_71], %gather3A {add = true} : memref<10240xf32, #tpu.memory_space<vmem>>[vector<16xi32>], vector<16xf32>,
        %scan3A_72 = arith.constant 0 : i32
        scf.yield %scan3A_72 : i32
      }
      %scan3A_58 = arith.constant 8 : i32
    } else {
    }
    "tpu.region"() ({
      %run_scoped3A = tpu.sem_alloc : memref<!tpu.dma_semaphore, #tpu.memory_space<semaphore_mem>>
      %dma_start3A_52 = arith.constant 0 : i32
      %dma_start3A_53 = tpu.memref_slice %arg10[%arg1, %dma_start3A_52] : memref<16x10240xf32, #tpu.memory_space<vmem_shared>> -> memref<1x10240xf32, #tpu.memory_space<vmem_shared>>
      %dma_start3A_54 = tpu.memref_squeeze %dma_start3A_53 : memref<1x10240xf32, #tpu.memory_space<vmem_shared>> -> memref<10240xf32, #tpu.memory_space<vmem_shared>>
      %dma_start3A_55 = arith.constant 0 : i32
      %dma_start3A_56 = tpu.memref_slice %arg10[%arg1, %dma_start3A_55] : memref<16x10240xf32, #tpu.memory_space<vmem_shared>> -> memref<1x10240xf32, #tpu.memory_space<vmem_shared>>
      %dma_start3A_57 = tpu.memref_squeeze %dma_start3A_56 : memref<1x10240xf32, #tpu.memory_space<vmem_shared>> -> memref<10240xf32, #tpu.memory_space<vmem_shared>>
      tpu.enqueue_dma source(%arg7 : memref<10240xf32, #tpu.memory_space<vmem>>) target(%dma_start3A_57 : memref<10240xf32, #tpu.memory_space<vmem_shared>>) target_semaphore(%run_scoped3A : memref<!tpu.dma_semaphore, #tpu.memory_space<semaphore_mem>>)
      %dma_wait3A_58 = arith.constant 0 : i32
      %dma_wait3A_59 = tpu.memref_slice %arg10[%arg1, %dma_wait3A_58] : memref<16x10240xf32, #tpu.memory_space<vmem_shared>> -> memref<1x10240xf32, #tpu.memory_space<vmem_shared>>
      %dma_wait3A_60 = tpu.memref_squeeze %dma_wait3A_59 : memref<1x10240xf32, #tpu.memory_space<vmem_shared>> -> memref<10240xf32, #tpu.memory_space<vmem_shared>>
      %dma_wait3A_61 = arith.constant 0 : i32
      %dma_wait3A_62 = tpu.memref_slice %arg10[%arg1, %dma_wait3A_61] : memref<16x10240xf32, #tpu.memory_space<vmem_shared>> -> memref<1x10240xf32, #tpu.memory_space<vmem_shared>>
      %dma_wait3A_63 = tpu.memref_squeeze %dma_wait3A_62 : memref<1x10240xf32, #tpu.memory_space<vmem_shared>> -> memref<10240xf32, #tpu.memory_space<vmem_shared>>
      tpu.wait_dma2 semaphore(%run_scoped3A : memref<!tpu.dma_semaphore, #tpu.memory_space<semaphore_mem>>) src(%arg7 : memref<10240xf32, #tpu.memory_space<vmem>>) dst(%dma_wait3A_63 : memref<10240xf32, #tpu.memory_space<vmem_shared>>)
      tpu.yield
    }) : () -> ()
    %barrier3A = arith.constant 0 : index
    tpu.barrier barrier_id(%barrier3A)
    %mul3A_41 = arith.constant 640 : i32
    %mul3A_42 = arith.muli %arg1, %mul3A_41 : i32
    "tpu.region"() ({
      %run_scoped3A = tpu.sem_alloc : memref<!tpu.dma_semaphore, #tpu.memory_space<semaphore_mem>>
      %dma_start3A_52 = arith.constant 0 : i32
      %dma_start3A_53 = tpu.memref_slice %arg10[%dma_start3A_52, %mul3A_42] : memref<16x10240xf32, #tpu.memory_space<vmem_shared>> -> memref<16x640xf32, #tpu.memory_space<vmem_shared>>
      %dma_start3A_54 = arith.constant 0 : i32
      %dma_start3A_55 = tpu.memref_slice %arg10[%dma_start3A_54, %mul3A_42] : memref<16x10240xf32, #tpu.memory_space<vmem_shared>> -> memref<16x640xf32, #tpu.memory_space<vmem_shared>>
      tpu.enqueue_dma source(%dma_start3A_55 : memref<16x640xf32, #tpu.memory_space<vmem_shared>>) target(%arg8 : memref<16x640xf32, #tpu.memory_space<vmem>>) target_semaphore(%run_scoped3A : memref<!tpu.dma_semaphore, #tpu.memory_space<semaphore_mem>>)
      %dma_wait3A_56 = arith.constant 0 : i32
      %dma_wait3A_57 = tpu.memref_slice %arg10[%dma_wait3A_56, %mul3A_42] : memref<16x10240xf32, #tpu.memory_space<vmem_shared>> -> memref<16x640xf32, #tpu.memory_space<vmem_shared>>
      %dma_wait3A_58 = arith.constant 0 : i32
      %dma_wait3A_59 = tpu.memref_slice %arg10[%dma_wait3A_58, %mul3A_42] : memref<16x10240xf32, #tpu.memory_space<vmem_shared>> -> memref<16x640xf32, #tpu.memory_space<vmem_shared>>
      tpu.wait_dma2 semaphore(%run_scoped3A : memref<!tpu.dma_semaphore, #tpu.memory_space<semaphore_mem>>) src(%dma_wait3A_59 : memref<16x640xf32, #tpu.memory_space<vmem_shared>>) dst(%arg8 : memref<16x640xf32, #tpu.memory_space<vmem>>)
      tpu.yield
    }) : () -> ()
    %scan3A_43 = arith.constant 0 : i32
    %scan3A_44 = arith.constant 0 : i32
    %scan3A_45 = arith.constant 40 : i32
    %scan3A_46 = arith.addi %scan3A_44, %scan3A_45 : i32
    %scan3A_47 = arith.constant 1 : i32
    %scan3A_48 = scf.for %scan3A_52 = %scan3A_44 to %scan3A_46 step %scan3A_47 iter_args(%scan3A_53 = %scan3A_43) -> (i32)  : i32 {
      %broadcast_in_dim3A = arith.constant 0.000000e+00 : f32
      %broadcast_in_dim3A_54 = vector.broadcast %broadcast_in_dim3A : f32 to vector<16xf32>
      %scan3A_55 = arith.constant 0 : i32
      %scan3A_56 = arith.constant 16 : i32
      %scan3A_57 = arith.addi %scan3A_55, %scan3A_56 : i32
      %scan3A_58 = arith.constant 1 : i32
      %scan3A_59 = scf.for %scan3A_65 = %scan3A_55 to %scan3A_57 step %scan3A_58 iter_args(%scan3A_66 = %broadcast_in_dim3A_54) -> (vector<16xf32>)  : i32 {
        %mul3A_67 = arith.constant 16 : i32
        %mul3A_68 = arith.muli %scan3A_52, %mul3A_67 : i32
        %get3A = arith.index_cast %scan3A_65 : i32 to index
        %get3A_69 = arith.index_cast %mul3A_68 : i32 to index
        %get3A_70 = tpu.vector_load %arg8[%get3A, %get3A_69] {strides = array<i32>} : memref<16x640xf32, #tpu.memory_space<vmem>>, vector<16xf32>,
        %add3A_71 = arith.addf %scan3A_66, %get3A_70 : vector<16xf32>
        scf.yield %add3A_71 : vector<16xf32>
      }
      %scan3A_60 = arith.constant 16 : i32
      %mul3A_61 = arith.constant 16 : i32
      %mul3A_62 = arith.muli %scan3A_52, %mul3A_61 : i32
      %swap3A = arith.index_cast %mul3A_62 : i32 to index
      %swap3A_63 = tpu.vector_load %arg9[%swap3A] {strides = array<i32>} : memref<640xf32, #tpu.memory_space<vmem>>, vector<16xf32>,
      tpu.vector_store %arg9[%swap3A], %scan3A_59 {strides = array<i32>} : memref<640xf32, #tpu.memory_space<vmem>>, vector<16xf32>,
      %scan3A_64 = arith.constant 0 : i32
      scf.yield %scan3A_64 : i32
    }
    %scan3A_49 = arith.constant 40 : i32
    %mul3A_50 = arith.constant 640 : i32
    %mul3A_51 = arith.muli %arg1, %mul3A_50 : i32
    "tpu.region"() ({
      %run_scoped3A = tpu.sem_alloc : memref<!tpu.dma_semaphore, #tpu.memory_space<semaphore_mem>>
      %dma_start3A_52 = tpu.memref_slice %arg4[%arg0, %mul3A_51] : memref<2x10240xf32, #tpu.memory_space<hbm>> -> memref<1x640xf32, #tpu.memory_space<hbm>>
      %dma_start3A_53 = tpu.memref_squeeze %dma_start3A_52 : memref<1x640xf32, #tpu.memory_space<hbm>> -> memref<640xf32, #tpu.memory_space<hbm>>
      %dma_start3A_54 = tpu.memref_slice %arg4[%arg0, %mul3A_51] : memref<2x10240xf32, #tpu.memory_space<hbm>> -> memref<1x640xf32, #tpu.memory_space<hbm>>
      %dma_start3A_55 = tpu.memref_squeeze %dma_start3A_54 : memref<1x640xf32, #tpu.memory_space<hbm>> -> memref<640xf32, #tpu.memory_space<hbm>>
      tpu.enqueue_dma source(%arg9 : memref<640xf32, #tpu.memory_space<vmem>>) target(%dma_start3A_55 : memref<640xf32, #tpu.memory_space<hbm>>) target_semaphore(%run_scoped3A : memref<!tpu.dma_semaphore, #tpu.memory_space<semaphore_mem>>)
      %dma_wait3A_56 = tpu.memref_slice %arg4[%arg0, %mul3A_51] : memref<2x10240xf32, #tpu.memory_space<hbm>> -> memref<1x640xf32, #tpu.memory_space<hbm>>
      %dma_wait3A_57 = tpu.memref_squeeze %dma_wait3A_56 : memref<1x640xf32, #tpu.memory_space<hbm>> -> memref<640xf32, #tpu.memory_space<hbm>>
      %dma_wait3A_58 = tpu.memref_slice %arg4[%arg0, %mul3A_51] : memref<2x10240xf32, #tpu.memory_space<hbm>> -> memref<1x640xf32, #tpu.memory_space<hbm>>
      %dma_wait3A_59 = tpu.memref_squeeze %dma_wait3A_58 : memref<1x640xf32, #tpu.memory_space<hbm>> -> memref<640xf32, #tpu.memory_space<hbm>>
      tpu.wait_dma2 semaphore(%run_scoped3A : memref<!tpu.dma_semaphore, #tpu.memory_space<semaphore_mem>>) src(%arg9 : memref<640xf32, #tpu.memory_space<vmem>>) dst(%dma_wait3A_59 : memref<640xf32, #tpu.memory_space<hbm>>)
      tpu.yield
    }) : () -> ()
    return
  }
}

module attributes {stable_mosaic.version = 14 : i64} {
  func.func @_p15_body(%arg0: i32, %arg1: memref<2048x128xf32, #tpu.memory_space<vmem>>, %arg2: memref<2048x1xf32, #tpu.memory_space<vmem>>, %arg3: memref<2048x128xf32, #tpu.memory_space<vmem>>) attributes {dimension_semantics = [#tpu.dimension_semantics<arbitrary>], iteration_bounds = array<i64: 5>, scalar_prefetch = 0 : i64, scratch_operands = 0 : i64, tpu.core_type = #tpu.core_type<tc>, window_params = [{transform_indices = @transform_0, window_bounds = array<i64: 2048, 128>}, {transform_indices = @transform_1, window_bounds = array<i64: 2048, 1>}, {transform_indices = @transform_2, window_bounds = array<i64: 2048, 128>}]} {
    %get3A = arith.constant 0 : index
    %get3A_0 = arith.constant 0 : index
    %get3A_1 = vector.load %arg1[%get3A, %get3A_0] : memref<2048x128xf32, #tpu.memory_space<vmem>>, vector<2048x128xf32>
    %get3A_2 = arith.constant 0 : index
    %get3A_3 = arith.constant 0 : index
    %get3A_4 = vector.load %arg2[%get3A_2, %get3A_3] : memref<2048x1xf32, #tpu.memory_space<vmem>>, vector<2048x1xf32>
    %mul3A = vector.broadcast %get3A_4 : vector<2048x1xf32> to vector<2048x128xf32>
    %mul3A_5 = arith.mulf %get3A_1, %mul3A : vector<2048x128xf32>
    %swap3A = arith.constant 0 : index
    %swap3A_6 = arith.constant 0 : index
    %swap3A_7 = vector.load %arg3[%swap3A, %swap3A_6] : memref<2048x128xf32, #tpu.memory_space<vmem>>, vector<2048x128xf32>
    tpu.vector_store %arg3[%swap3A, %swap3A_6], %mul3A_5 {strides = array<i32>} : memref<2048x128xf32, #tpu.memory_space<vmem>>, vector<2048x128xf32>,
    return
  }
  func.func @transform_0(%arg0: i32) -> (i32, i32) {
    %c0_i32 = arith.constant 0 : i32
    %c0_i32_0 = arith.constant 0 : i32
    return %arg0, %c0_i32 : i32, i32
  }
  func.func @transform_1(%arg0: i32) -> (i32, i32) {
    %c0_i32 = arith.constant 0 : i32
    %c0_i32_0 = arith.constant 0 : i32
    return %arg0, %c0_i32 : i32, i32
  }
  func.func @transform_2(%arg0: i32) -> (i32, i32) {
    %c0_i32 = arith.constant 0 : i32
    %c0_i32_0 = arith.constant 0 : i32
    return %arg0, %c0_i32 : i32, i32
  }
}

module attributes {stable_mosaic.version = 14 : i64} {
  func.func @_p3_body(%arg0: i32, %arg1: memref<2048x128xf32, #tpu.memory_space<vmem>>, %arg2: memref<2048x128xf32, #tpu.memory_space<vmem>>, %arg3: memref<2048x128xf32, #tpu.memory_space<vmem>>, %arg4: memref<2048x1xf32, #tpu.memory_space<vmem>>, %arg5: memref<2048x1xf32, #tpu.memory_space<vmem>>, %arg6: memref<128x128xf32, #tpu.memory_space<vmem>>, %arg7: memref<1x128xf32, #tpu.memory_space<vmem>>, %arg8: memref<64x128xf32, #tpu.memory_space<vmem>>, %arg9: memref<1x64xf32, #tpu.memory_space<vmem>>, %arg10: memref<1x64xf32, #tpu.memory_space<vmem>>, %arg11: memref<1x128xf32, #tpu.memory_space<vmem>>) attributes {dimension_semantics = [#tpu.dimension_semantics<arbitrary>], iteration_bounds = array<i64: 5>, scalar_prefetch = 0 : i64, scratch_operands = 1 : i64, tpu.core_type = #tpu.core_type<tc>, window_params = [{transform_indices = @transform_0, window_bounds = array<i64: 2048, 128>}, {transform_indices = @transform_1, window_bounds = array<i64: 2048, 128>}, {transform_indices = @transform_2, window_bounds = array<i64: 2048, 128>}, {transform_indices = @transform_3, window_bounds = array<i64: 2048, 1>}, {transform_indices = @transform_4, window_bounds = array<i64: 2048, 1>}, {pipeline_mode = #tpu.pipeline_mode<synchronous>, transform_indices = @transform_5, window_bounds = array<i64: 128, 128>}, {pipeline_mode = #tpu.pipeline_mode<synchronous>, transform_indices = @transform_6, window_bounds = array<i64: 1, 128>}, {pipeline_mode = #tpu.pipeline_mode<synchronous>, transform_indices = @transform_7, window_bounds = array<i64: 64, 128>}, {pipeline_mode = #tpu.pipeline_mode<synchronous>, transform_indices = @transform_8, window_bounds = array<i64: 1, 64>}, {pipeline_mode = #tpu.pipeline_mode<synchronous>, transform_indices = @transform_9, window_bounds = array<i64: 1, 64>}]} {
    %eq3A = arith.constant 0 : i32
    %eq3A_0 = arith.cmpi eq, %arg0, %eq3A : i32
    %convert_element_type3A = arith.extui %eq3A_0 : i1 to i32
    %cond3A = arith.constant 0 : i32
    %cond3A_1 = arith.cmpi ne, %convert_element_type3A, %cond3A : i32
    scf.if %cond3A_1 {
      %broadcast_in_dim3A_50 = arith.constant 0.000000e+00 : f32
      %broadcast_in_dim3A_51 = vector.broadcast %broadcast_in_dim3A_50 : f32 to vector<1x128xf32>
      %swap3A_52 = arith.constant 0 : index
      %swap3A_53 = arith.constant 0 : index
      %swap3A_54 = vector.load %arg11[%swap3A_52, %swap3A_53] : memref<1x128xf32, #tpu.memory_space<vmem>>, vector<1x128xf32>
      tpu.vector_store %arg11[%swap3A_52, %swap3A_53], %broadcast_in_dim3A_51 {strides = array<i32>} : memref<1x128xf32, #tpu.memory_space<vmem>>, vector<1x128xf32>,
    } else {
    }
    %get3A = arith.constant 0 : index
    %get3A_2 = arith.constant 0 : index
    %get3A_3 = vector.load %arg4[%get3A, %get3A_2] : memref<2048x1xf32, #tpu.memory_space<vmem>>, vector<2048x1xf32>
    %get3A_4 = arith.constant 0 : index
    %get3A_5 = arith.constant 0 : index
    %get3A_6 = vector.load %arg2[%get3A_4, %get3A_5] : memref<2048x128xf32, #tpu.memory_space<vmem>>, vector<2048x128xf32>
    %get3A_7 = arith.constant 0 : index
    %get3A_8 = arith.constant 0 : index
    %get3A_9 = vector.load %arg3[%get3A_7, %get3A_8] : memref<2048x128xf32, #tpu.memory_space<vmem>>, vector<2048x128xf32>
    %add3A = arith.addf %get3A_6, %get3A_9 : vector<2048x128xf32>
    %get3A_10 = arith.constant 0 : index
    %get3A_11 = arith.constant 0 : index
    %get3A_12 = vector.load %arg1[%get3A_10, %get3A_11] : memref<2048x128xf32, #tpu.memory_space<vmem>>, vector<2048x128xf32>
    %add3A_13 = arith.addf %add3A, %get3A_12 : vector<2048x128xf32>
    %mul3A = vector.broadcast %get3A_3 : vector<2048x1xf32> to vector<2048x128xf32>
    %mul3A_14 = arith.mulf %mul3A, %add3A_13 : vector<2048x128xf32>
    %get3A_15 = arith.constant 0 : index
    %get3A_16 = arith.constant 0 : index
    %get3A_17 = vector.load %arg6[%get3A_15, %get3A_16] : memref<128x128xf32, #tpu.memory_space<vmem>>, vector<128x128xf32>
    %dot_general3A = arith.constant dense<0.000000e+00> : vector<2048x128xf32>
    %dot_general3A_18 = tpu.matmul %mul3A_14, %get3A_17, %dot_general3A {dimension_numbers = #tpu.dot_dimension_numbers<[1], [1], [0], [0], [0, 0, 1, 0], [], []>, precision = #tpu.contract_precision<fp32>, transpose_lhs_hint = false} : vector<2048x128xf32>, vector<128x128xf32>, vector<2048x128xf32> -> vector<2048x128xf32>
    %get3A_19 = arith.constant 0 : index
    %get3A_20 = arith.constant 0 : index
    %get3A_21 = vector.load %arg7[%get3A_19, %get3A_20] : memref<1x128xf32, #tpu.memory_space<vmem>>, vector<1x128xf32>
    %add3A_22 = vector.broadcast %get3A_21 : vector<1x128xf32> to vector<2048x128xf32>
    %add3A_23 = arith.addf %dot_general3A_18, %add3A_22 : vector<2048x128xf32>
    %max3A = arith.constant 0.000000e+00 : f32
    %max3A_24 = vector.broadcast %max3A : f32 to vector<2048x128xf32>
    %max3A_25 = arith.maximumf %add3A_23, %max3A_24 : vector<2048x128xf32>
    %mul3A_26 = arith.constant 2048 : i32
    %mul3A_27 = arith.muli %arg0, %mul3A_26 : i32
    %iota3A = tpu.iota {dimensions = array<i32: 0>} : vector<2048x128xi32>
    %add3A_28 = vector.broadcast %mul3A_27 : i32 to vector<2048x128xi32>
    %add3A_29 = arith.addi %add3A_28, %iota3A : vector<2048x128xi32>
    %get3A_30 = arith.constant 0 : index
    %get3A_31 = arith.constant 0 : index
    %get3A_32 = vector.load %arg11[%get3A_30, %get3A_31] : memref<1x128xf32, #tpu.memory_space<vmem>>, vector<1x128xf32>
    %lt3A = arith.constant 10000 : i32
    %lt3A_33 = vector.broadcast %lt3A : i32 to vector<2048x128xi32>
    %lt3A_34 = arith.cmpi slt, %add3A_29, %lt3A_33 : vector<2048x128xi32>
    %get3A_35 = arith.constant 0 : index
    %get3A_36 = arith.constant 0 : index
    %get3A_37 = vector.load %arg5[%get3A_35, %get3A_36] : memref<2048x1xf32, #tpu.memory_space<vmem>>, vector<2048x1xf32>
    %mul3A_38 = vector.broadcast %get3A_37 : vector<2048x1xf32> to vector<2048x128xf32>
    %mul3A_39 = arith.mulf %mul3A_38, %max3A_25 : vector<2048x128xf32>
    %jit3A = arith.constant 0.000000e+00 : f32
    %broadcast_in_dim3A = vector.broadcast %jit3A : f32 to vector<2048x128xf32>
    %select_n3A = arith.select %lt3A_34, %mul3A_39, %broadcast_in_dim3A : vector<2048x128xi1>, vector<2048x128xf32>
    %reduce_sum3A = arith.constant dense<0.000000e+00> : vector<128xf32>
    %reduce_sum3A_40 = vector.multi_reduction <add>, %select_n3A, %reduce_sum3A [0] : vector<2048x128xf32> to vector<128xf32>
    %broadcast_in_dim3A_41 = vector.shape_cast %reduce_sum3A_40 : vector<128xf32> to vector<1x128xf32>
    %add3A_42 = arith.addf %get3A_32, %broadcast_in_dim3A_41 : vector<1x128xf32>
    %swap3A = arith.constant 0 : index
    %swap3A_43 = arith.constant 0 : index
    %swap3A_44 = vector.load %arg11[%swap3A, %swap3A_43] : memref<1x128xf32, #tpu.memory_space<vmem>>, vector<1x128xf32>
    tpu.vector_store %arg11[%swap3A, %swap3A_43], %add3A_42 {strides = array<i32>} : memref<1x128xf32, #tpu.memory_space<vmem>>, vector<1x128xf32>,
    %eq3A_45 = arith.constant 4 : i32
    %eq3A_46 = arith.cmpi eq, %arg0, %eq3A_45 : i32
    %convert_element_type3A_47 = arith.extui %eq3A_46 : i1 to i32
    %cond3A_48 = arith.constant 0 : i32
    %cond3A_49 = arith.cmpi ne, %convert_element_type3A_47, %cond3A_48 : i32
    scf.if %cond3A_49 {
      %get3A_50 = arith.constant 0 : index
      %get3A_51 = arith.constant 0 : index
      %get3A_52 = vector.load %arg11[%get3A_50, %get3A_51] : memref<1x128xf32, #tpu.memory_space<vmem>>, vector<1x128xf32>
      %mul3A_53 = arith.constant 9.99999974E-5 : f32
      %mul3A_54 = vector.broadcast %mul3A_53 : f32 to vector<1x128xf32>
      %mul3A_55 = arith.mulf %get3A_52, %mul3A_54 : vector<1x128xf32>
      %get3A_56 = arith.constant 0 : index
      %get3A_57 = arith.constant 0 : index
      %get3A_58 = vector.load %arg8[%get3A_56, %get3A_57] : memref<64x128xf32, #tpu.memory_space<vmem>>, vector<64x128xf32>
      %dot_general3A_59 = arith.constant dense<0.000000e+00> : vector<1x64xf32>
      %dot_general3A_60 = tpu.matmul %mul3A_55, %get3A_58, %dot_general3A_59 {dimension_numbers = #tpu.dot_dimension_numbers<[1], [1], [0], [0], [0, 0, 1, 0], [], []>, precision = #tpu.contract_precision<fp32>, transpose_lhs_hint = false} : vector<1x128xf32>, vector<64x128xf32>, vector<1x64xf32> -> vector<1x64xf32>
      %get3A_61 = arith.constant 0 : index
      %get3A_62 = arith.constant 0 : index
      %get3A_63 = vector.load %arg9[%get3A_61, %get3A_62] : memref<1x64xf32, #tpu.memory_space<vmem>>, vector<1x64xf32>
      %add3A_64 = arith.addf %dot_general3A_60, %get3A_63 : vector<1x64xf32>
      %swap3A_65 = arith.constant 0 : index
      %swap3A_66 = arith.constant 0 : index
      %swap3A_67 = vector.load %arg10[%swap3A_65, %swap3A_66] : memref<1x64xf32, #tpu.memory_space<vmem>>, vector<1x64xf32>
      tpu.vector_store %arg10[%swap3A_65, %swap3A_66], %add3A_64 {strides = array<i32>} : memref<1x64xf32, #tpu.memory_space<vmem>>, vector<1x64xf32>,
    } else {
    }
    return
  }
  func.func @transform_0(%arg0: i32) -> (i32, i32) {
    %c0_i32 = arith.constant 0 : i32
    %c0_i32_0 = arith.constant 0 : i32
    return %arg0, %c0_i32 : i32, i32
  }
  func.func @transform_1(%arg0: i32) -> (i32, i32) {
    %c0_i32 = arith.constant 0 : i32
    %c0_i32_0 = arith.constant 0 : i32
    return %arg0, %c0_i32 : i32, i32
  }
  func.func @transform_2(%arg0: i32) -> (i32, i32) {
    %add3A = arith.constant 5 : i32
    %add3A_0 = arith.addi %add3A, %arg0 : i32
    %c0_i32 = arith.constant 0 : i32
    %c0_i32_1 = arith.constant 0 : i32
    return %add3A_0, %c0_i32 : i32, i32
  }
  func.func @transform_3(%arg0: i32) -> (i32, i32) {
    %c0_i32 = arith.constant 0 : i32
    %c0_i32_0 = arith.constant 0 : i32
    return %arg0, %c0_i32 : i32, i32
  }
  func.func @transform_4(%arg0: i32) -> (i32, i32) {
    %c0_i32 = arith.constant 0 : i32
    %c0_i32_0 = arith.constant 0 : i32
    return %arg0, %c0_i32 : i32, i32
  }
  func.func @transform_5(%arg0: i32) -> (i32, i32) {
    %c0_i32 = arith.constant 0 : i32
    %c0_i32_0 = arith.constant 0 : i32
    %c0_i32_1 = arith.constant 0 : i32
    return %c0_i32, %c0_i32_0 : i32, i32
  }
  func.func @transform_6(%arg0: i32) -> (i32, i32) {
    %c0_i32 = arith.constant 0 : i32
    %c0_i32_0 = arith.constant 0 : i32
    %c0_i32_1 = arith.constant 0 : i32
    return %c0_i32, %c0_i32_0 : i32, i32
  }
  func.func @transform_7(%arg0: i32) -> (i32, i32) {
    %c0_i32 = arith.constant 0 : i32
    %c0_i32_0 = arith.constant 0 : i32
    %c0_i32_1 = arith.constant 0 : i32
    return %c0_i32, %c0_i32_0 : i32, i32
  }
  func.func @transform_8(%arg0: i32) -> (i32, i32) {
    %c0_i32 = arith.constant 0 : i32
    %c0_i32_0 = arith.constant 0 : i32
    %c0_i32_1 = arith.constant 0 : i32
    return %c0_i32, %c0_i32_0 : i32, i32
  }
  func.func @transform_9(%arg0: i32) -> (i32, i32) {
    %c0_i32 = arith.constant 0 : i32
    %c0_i32_0 = arith.constant 0 : i32
    %c0_i32_1 = arith.constant 0 : i32
    return %c0_i32, %c0_i32_0 : i32, i32
  }
}

</mosaic_0001>

<sc_bundles>
// kernel: kernel.10.cloned.1.call-start
scs
__scs_entry_jumppad:
0x0: {  	(pc) =	sbr.rel $0x88, $3  }
0x1: {  	(tag) =	ssettag $0x0;
	lr =	simm.s32 $0x1  }
0x2: {  	[smem:$0x3F9B] =	sst lr;
	_ =	strace $0xD0000000  }
0x3: {  	_ = 	snop  }
0x4: {  	_ = 	snop  }
0x5: {  	_ = 	snop  }
0x6: {  	_ = 	snop  }
0x7: {  	_ = 	snop  }
__scs_overlays_trampoline_lowered:
0x8: {  	[smem:$0x3FAA] =	sst s0  }
0x9: {  	[smem:$0x3FAB] =	sst s1  }
0xa: {  	[smem:$0x3FAC] =	sst s2  }
0xb: {  	[smem:$0x3FAD] =	sst s3  }
0xc: {  	[smem:$0x3FAE] =	sst s4  }
0xd: {  	[smem:$0x3FAF] =	sst s5  }
0xe: {  	[smem:$0x3FB0] =	sst s6  }
0xf: {  	[smem:$0x3FB1] =	sst s7  }
0x10: {  	[smem:$0x3FB2] =	sst s8  }
0x11: {  	[smem:$0x3FB3] =	sst s9;
	s0 =	simm.s32 @!p0 $0x0  }
0x12: {  	s1 =	sld [smem:$0x3F99];
	s0 =	simm.s32 @p0 $0x1  }
0x13: {  	[smem:$0x3FB4] =	sst s0;
	s0 =	simm.s32 @!p1 $0x0  }
0x14: {  	s2 =	sld [smem:$0x3F98];
	s0 =	simm.s32 @p1 $0x1  }
0x15: {  	[smem:$0x3FB5] =	sst s0;
	s0 =	simm.s32 @!p2 $0x0  }
0x16: {  	s3 =	sld [smem:$0x3FDB];
	s0 =	simm.s32 @p2 $0x1  }
0x17: {  	s4 =	simm.s32 $0x1BF5;
	[smem:$0x3FB7] =	sst s0  }
0x18: {  	s0 =	sld [smem:$0x3F9A];
	_ =	swait.ge [sflag:s4], $0x0  }
0x19: {  	s7 =	sld [smem:$0x3F9B]  }
0x1a: {  	s8 =	sadd.s32 $0xFFFFE003, lr  }
0x1b: {  	s9 =	sadd.s32 $0xFFFFFEF7, lr;
	s5 =	simm.s32 $0xFFFFFFFF;
	p2 =	slt.u32 s8, $0xFFFFF086  }
0x1c: {  	p1 =	slt.u32 s9, $0xF7A;
	s5 =	simm.s32 @!p2 $0x0  }
0x1d: {  	s5 =	simm.s32 @p1 $0x1;
	p0 =	seq.s32 s7, s2  }
0x1e: {  	s7 =	smul.u32 @!p0 $0xF7A, s2;
	p2 =	seq.s32 @!p0 s5, $0x0  }
0x1f: {  	s9 =	smul.u32 $0xF7A, s1;
	s8 =	simm.s32 @!p0 $0x1BF5;
	p2 =	por !p2, p0  }
0x20: {  	[sflag:s8] =	ssyncset.s32 @!p0 $0xFFFFF086;
	s6 =	sadd.s32 @!p0 s3, s7;
	s7 =	simm.s32 @!p0 $0x108  }
0x21: {  	s3 =	sadd.s32 s3, s9;
	s6 =	sadd.s32 @!p0 $0x88, s6;
	s7 =	simm.s32 @p2 $0x1082  }
0x22: {  	[simem:s7], [sflag:s8] =	dma.local @!p0 [hbm:s6], $0xF7A  }
0x23: {  	s9 =	sor.u32 $0xD0000000, s2;
	s6 =	simm.s32 $0x108;
	_ =	swait.ge @!p0 [sflag:s8], $0x0  }
0x24: {  	s3 =	sadd.s32 $0x88, s3;
	s6 =	simm.s32 @!p1 $0x1082;
	[sflag:s4] =	ssyncset.s32 $0xFFFFF086  }
0x25: {  	[simem:s6], [sflag:s4] =	dma.local [hbm:s3], $0xF7A  }
0x26: {  	[smem:$0x3F9B] =	sst s1;
	(tag) =	ssettag s2;
	_ =	strace s9  }
0x27: {  	s1 =	sld [smem:$0x3FAB]  }
0x28: {  	s2 =	sld [smem:$0x3FAC]  }
0x29: {  	s4 =	sld [smem:$0x3FAE]  }
0x2a: {  	p0 =	seq.s32 s5, $0x0;
	s5 =	sld [smem:$0x3FAF]  }
0x2b: {  	s6 =	sld [smem:$0x3FB0]  }
0x2c: {  	s7 =	sld [smem:$0x3FB1]  }
0x2d: {  	s3 =	simm.s32 $0x108;
	s8 =	sld [smem:$0x3FB2]  }
0x2e: {  	s3 =	simm.s32 @!p0 $0x1082;
	s9 =	sld [smem:$0x3FB3]  }
0x2f: {  	lr =	sadd.s32 s0, s3;
	s0 =	sld [smem:$0x3FAA]  }
0x30: {  	s3 =	sld [smem:$0x3FAD]  }
0x31: {  	[smem:$0x3FB6] =	sst s10  }
0x32: {  	s10 =	sld [smem:$0x3FB4];
	_ =	sdelay $0x3  }
0x33: {  	p0 =	seq.s32 s10, $0x1;
	s10 =	sld [smem:$0x3FB6];
	_ =	sdelay $0x3  }
0x34: {  	[smem:$0x3FB6] =	sst s10  }
0x35: {  	s10 =	sld [smem:$0x3FB5];
	_ =	sdelay $0x3  }
0x36: {  	p1 =	seq.s32 s10, $0x1;
	s10 =	sld [smem:$0x3FB6];
	_ =	sdelay $0x3  }
0x37: {  	[smem:$0x3FB6] =	sst s10  }
0x38: {  	s10 =	sld [smem:$0x3FB7]  }
0x39: {  	_ = 	snop;
	(pc) =	sbr.ind lr, $3  }
0x3a: {  	_ = 	snop  }
0x3b: {  	_ = 	snop  }
0x3c: {  	p2 =	seq.s32 s10, $0x1;
	s10 =	sld [smem:$0x3FB6]  }
0x3d: {  	_ =	shalt  }
0x3e: {  	_ =	shalt  }
0x3f: {  	_ =	shalt  }
0x40: {  	_ =	shalt  }
0x41: {  	_ =	shalt  }
0x42: {  	_ =	shalt  }
0x43: {  	_ =	shalt  }
0x44: {  	_ =	shalt  }
0x45: {  	_ =	shalt  }
0x46: {  	_ =	shalt  }
0x47: {  	_ =	shalt  }
0x48: {  	_ =	shalt  }
0x49: {  	_ =	shalt  }
0x4a: {  	_ =	shalt  }
0x4b: {  	_ =	shalt  }
0x4c: {  	_ =	shalt  }
0x4d: {  	_ =	shalt  }
0x4e: {  	_ =	shalt  }
0x4f: {  	_ =	shalt  }
0x50: {  	_ =	shalt  }
0x51: {  	_ =	shalt  }
0x52: {  	_ =	shalt  }
0x53: {  	_ =	shalt  }
0x54: {  	_ =	shalt  }
0x55: {  	_ =	shalt  }
0x56: {  	_ =	shalt  }
0x57: {  	_ =	shalt  }
0x58: {  	_ =	shalt  }
0x59: {  	_ =	shalt  }
0x5a: {  	_ =	shalt  }
0x5b: {  	_ =	shalt  }
0x5c: {  	_ =	shalt  }
0x5d: {  	_ =	shalt  }
0x5e: {  	_ =	shalt  }
0x5f: {  	_ =	shalt  }
0x60: {  	_ =	shalt  }
0x61: {  	_ =	shalt  }
0x62: {  	_ =	shalt  }
0x63: {  	_ =	shalt  }
0x64: {  	_ =	shalt  }
0x65: {  	_ =	shalt  }
0x66: {  	_ =	shalt  }
0x67: {  	_ =	shalt  }
0x68: {  	_ =	shalt  }
0x69: {  	_ =	shalt  }
0x6a: {  	_ =	shalt  }
0x6b: {  	_ =	shalt  }
0x6c: {  	_ =	shalt  }
0x6d: {  	_ =	shalt  }
0x6e: {  	_ =	shalt  }
0x6f: {  	_ =	shalt  }
0x70: {  	_ =	shalt  }
0x71: {  	_ =	shalt  }
0x72: {  	_ =	shalt  }
0x73: {  	_ =	shalt  }
0x74: {  	_ =	shalt  }
0x75: {  	_ =	shalt  }
0x76: {  	_ =	shalt  }
0x77: {  	_ =	shalt  }
0x78: {  	_ =	shalt  }
0x79: {  	_ =	shalt  }
0x7a: {  	_ =	shalt  }
0x7b: {  	_ =	shalt  }
0x7c: {  	_ =	shalt  }
0x7d: {  	_ =	shalt  }
0x7e: {  	_ =	shalt  }
0x7f: {  	_ =	shalt  }
0x80: {  	_ =	shalt  }
0x81: {  	_ =	shalt  }
0x82: {  	_ =	shalt  }
0x83: {  	_ =	shalt  }
0x84: {  	_ =	shalt  }
0x85: {  	_ =	shalt  }
0x86: {  	_ =	shalt  }
0x87: {  	_ =	shalt  }
.Lfunc_end0:
.L_simem_size_0:
called_computation.1_lowered:
.L_overlay_start_0:
0x88: {  	s2 =	sld [smem:$0x3FD9]  }
0x89: {  	s3 =	sld [smem:$0x3FFE];
	_ =	sdelay $0x1  }
0x8a: {  	s1 =	srdreg.scid  }
0x8b: {  	s0 =	sand.u32 $0x1, s1  }
0x8c: {  	s17 =	sshll.u32 s0, $0xA;
	s2 =	sadd.s32 s3, s2  }
0x8d: {  	s2 =	sadd.s32 s2, s17  }
0x8e: {  	[smem:$0x3FC2] =	sst s2  }
0x8f: {  	_ = 	snop  }
0x90: {  	s18 =	sld [smem:$0x3FC8];
	(tm) =	ssettm $0x1  }
0x91: {  	s19 =	sld [smem:$0x3FFB];
	_ =	sdelay $0x3  }
0x92: {  	_ =	strace s19  }
0x93: {  	s2 =	sld [smem:$0x3FFC];
	_ =	sdelay $0x3  }
0x94: {  	_ =	strace s2  }
0x95: {  	s2 =	sld [smem:$0x3FFD];
	_ =	sdelay $0x3  }
0x96: {  	_ =	strace s2  }
0x97: {  	_ =	strace $0x8FFFFFFF  }
0x98: {  	s20 =	sld [smem:$0x3FDB];
	_ =	sdelay $0x1  }
0x99: {  	s4 =	simm.s32 $_scs_section_size  }
0x9a: {  	s5 =	simm.s32 $_size__tile_overlayer_lowered;
	s6 =	simm.s32 $_tile_overlayer_lowered  }
0x9b: {  	s7 =	simm.s32 $0x1BFF;
	s21 =	sshll.u32 s6, $0x1;
	s4 =	sadd.s32 s4, s20  }
0x9c: {  	s22 =	simm.s32 $0x0;
	s5 =	sshll.u32 s5, $0x1;
	s6 =	sadd.s32 s21, s4  }
0x9d: {  	[timem:s22], [sflag:s7] =	dma.local [hbm:s6], s5  }
0x9e: {  	_ =	swait.ge [sflag:s7], s5  }
0x9f: {  	s5 =	ssub.s32 $0x0, s5;
	[sflag:s7] =	ssyncset.done $0x0  }
0xa0: {  	[sflag:s7] =	ssyncadd.s32 s5;
	_ =	sdelay $0x1  }
0xa1: {  	s23 =	simm.s32 $0x1B8B  }
0xa2: {  	_ =	swait.ge [sflag:s23], $0x1  }
0xa3: {  	[sflag:s23] =	ssyncset.done $0x0  }
0xa4: {  	[sflag:s23] =	ssyncadd.s32 $0xFFFFFFFF  }
0xa5: {  	s5 =	sld [smem:$0x0]  }
0xa6: {  	s6 =	sand.u32 $0xFFFFFFFE, s1  }
0xa7: {  	p0 =	sne.s32 s1, s6  }
0xa8: {  	s6 =	sshll.u32 @p0 s6, $0xE  }
0xa9: {  	s6 =	sadd.s32 @p0 $0x11B8D, s6;
	s7 =	sshll.u32 @p0 s5, $0x11  }
0xaa: {  	s6 =	sor.u32 @p0 s7, s6  }
0xab: {  	[sflag:s6] =	ssyncadd.remote.s32 @p0 $0x1;
	_ =	sdelay $0x1  }
0xac: {  	s6 =	simm.s32 @p0 $0x1B8D  }
0xad: {  	_ =	swait.eq @p0 [sflag:s6], $0x1  }
0xae: {  	[sflag:s6] =	ssyncadd.s32 @p0 $0xFFFFFFFF  }
0xaf: {  	s7 =	sshll.u32 @!p0 s1, $0xE  }
0xb0: {  	s7 =	sor.u32 @!p0 $0x4000, s7;
	s6 =	simm.s32 @!p0 $0x1B8D  }
0xb1: {  	s5 =	sshll.u32 @!p0 s5, $0x11;
	s7 =	sadd.s32 @!p0 $0x11B8D, s7;
	_ =	swait.eq @!p0 [sflag:s6], $0x1  }
0xb2: {  	s5 =	sor.u32 @!p0 s5, s7;
	[sflag:s6] =	ssyncadd.s32 @!p0 $0xFFFFFFFF  }
0xb3: {  	s25 =	simm.s32 $0x1B8E;
	s24 =	sld [smem:$0x3FFE];
	[sflag:s5] =	ssyncadd.remote.s32 @!p0 $0x1  }
0xb4: {  	s26 =	simm.s32 $execute0_lowered;
	[smem:$0x3FD2] =	sst s25  }
0xb5: {  	s6 =	sshll.u32 s26, $0x1;
	_ =	strace $0x8000004C;
	[dreg:$0x1] =	wrdreg $0xFFFFFFFF  }
0xb6: {  	s28 =	simm.s32 $_size_execute0_lowered;
	s4 =	sadd.s32 s4, s6;
	[dreg:$0x0] =	wrdreg $0x0  }
0xb7: {  	s6 =	sshll.u32 s28, $0x1;
	[dreg:$0x2] =	wrdreg s4  }
0xb8: {  	[dreg:$0x3] =	wrdreg s6  }
0xb9: {  	[dreg:$0x4] =	wrdreg $0xC0  }
0xba: {  	_ =	task [dreg:s22], $0x5FFFF  }
0xbb: {  	[dreg:$0x1] =	wrdreg $0xFFFFFFFF  }
0xbc: {  	[dreg:$0x0] =	wrdreg $0x60  }
0xbd: {  	[dreg:$0x2] =	wrdreg s24  }
0xbe: {  	[dreg:$0x3] =	wrdreg s18  }
0xbf: {  	[dreg:$0x4] =	wrdreg $0xA8000  }
0xc0: {  	[dreg:$0x5] =	wrdreg $0x9  }
0xc1: {  	_ =	task.clear_ibuf [dreg:s22], $0x6FFFF;
	_ =	strace $0x9000004C  }
0xc2: {  	s29 =	simm.s32 $0x9;
	_ =	strace $0x8000004E  }
0xc3: {  	_ =	swait.ge [sflag:s29], $0x1  }
0xc4: {  	[sflag:s29] =	ssyncadd.s32 $0xFFFFFFFF  }
0xc5: {  	_ =	strace $0x9000004E  }
0xc6: {  	_ =	sfence  }
0xc7: {  	s30 =	sld [smem:$0x0];
	_ =	sdelay $0x2  }
0xc8: {  	s31 =	sshll.u32 s1, $0xD;
	s1 =	sshrl.u32 s1, $0x2  }
0xc9: {  	s4 =	sand.u32 $0x4000, s31;
	s1 =	sadd.s32 s1, s30  }
0xca: {  	s0 =	sor.u32 s4, s0;
	s1 =	sshll.u32 s1, $0x11  }
0xcb: {  	s0 =	sor.u32 s1, s0  }
0xcc: {  	s0 =	sadd.s32 $0x8F2B, s0  }
0xcd: {  	[sflag:s0] =	ssyncadd.remote.s32 $0x1  }
0xce: {  	_ =	sfence.sel $0xFFFF  }
0xcf: {  	[dreg:$0x0] =	wrdreg $0xFFFFFFFF;
	(pc) =	sbr.abs _section_cstart, $3  }
0xd0: {  	[dreg:$0x1] =	wrdreg $0xFFFFFFFF  }
0xd1: {  	_ =	task.clear_ibuf [dreg:s22], $0x2FFFF;
	_ =	strace $0x9FFFFFFF  }
0xd2: {  	(tm) =	ssettm $0x7FFFFFFF  }
0xd3: {  	_ =	shalt  }
tec
execute0_lowered:
.L_overlay_start_1:
0x0: {  	(tag) =	ssettag $0x1  }
0x1: {  	s0 =	rddreg [dreg:$0x0]  }
0x2: {  	s3 =	rddreg [dreg:$0x1]  }
0x3: {  	s1 =	rddreg [dreg:$0x2]  }
0x4: {  	s4 =	srdreg.scid;
	s20 =	stileid.u32  }
0x5: {  	s5 =	sand.u32 $0x1, s4;
	s6 =	smul.u32 $0x2800, s20;
	s25 =	sshll.u32 s20, $0x1  }
0x6: {  	s2 =	simm.s32 $0x0;
	s7 =	smul.u32 $0x28000, s5;
	s8 =	sor.u32 s5, s25  }
0x7: {  	[smem:$0x7FF] =	sst s2;
	s4 =	sadd.s32 $0x4200, s0;
	s9 =	smul.u32 $0x2700, s8  }
0x8: {  	_ =	strace $0x8000004D;
	s26 =	ssub.s32 $0x2, s5;
	s8 =	smul.u32 $0x4E0, s8  }
0x9: {  	s10 =	sshrl.u32 s26, $0x1;
	s6 =	sadd.s32 s6, s7;
	s9 =	sshrl.u32 s9, $0x3  }
0xa: {  	s0 =	sadd.s32 s6, s0;
	s8 =	sadd.s32 s3, s8;
	s7 =	sadd.s32 s3, s9  }
0xb: {  	s6 =	ssub.s32 s26, s10;
	[dreg:$0x4] =	wrdreg s8;
	s10 =	sadd.s32 $0x20, s7  }
0xc: {  	s11 =	sadd.s32 $0x40, s7;
	[dreg:$0x5] =	wrdreg s10  }
0xd: {  	s12 =	sadd.s32 $0x60, s7;
	[dreg:$0x6] =	wrdreg s11  }
0xe: {  	s13 =	sadd.s32 $0x80, s7;
	[dreg:$0x7] =	wrdreg s12  }
0xf: {  	s14 =	sadd.s32 $0xA0, s7;
	[dreg:$0x8] =	wrdreg s13  }
0x10: {  	s15 =	sadd.s32 $0xC0, s7;
	[dreg:$0x9] =	wrdreg s14  }
0x11: {  	s16 =	sadd.s32 $0xE0, s7;
	[dreg:$0xa] =	wrdreg s15  }
0x12: {  	s17 =	sadd.s32 $0x100, s7;
	[dreg:$0xb] =	wrdreg s16  }
0x13: {  	s18 =	sadd.s32 $0x120, s7;
	[dreg:$0xc] =	wrdreg s17  }
0x14: {  	s19 =	sadd.s32 $0x140, s7;
	[dreg:$0xd] =	wrdreg s18  }
0x15: {  	s21 =	sadd.s32 $0x160, s7;
	[dreg:$0xe] =	wrdreg s19  }
0x16: {  	s22 =	sadd.s32 $0x180, s7;
	[dreg:$0xf] =	wrdreg s21  }
0x17: {  	s9 =	sadd.s32 $0x1A0, s7;
	[dreg:$0x10] =	wrdreg s22  }
0x18: {  	s23 =	smul.u32 $0x50000, s20;
	s24 =	sadd.s32 $0x1C0, s7;
	[dreg:$0x11] =	wrdreg s9  }
0x19: {  	s5 =	sshll.u32 s5, $0x5;
	s25 =	sadd.s32 $0x1E0, s7;
	[dreg:$0x12] =	wrdreg s24  }
0x1a: {  	s3 =	sadd.s32 s5, s3;
	s26 =	sadd.s32 $0x200, s7;
	[dreg:$0x13] =	wrdreg s25  }
0x1b: {  	s5 =	sshrl.u32 s23, $0x2;
	s23 =	sadd.s32 $0x3C0, s7;
	[dreg:$0x14] =	wrdreg s26  }
0x1c: {  	s9 =	sadd.s32 $0x220, s7;
	[smem:$0x7FA] =	sst s23  }
0x1d: {  	s10 =	sadd.s32 $0x240, s7;
	[dreg:$0x15] =	wrdreg s9  }
0x1e: {  	s11 =	sadd.s32 $0x260, s7;
	[dreg:$0x16] =	wrdreg s10  }
0x1f: {  	s12 =	sadd.s32 $0x280, s7;
	[dreg:$0x17] =	wrdreg s11  }
0x20: {  	s13 =	sadd.s32 $0x2A0, s7;
	[dreg:$0x18] =	wrdreg s12  }
0x21: {  	s14 =	sadd.s32 $0x2C0, s7;
	[dreg:$0x19] =	wrdreg s13  }
0x22: {  	s15 =	sadd.s32 $0x2E0, s7;
	[dreg:$0x1a] =	wrdreg s14  }
0x23: {  	s16 =	sadd.s32 $0x300, s7;
	[dreg:$0x1b] =	wrdreg s15  }
0x24: {  	s17 =	sadd.s32 $0x320, s7;
	[dreg:$0x1c] =	wrdreg s16  }
0x25: {  	s18 =	sadd.s32 $0x340, s7;
	[dreg:$0x1d] =	wrdreg s17  }
0x26: {  	s19 =	sadd.s32 $0x360, s7;
	[dreg:$0x1e] =	wrdreg s18  }
0x27: {  	s21 =	sadd.s32 $0x380, s7;
	[dreg:$0x1f] =	wrdreg s19  }
0x28: {  	s22 =	sadd.s32 $0x3A0, s7;
	[smem:$0x7F8] =	sst s21  }
0x29: {  	s28 =	simm.s32 $0x6;
	s24 =	sadd.s32 $0x3E0, s7;
	[smem:$0x7F9] =	sst s22  }
0x2a: {  	s29 =	simm.s32 $0x1;
	s25 =	sadd.s32 $0x400, s7;
	[smem:$0x7FB] =	sst s24  }
0x2b: {  	s30 =	simm.s32 $0x80;
	s26 =	sadd.s32 $0x420, s7;
	[smem:$0x7FC] =	sst s25  }
0x2c: {  	s31 =	simm.s32 $0x6800;
	p0 =	sne.s32 s20, $0x0;
	[smem:$0x7FD] =	sst s26  }
0x2d: {  	s11 =	sadd.s32 $0x440, s7;
	s12 =	sadd.s32 $0x460, s7;
	s13 =	sadd.s32 $0x480, s7  }
0x2e: {  	s14 =	sadd.s32 $0x4A0, s7;
	s15 =	sadd.s32 $0x4C0, s7;
	s16 =	sadd.s32 $0x9C00, s3  }
0x2f: {  	s17 =	sadd.s32 s5, s1;
	s18 =	sadd.s32 $0x2B400, s0;
	s19 =	smax.u32 s6, $0x1  }
0x30: {  	s24 =	simm.s32 $0x100;
	s25 =	simm.s32 $0x200;
	s26 =	simm.s32 $0x2800  }
0x31: {  	s0 =	simm.s32 $0x2;
	s3 =	simm.s32 $0x4;
	s5 =	simm.s32 $0x3  }
0x32: {  	s6 =	simm.s32 $0x5;
	s7 =	simm.s32 $0x0;
	s20 =	sadd.s32 $0x4000, s17  }
0x33: {  	v0 =	vimm.f32 $0.0e+00;
	s21 =	sadd.s32 $0x8000, s17;
	s22 =	sadd.s32 $0xC000, s17;
	s23 =	sadd.s32 $0x10000, s17  }
.LBB2_1:
0x34: {  	s8 =	rddreg [dreg:$0x4]  }
0x35: {  	[tilespmem:s2], [sflag:$0x1] =	stream.linear.gather [hbm4b:s8+s2], $0x100, $0x38;
	[tilespmem:$0x1E800] =	vst v63  }
0x36: {  	s10 =	rddreg [dreg:$0x5]  }
0x37: {  	[tilespmem:s24], [sflag:$0x1] =	stream.linear.gather [hbm4b:s10+s2], $0x100, $0x38;
	[tilespmem:$0x1E800] =	vst v63  }
0x38: {  	s9 =	rddreg [dreg:$0x6]  }
0x39: {  	[tilespmem:s25], [sflag:$0x1] =	stream.linear.gather [hbm4b:s9+s2], $0x100, $0x38;
	[tilespmem:$0x1E800] =	vst v63  }
0x3a: {  	s10 =	rddreg [dreg:$0x7];
	s9 =	simm.s32 $0x300  }
0x3b: {  	[tilespmem:s9], [sflag:$0x1] =	stream.linear.gather [hbm4b:s10+s2], $0x100, $0x38;
	[tilespmem:$0x1E800] =	vst v63  }
0x3c: {  	s9 =	rddreg [dreg:$0x8];
	s10 =	simm.s32 $0x400  }
0x3d: {  	[tilespmem:s10], [sflag:$0x1] =	stream.linear.gather [hbm4b:s9+s2], $0x100, $0x38;
	[tilespmem:$0x1E800] =	vst v63  }
0x3e: {  	s9 =	rddreg [dreg:$0x9];
	s10 =	simm.s32 $0x500  }
0x3f: {  	[tilespmem:s10], [sflag:$0x1] =	stream.linear.gather [hbm4b:s9+s2], $0x100, $0x38;
	[tilespmem:$0x1E800] =	vst v63  }
0x40: {  	s9 =	rddreg [dreg:$0xa];
	s10 =	simm.s32 $0x600  }
0x41: {  	[tilespmem:s10], [sflag:$0x1] =	stream.linear.gather [hbm4b:s9+s2], $0x100, $0x38;
	[tilespmem:$0x1E800] =	vst v63  }
0x42: {  	s9 =	rddreg [dreg:$0xb];
	s10 =	simm.s32 $0x700  }
0x43: {  	[tilespmem:s10], [sflag:$0x1] =	stream.linear.gather [hbm4b:s9+s2], $0x100, $0x38;
	[tilespmem:$0x1E800] =	vst v63  }
0x44: {  	s9 =	rddreg [dreg:$0xc];
	s10 =	simm.s32 $0x800  }
0x45: {  	[tilespmem:s10], [sflag:$0x1] =	stream.linear.gather [hbm4b:s9+s2], $0x100, $0x38;
	[tilespmem:$0x1E800] =	vst v63  }
0x46: {  	s9 =	rddreg [dreg:$0xd];
	s10 =	simm.s32 $0x900  }
0x47: {  	[tilespmem:s10], [sflag:$0x1] =	stream.linear.gather [hbm4b:s9+s2], $0x100, $0x38;
	[tilespmem:$0x1E800] =	vst v63  }
0x48: {  	s9 =	rddreg [dreg:$0xe];
	s10 =	simm.s32 $0xA00  }
0x49: {  	[tilespmem:s10], [sflag:$0x1] =	stream.linear.gather [hbm4b:s9+s2], $0x100, $0x38;
	[tilespmem:$0x1E800] =	vst v63  }
0x4a: {  	s9 =	rddreg [dreg:$0xf];
	s10 =	simm.s32 $0xB00  }
0x4b: {  	[tilespmem:s10], [sflag:$0x1] =	stream.linear.gather [hbm4b:s9+s2], $0x100, $0x38;
	[tilespmem:$0x1E800] =	vst v63  }
0x4c: {  	s9 =	rddreg [dreg:$0x10];
	s10 =	simm.s32 $0xC00  }
0x4d: {  	[tilespmem:s10], [sflag:$0x1] =	stream.linear.gather [hbm4b:s9+s2], $0x100, $0x38;
	[tilespmem:$0x1E800] =	vst v63  }
0x4e: {  	s9 =	rddreg [dreg:$0x11];
	s10 =	simm.s32 $0xD00  }
0x4f: {  	[tilespmem:s10], [sflag:$0x1] =	stream.linear.gather [hbm4b:s9+s2], $0x100, $0x38;
	[tilespmem:$0x1E800] =	vst v63  }
0x50: {  	s9 =	rddreg [dreg:$0x12];
	s10 =	simm.s32 $0xE00  }
0x51: {  	[tilespmem:s10], [sflag:$0x1] =	stream.linear.gather [hbm4b:s9+s2], $0x100, $0x38;
	[tilespmem:$0x1E800] =	vst v63  }
0x52: {  	s9 =	rddreg [dreg:$0x13];
	s10 =	simm.s32 $0xF00  }
0x53: {  	[tilespmem:s10], [sflag:$0x1] =	stream.linear.gather [hbm4b:s9+s2], $0x100, $0x38;
	[tilespmem:$0x1E800] =	vst v63  }
0x54: {  	s9 =	rddreg [dreg:$0x14];
	s10 =	simm.s32 $0x1000  }
0x55: {  	[tilespmem:s10], [sflag:$0x1] =	stream.linear.gather [hbm4b:s9+s2], $0x100, $0x38;
	[tilespmem:$0x1E800] =	vst v63  }
0x56: {  	s9 =	rddreg [dreg:$0x15];
	s10 =	simm.s32 $0x1100  }
0x57: {  	[tilespmem:s10], [sflag:$0x1] =	stream.linear.gather [hbm4b:s9+s2], $0x100, $0x38;
	[tilespmem:$0x1E800] =	vst v63  }
0x58: {  	s9 =	rddreg [dreg:$0x16];
	s10 =	simm.s32 $0x1200  }
0x59: {  	[tilespmem:s10], [sflag:$0x1] =	stream.linear.gather [hbm4b:s9+s2], $0x100, $0x38;
	[tilespmem:$0x1E800] =	vst v63  }
0x5a: {  	s9 =	rddreg [dreg:$0x17];
	s10 =	simm.s32 $0x1300  }
0x5b: {  	[tilespmem:s10], [sflag:$0x1] =	stream.linear.gather [hbm4b:s9+s2], $0x100, $0x38;
	[tilespmem:$0x1E800] =	vst v63  }
0x5c: {  	s9 =	rddreg [dreg:$0x18];
	s10 =	simm.s32 $0x1400  }
0x5d: {  	[tilespmem:s10], [sflag:$0x1] =	stream.linear.gather [hbm4b:s9+s2], $0x100, $0x38;
	[tilespmem:$0x1E800] =	vst v63  }
0x5e: {  	s9 =	rddreg [dreg:$0x19];
	s10 =	simm.s32 $0x1500  }
0x5f: {  	[tilespmem:s10], [sflag:$0x1] =	stream.linear.gather [hbm4b:s9+s2], $0x100, $0x38;
	[tilespmem:$0x1E800] =	vst v63  }
0x60: {  	s9 =	rddreg [dreg:$0x1a];
	s10 =	simm.s32 $0x1600  }
0x61: {  	[tilespmem:s10], [sflag:$0x1] =	stream.linear.gather [hbm4b:s9+s2], $0x100, $0x38;
	[tilespmem:$0x1E800] =	vst v63  }
0x62: {  	s9 =	rddreg [dreg:$0x1b];
	s10 =	simm.s32 $0x1700  }
0x63: {  	[tilespmem:s10], [sflag:$0x1] =	stream.linear.gather [hbm4b:s9+s2], $0x100, $0x38;
	[tilespmem:$0x1E800] =	vst v63  }
0x64: {  	s9 =	rddreg [dreg:$0x1c];
	s10 =	simm.s32 $0x1800  }
0x65: {  	[tilespmem:s10], [sflag:$0x1] =	stream.linear.gather [hbm4b:s9+s2], $0x100, $0x38;
	[tilespmem:$0x1E800] =	vst v63  }
0x66: {  	s9 =	rddreg [dreg:$0x1d];
	s10 =	simm.s32 $0x1900  }
0x67: {  	[tilespmem:s10], [sflag:$0x1] =	stream.linear.gather [hbm4b:s9+s2], $0x100, $0x38;
	[tilespmem:$0x1E800] =	vst v63  }
0x68: {  	s9 =	rddreg [dreg:$0x1e];
	s10 =	simm.s32 $0x1A00  }
0x69: {  	[tilespmem:s10], [sflag:$0x1] =	stream.linear.gather [hbm4b:s9+s2], $0x100, $0x38;
	[tilespmem:$0x1E800] =	vst v63  }
0x6a: {  	s9 =	rddreg [dreg:$0x1f];
	s10 =	simm.s32 $0x1B00  }
0x6b: {  	[tilespmem:s10], [sflag:$0x1] =	stream.linear.gather [hbm4b:s9+s2], $0x100, $0x38;
	[tilespmem:$0x1E800] =	vst v63  }
0x6c: {  	s9 =	sld [smem:$0x7F8];
	_ =	sdelay $0x1  }
0x6d: {  	s10 =	simm.s32 $0x1C00  }
0x6e: {  	[tilespmem:s10], [sflag:$0x1] =	stream.linear.gather [hbm4b:s9+s2], $0x100, $0x38;
	[tilespmem:$0x1E800] =	vst v63  }
0x6f: {  	s9 =	sld [smem:$0x7F9];
	_ =	sdelay $0x1  }
0x70: {  	s10 =	simm.s32 $0x1D00  }
0x71: {  	[tilespmem:s10], [sflag:$0x1] =	stream.linear.gather [hbm4b:s9+s2], $0x100, $0x38;
	[tilespmem:$0x1E800] =	vst v63  }
0x72: {  	s9 =	sld [smem:$0x7FA];
	_ =	sdelay $0x1  }
0x73: {  	s10 =	simm.s32 $0x1E00  }
0x74: {  	[tilespmem:s10], [sflag:$0x1] =	stream.linear.gather [hbm4b:s9+s2], $0x100, $0x38;
	[tilespmem:$0x1E800] =	vst v63  }
0x75: {  	s9 =	sld [smem:$0x7FB];
	_ =	sdelay $0x1  }
0x76: {  	s10 =	simm.s32 $0x1F00  }
0x77: {  	[tilespmem:s10], [sflag:$0x1] =	stream.linear.gather [hbm4b:s9+s2], $0x100, $0x38;
	[tilespmem:$0x1E800] =	vst v63  }
0x78: {  	s9 =	sld [smem:$0x7FC];
	_ =	sdelay $0x1  }
0x79: {  	s10 =	simm.s32 $0x2000  }
0x7a: {  	[tilespmem:s10], [sflag:$0x1] =	stream.linear.gather [hbm4b:s9+s2], $0x100, $0x38;
	[tilespmem:$0x1E800] =	vst v63  }
0x7b: {  	s9 =	sld [smem:$0x7FD];
	_ =	sdelay $0x1  }
0x7c: {  	s10 =	simm.s32 $0x2100  }
0x7d: {  	[tilespmem:s10], [sflag:$0x1] =	stream.linear.gather [hbm4b:s9+s2], $0x100, $0x38;
	[tilespmem:$0x1E800] =	vst v63  }
0x7e: {  	s10 =	simm.s32 $0x2200  }
0x7f: {  	[tilespmem:s10], [sflag:$0x1] =	stream.linear.gather [hbm4b:s11+s2], $0x100, $0x38;
	[tilespmem:$0x1E800] =	vst v63  }
0x80: {  	s9 =	simm.s32 $0x2300  }
0x81: {  	[tilespmem:s9], [sflag:$0x1] =	stream.linear.gather [hbm4b:s12+s2], $0x100, $0x38;
	[tilespmem:$0x1E800] =	vst v63  }
0x82: {  	s10 =	simm.s32 $0x2400  }
0x83: {  	[tilespmem:s10], [sflag:$0x1] =	stream.linear.gather [hbm4b:s13+s2], $0x100, $0x38;
	[tilespmem:$0x1E800] =	vst v63  }
0x84: {  	s9 =	simm.s32 $0x2500  }
0x85: {  	[tilespmem:s9], [sflag:$0x1] =	stream.linear.gather [hbm4b:s14+s2], $0x100, $0x38;
	[tilespmem:$0x1E800] =	vst v63  }
0x86: {  	s10 =	simm.s32 $0x2600  }
0x87: {  	[tilespmem:s10], [sflag:$0x1] =	stream.linear.gather [hbm4b:s15+s2], $0x100, $0x38;
	[tilespmem:$0x1E800] =	vst v63  }
0x88: {  	s8 =	simm.s32 @!p0 $0x0;
	s9 =	simm.s32 @!p0 $0x2700  }
0x89: {  	[tilespmem:s9], [sflag:$0x6] =	stream.linear.gather @!p0 [hbm4b:s16+s8], $0x100, $0x38;
	[tilespmem:$0x1E800] =	vst v63  }
0x8a: {  	s8 =	simm.s32 @!p0 $0x6  }
0x8b: {  	_ =	swait.ge @!p0 [sflag:s8], $0x100  }
0x8c: {  	[sflag:s8] =	ssyncset.done @!p0 $0x0  }
0x8d: {  	s9 =	sand.u32 $0x3FF0, s2;
	[sflag:s8] =	ssyncadd.s32 @!p0 $0xFFFFFF00;
	s8 =	simm.s32 $0x10  }
.LBB2_2:
0x8e: {  	p1 =	sne.s32 s8, $0x3FF0;
	[tilespmem:s9+$0x2800] =	vst v0;
	s9 =	smov.u32 s8;
	s8 =	sadd.s32 $0x10, s8  }
.Ltmp0:
0x8f: {  	(pc) =	sbr.rel @p1 .LBB2_2-.Ltmp0, $2  }
0x90: {  	_ =	sdelay $0x2  }
0x91: {  	s9 =	sand.u32 $0x3FF0, s9  }
0x92: {  	[tilespmem:s9+$0x2800] =	vst v0  }
0x93: {  	[spmem:s17] =	stream.linear.scatter [tilespmem:s26], [sflag:$0x6], $0x4000, $0x38;
	[tilespmem:$0x1E800] =	vst v63  }
0x94: {  	_ =	swait.ge [sflag:s28], $0x4000  }
0x95: {  	[sflag:s28] =	ssyncset.done $0x0  }
0x96: {  	[sflag:s28] =	ssyncadd.s32 $0xFFFFC000  }
0x97: {  	[spmem:s20] =	stream.linear.scatter [tilespmem:s26], [sflag:$0x6], $0x4000, $0x38;
	[tilespmem:$0x1E800] =	vst v63  }
0x98: {  	_ =	swait.ge [sflag:s28], $0x4000  }
0x99: {  	[sflag:s28] =	ssyncset.done $0x0  }
0x9a: {  	[sflag:s28] =	ssyncadd.s32 $0xFFFFC000  }
0x9b: {  	[spmem:s21] =	stream.linear.scatter [tilespmem:s26], [sflag:$0x6], $0x4000, $0x38;
	[tilespmem:$0x1E800] =	vst v63  }
0x9c: {  	_ =	swait.ge [sflag:s28], $0x4000  }
0x9d: {  	[sflag:s28] =	ssyncset.done $0x0  }
0x9e: {  	[sflag:s28] =	ssyncadd.s32 $0xFFFFC000  }
0x9f: {  	[spmem:s22] =	stream.linear.scatter [tilespmem:s26], [sflag:$0x6], $0x4000, $0x38;
	[tilespmem:$0x1E800] =	vst v63  }
0xa0: {  	_ =	swait.ge [sflag:s28], $0x4000  }
0xa1: {  	[sflag:s28] =	ssyncset.done $0x0  }
0xa2: {  	[sflag:s28] =	ssyncadd.s32 $0xFFFFC000  }
0xa3: {  	[spmem:s23] =	stream.linear.scatter [tilespmem:s26], [sflag:$0x6], $0x4000, $0x38;
	[tilespmem:$0x1E800] =	vst v63  }
0xa4: {  	_ =	swait.ge [sflag:s28], $0x4000  }
0xa5: {  	[sflag:s28] =	ssyncset.done $0x0  }
0xa6: {  	[sflag:s28] =	ssyncadd.s32 $0xFFFFC000  }
0xa7: {  	_ =	swait.ge [sflag:s29], $0x100  }
0xa8: {  	[sflag:s29] =	ssyncset.done $0x0  }
0xa9: {  	[sflag:s29] =	ssyncadd.s32 $0xFFFFFF00  }
0xaa: {  	_ =	swait.ge [sflag:s29], $0x100  }
0xab: {  	[sflag:s29] =	ssyncset.done $0x0  }
0xac: {  	[sflag:s29] =	ssyncadd.s32 $0xFFFFFF00  }
0xad: {  	_ =	swait.ge [sflag:s29], $0x100  }
0xae: {  	[sflag:s29] =	ssyncset.done $0x0  }
0xaf: {  	[sflag:s29] =	ssyncadd.s32 $0xFFFFFF00  }
0xb0: {  	_ =	swait.ge [sflag:s29], $0x100  }
0xb1: {  	[sflag:s29] =	ssyncset.done $0x0  }
0xb2: {  	[sflag:s29] =	ssyncadd.s32 $0xFFFFFF00  }
0xb3: {  	_ =	swait.ge [sflag:s29], $0x100  }
0xb4: {  	[sflag:s29] =	ssyncset.done $0x0  }
0xb5: {  	[sflag:s29] =	ssyncadd.s32 $0xFFFFFF00  }
0xb6: {  	_ =	swait.ge [sflag:s29], $0x100  }
0xb7: {  	[sflag:s29] =	ssyncset.done $0x0  }
0xb8: {  	[sflag:s29] =	ssyncadd.s32 $0xFFFFFF00  }
0xb9: {  	_ =	swait.ge [sflag:s29], $0x100  }
0xba: {  	[sflag:s29] =	ssyncset.done $0x0  }
0xbb: {  	[sflag:s29] =	ssyncadd.s32 $0xFFFFFF00  }
0xbc: {  	_ =	swait.ge [sflag:s29], $0x100  }
0xbd: {  	[sflag:s29] =	ssyncset.done $0x0  }
0xbe: {  	[sflag:s29] =	ssyncadd.s32 $0xFFFFFF00  }
0xbf: {  	_ =	swait.ge [sflag:s29], $0x100  }
0xc0: {  	[sflag:s29] =	ssyncset.done $0x0  }
0xc1: {  	[sflag:s29] =	ssyncadd.s32 $0xFFFFFF00  }
0xc2: {  	_ =	swait.ge [sflag:s29], $0x100  }
0xc3: {  	[sflag:s29] =	ssyncset.done $0x0  }
0xc4: {  	[sflag:s29] =	ssyncadd.s32 $0xFFFFFF00  }
0xc5: {  	_ =	swait.ge [sflag:s29], $0x100  }
0xc6: {  	[sflag:s29] =	ssyncset.done $0x0  }
0xc7: {  	[sflag:s29] =	ssyncadd.s32 $0xFFFFFF00  }
0xc8: {  	_ =	swait.ge [sflag:s29], $0x100  }
0xc9: {  	[sflag:s29] =	ssyncset.done $0x0  }
0xca: {  	[sflag:s29] =	ssyncadd.s32 $0xFFFFFF00  }
0xcb: {  	_ =	swait.ge [sflag:s29], $0x100  }
0xcc: {  	[sflag:s29] =	ssyncset.done $0x0  }
0xcd: {  	[sflag:s29] =	ssyncadd.s32 $0xFFFFFF00  }
0xce: {  	_ =	swait.ge [sflag:s29], $0x100  }
0xcf: {  	[sflag:s29] =	ssyncset.done $0x0  }
0xd0: {  	[sflag:s29] =	ssyncadd.s32 $0xFFFFFF00  }
0xd1: {  	_ =	swait.ge [sflag:s29], $0x100  }
0xd2: {  	[sflag:s29] =	ssyncset.done $0x0  }
0xd3: {  	[sflag:s29] =	ssyncadd.s32 $0xFFFFFF00  }
0xd4: {  	_ =	swait.ge [sflag:s29], $0x100  }
0xd5: {  	[sflag:s29] =	ssyncset.done $0x0  }
0xd6: {  	[sflag:s29] =	ssyncadd.s32 $0xFFFFFF00  }
0xd7: {  	_ =	swait.ge [sflag:s29], $0x100  }
0xd8: {  	[sflag:s29] =	ssyncset.done $0x0  }
0xd9: {  	[sflag:s29] =	ssyncadd.s32 $0xFFFFFF00  }
0xda: {  	_ =	swait.ge [sflag:s29], $0x100  }
0xdb: {  	[sflag:s29] =	ssyncset.done $0x0  }
0xdc: {  	[sflag:s29] =	ssyncadd.s32 $0xFFFFFF00  }
0xdd: {  	_ =	swait.ge [sflag:s29], $0x100  }
0xde: {  	[sflag:s29] =	ssyncset.done $0x0  }
0xdf: {  	[sflag:s29] =	ssyncadd.s32 $0xFFFFFF00  }
0xe0: {  	_ =	swait.ge [sflag:s29], $0x100  }
0xe1: {  	[sflag:s29] =	ssyncset.done $0x0  }
0xe2: {  	[sflag:s29] =	ssyncadd.s32 $0xFFFFFF00  }
0xe3: {  	_ =	swait.ge [sflag:s29], $0x100  }
0xe4: {  	[sflag:s29] =	ssyncset.done $0x0  }
0xe5: {  	[sflag:s29] =	ssyncadd.s32 $0xFFFFFF00  }
0xe6: {  	_ =	swait.ge [sflag:s29], $0x100  }
0xe7: {  	[sflag:s29] =	ssyncset.done $0x0  }
0xe8: {  	[sflag:s29] =	ssyncadd.s32 $0xFFFFFF00  }
0xe9: {  	_ =	swait.ge [sflag:s29], $0x100  }
0xea: {  	[sflag:s29] =	ssyncset.done $0x0  }
0xeb: {  	[sflag:s29] =	ssyncadd.s32 $0xFFFFFF00  }
0xec: {  	_ =	swait.ge [sflag:s29], $0x100  }
0xed: {  	[sflag:s29] =	ssyncset.done $0x0  }
0xee: {  	[sflag:s29] =	ssyncadd.s32 $0xFFFFFF00  }
0xef: {  	_ =	swait.ge [sflag:s29], $0x100  }
0xf0: {  	[sflag:s29] =	ssyncset.done $0x0  }
0xf1: {  	[sflag:s29] =	ssyncadd.s32 $0xFFFFFF00  }
0xf2: {  	_ =	swait.ge [sflag:s29], $0x100  }
0xf3: {  	[sflag:s29] =	ssyncset.done $0x0  }
0xf4: {  	[sflag:s29] =	ssyncadd.s32 $0xFFFFFF00  }
0xf5: {  	_ =	swait.ge [sflag:s29], $0x100  }
0xf6: {  	[sflag:s29] =	ssyncset.done $0x0  }
0xf7: {  	[sflag:s29] =	ssyncadd.s32 $0xFFFFFF00  }
0xf8: {  	_ =	swait.ge [sflag:s29], $0x100  }
0xf9: {  	[sflag:s29] =	ssyncset.done $0x0  }
0xfa: {  	[sflag:s29] =	ssyncadd.s32 $0xFFFFFF00  }
0xfb: {  	_ =	swait.ge [sflag:s29], $0x100  }
0xfc: {  	[sflag:s29] =	ssyncset.done $0x0  }
0xfd: {  	[sflag:s29] =	ssyncadd.s32 $0xFFFFFF00  }
0xfe: {  	_ =	swait.ge [sflag:s29], $0x100  }
0xff: {  	[sflag:s29] =	ssyncset.done $0x0  }
0x100: {  	[sflag:s29] =	ssyncadd.s32 $0xFFFFFF00  }
0x101: {  	_ =	swait.ge [sflag:s29], $0x100  }
0x102: {  	[sflag:s29] =	ssyncset.done $0x0  }
0x103: {  	[sflag:s29] =	ssyncadd.s32 $0xFFFFFF00  }
0x104: {  	_ =	swait.ge [sflag:s29], $0x100  }
0x105: {  	[sflag:s29] =	ssyncset.done $0x0  }
0x106: {  	[sflag:s29] =	ssyncadd.s32 $0xFFFFFF00  }
0x107: {  	_ =	swait.ge [sflag:s29], $0x100  }
0x108: {  	[sflag:s29] =	ssyncset.done $0x0  }
0x109: {  	[sflag:s29] =	ssyncadd.s32 $0xFFFFFF00  }
0x10a: {  	_ =	swait.ge [sflag:s29], $0x100  }
0x10b: {  	[sflag:s29] =	ssyncset.done $0x0  }
0x10c: {  	[sflag:s29] =	ssyncadd.s32 $0xFFFFFF00  }
0x10d: {  	_ =	swait.ge [sflag:s29], $0x100  }
0x10e: {  	[sflag:s29] =	ssyncset.done $0x0  }
0x10f: {  	[sflag:s29] =	ssyncadd.s32 $0xFFFFFF00  }
0x110: {  	_ =	swait.ge [sflag:s29], $0x100  }
0x111: {  	[sflag:s29] =	ssyncset.done $0x0  }
0x112: {  	[sflag:s29] =	ssyncadd.s32 $0xFFFFFF00  }
0x113: {  	_ =	swait.ge [sflag:s29], $0x100  }
0x114: {  	[sflag:s29] =	ssyncset.done $0x0  }
0x115: {  	[sflag:s29] =	ssyncadd.s32 $0xFFFFFF00  }
0x116: {  	_ =	swait.ge [sflag:s29], $0x100  }
0x117: {  	[sflag:s29] =	ssyncset.done $0x0  }
0x118: {  	[sflag:s29] =	ssyncadd.s32 $0xFFFFFF00  }
0x119: {  	_ =	swait.ge [sflag:s29], $0x100  }
0x11a: {  	[sflag:s29] =	ssyncset.done $0x0  }
0x11b: {  	[sflag:s29] =	ssyncadd.s32 $0xFFFFFF00  }
0x11c: {  	[bflag:$0x0] =	sbarrier.arrive $0xFFFF  }
0x11d: {  	[tilespmem:s26], [sflag:$0x2] =	stream.indirect.gather [hbm4b:s4+s30], $0x80, s2, s30, $0xb8;
	[tilespmem:$0x1E800] =	vst v63  }
0x11e: {  	_ = 	snop  }
0x11f: {  	[tilespmem:s31], [sflag:$0x3] =	stream.indirect.gather [hbm4b:s4+s30], $0x80, s24, s30, $0xb8;
	[tilespmem:$0x1E800] =	vst v63  }
0x120: {  	_ =	swait.ge [sflag:s0], $0x4000  }
0x121: {  	[sflag:s0] =	ssyncset.done $0x0  }
0x122: {  	[sflag:s0] =	ssyncadd.s32 $0xFFFFC000  }
0x123: {  	[spmem:s1] =	stream.indirect.scatter.add.f32 [tilespmem:s26], [sflag:$0x4], $0x80, s30, s30, $0xb8;
	[tilespmem:$0x1E800] =	vst v63  }
0x124: {  	_ =	swait.ge [sflag:s3], $0x4000  }
0x125: {  	[sflag:s3] =	ssyncset.done $0x0  }
0x126: {  	[sflag:s3] =	ssyncadd.s32 $0xFFFFC000  }
0x127: {  	[tilespmem:s26], [sflag:$0x2] =	stream.indirect.gather [hbm4b:s4+s30], $0x80, s25, s30, $0xb8;
	[tilespmem:$0x1E800] =	vst v63  }
0x128: {  	_ =	swait.ge [sflag:s5], $0x4000  }
0x129: {  	[sflag:s5] =	ssyncset.done $0x0  }
0x12a: {  	s8 =	simm.s32 $0x180;
	[sflag:s5] =	ssyncadd.s32 $0xFFFFC000  }
0x12b: {  	[spmem:s1] =	stream.indirect.scatter.add.f32 [tilespmem:s31], [sflag:$0x5], $0x80, s8, s30, $0xb8;
	[tilespmem:$0x1E800] =	vst v63  }
0x12c: {  	_ =	swait.ge [sflag:s6], $0x4000  }
0x12d: {  	[sflag:s6] =	ssyncset.done $0x0  }
0x12e: {  	s10 =	simm.s32 $0x300;
	[sflag:s6] =	ssyncadd.s32 $0xFFFFC000  }
0x12f: {  	[tilespmem:s31], [sflag:$0x3] =	stream.indirect.gather [hbm4b:s4+s30], $0x80, s10, s30, $0xb8;
	[tilespmem:$0x1E800] =	vst v63  }
0x130: {  	_ =	swait.ge [sflag:s0], $0x4000  }
0x131: {  	[sflag:s0] =	ssyncset.done $0x0  }
0x132: {  	s9 =	simm.s32 $0x280;
	[sflag:s0] =	ssyncadd.s32 $0xFFFFC000  }
0x133: {  	[spmem:s1] =	stream.indirect.scatter.add.f32 [tilespmem:s26], [sflag:$0x4], $0x80, s9, s30, $0xb8;
	[tilespmem:$0x1E800] =	vst v63  }
0x134: {  	_ =	swait.ge [sflag:s3], $0x4000  }
0x135: {  	[sflag:s3] =	ssyncset.done $0x0  }
0x136: {  	s10 =	simm.s32 $0x400;
	[sflag:s3] =	ssyncadd.s32 $0xFFFFC000  }
0x137: {  	[tilespmem:s26], [sflag:$0x2] =	stream.indirect.gather [hbm4b:s4+s30], $0x80, s10, s30, $0xb8;
	[tilespmem:$0x1E800] =	vst v63  }
0x138: {  	_ =	swait.ge [sflag:s5], $0x4000  }
0x139: {  	[sflag:s5] =	ssyncset.done $0x0  }
0x13a: {  	s8 =	simm.s32 $0xFFFF7800;
	s9 =	simm.s32 $0x380;
	[sflag:s5] =	ssyncadd.s32 $0xFFFFC000  }
.LBB2_4:
0x13b: {  	[spmem:s1] =	stream.indirect.scatter.add.f32 [tilespmem:s31], [sflag:$0x5], $0x80, s9, s30, $0xb8;
	[tilespmem:$0x1E800] =	vst v63  }
0x13c: {  	s9 =	smov.u32 s8  }
0x13d: {  	p1 =	sne.s32 s8, $0xFFFFF800;
	s8 =	sadd.s32 $0x800, s8;
	_ =	swait.ge [sflag:s6], $0x4000  }
0x13e: {  	s9 =	sshra.s32 s9, $0x2;
	[sflag:s6] =	ssyncset.done $0x0  }
0x13f: {  	s10 =	sadd.s32 $0x2700, s9;
	[sflag:s6] =	ssyncadd.s32 $0xFFFFC000  }
0x140: {  	[tilespmem:s31], [sflag:$0x3] =	stream.indirect.gather [hbm4b:s4+s30], $0x80, s10, s30, $0xb8;
	[tilespmem:$0x1E800] =	vst v63  }
0x141: {  	_ =	swait.ge [sflag:s0], $0x4000  }
0x142: {  	[sflag:s0] =	ssyncset.done $0x0  }
0x143: {  	s10 =	sadd.s32 $0x2680, s9;
	[sflag:s0] =	ssyncadd.s32 $0xFFFFC000  }
0x144: {  	[spmem:s1] =	stream.indirect.scatter.add.f32 [tilespmem:s26], [sflag:$0x4], $0x80, s10, s30, $0xb8;
	[tilespmem:$0x1E800] =	vst v63  }
0x145: {  	_ =	swait.ge [sflag:s3], $0x4000  }
0x146: {  	[sflag:s3] =	ssyncset.done $0x0  }
.Ltmp1:
0x147: {  	s10 =	sadd.s32 $0x2800, s9;
	[sflag:s3] =	ssyncadd.s32 $0xFFFFC000;
	(pc) =	sbr.rel @p1 .LBB2_4-.Ltmp1, $4  }
0x148: {  	[tilespmem:s26], [sflag:$0x2] =	stream.indirect.gather [hbm4b:s4+s30], $0x80, s10, s30, $0xb8;
	[tilespmem:$0x1E800] =	vst v63  }
0x149: {  	_ =	swait.ge [sflag:s5], $0x4000  }
0x14a: {  	[sflag:s5] =	ssyncset.done $0x0  }
0x14b: {  	s9 =	sadd.s32 $0x2780, s9;
	[sflag:s5] =	ssyncadd.s32 $0xFFFFC000  }
0x14c: {  	[spmem:s1] =	stream.indirect.scatter.add.f32 [tilespmem:s31], [sflag:$0x5], $0x80, s9, s30, $0xb8;
	[tilespmem:$0x1E800] =	vst v63  }
0x14d: {  	_ =	swait.ge [sflag:s6], $0x4000  }
0x14e: {  	[sflag:s6] =	ssyncset.done $0x0  }
0x14f: {  	[sflag:s6] =	ssyncadd.s32 $0xFFFFC000  }
0x150: {  	_ =	swait.ge [sflag:s0], $0x4000  }
0x151: {  	[sflag:s0] =	ssyncset.done $0x0  }
0x152: {  	s8 =	simm.s32 $0x2680;
	[sflag:s0] =	ssyncadd.s32 $0xFFFFC000  }
0x153: {  	[spmem:s1] =	stream.indirect.scatter.add.f32 [tilespmem:s26], [sflag:$0x4], $0x80, s8, s30, $0xb8;
	[tilespmem:$0x1E800] =	vst v63  }
0x154: {  	_ =	swait.ge [sflag:s3], $0x4000  }
0x155: {  	s9 =	simm.s32 @!p0 $0x2700;
	[sflag:s3] =	ssyncset.done $0x0  }
0x156: {  	s10 =	simm.s32 @!p0 $0x6800;
	s8 =	simm.s32 @!p0 $0x80;
	[sflag:s3] =	ssyncadd.s32 $0xFFFFC000  }
0x157: {  	[tilespmem:s10], [sflag:$0x3] =	stream.indirect.gather @!p0 [hbm4b:s4+s8], $0x80, s9, s8, $0xb8;
	[tilespmem:$0x1E800] =	vst v63  }
0x158: {  	s9 =	simm.s32 @!p0 $0x3  }
0x159: {  	_ =	swait.ge @!p0 [sflag:s9], $0x4000  }
0x15a: {  	[sflag:s9] =	ssyncset.done @!p0 $0x0  }
0x15b: {  	[sflag:s9] =	ssyncadd.s32 @!p0 $0xFFFFC000;
	s9 =	simm.s32 @!p0 $0x2780  }
0x15c: {  	[spmem:s1] =	stream.indirect.scatter.add.f32 @!p0 [tilespmem:s10], [sflag:$0x5], $0x80, s9, s8, $0xb8;
	[tilespmem:$0x1E800] =	vst v63  }
0x15d: {  	s8 =	simm.s32 @!p0 $0x5  }
0x15e: {  	s7 =	sadd.s32 $0x1, s7;
	_ =	swait.ge @!p0 [sflag:s8], $0x4000  }
0x15f: {  	p1 =	sne.s32 s7, s19;
	s9 =	stileid.u32;
	[sflag:s8] =	ssyncset.done @!p0 $0x0  }
0x160: {  	s10 =	sshrl.u32 s17, $0x3;
	[sflag:s8] =	ssyncadd.s32 @!p0 $0xFFFFC000;
	s8 =	sshll.u32 s9, $0x6  }
.Ltmp2:
0x161: {  	[bflag:$0x0] =	sbarrier.arrive $0xFFFF;
	s8 =	sor.u32 $0x1C06, s8;
	(pc) =	sbr.rel @p1 .LBB2_1-.Ltmp2, $4  }
0x162: {  	[hbm:s18], [sflag:s8] =	dma.local [spmem:s10], $0x2800  }
0x163: {  	_ =	swait.ge [sflag:s28], $0x2800  }
0x164: {  	[sflag:s28] =	ssyncset.done $0x0  }
0x165: {  	[sflag:s28] =	ssyncadd.s32 $0xFFFFD800  }
0x166: {  	_ =	sfence.sel $0x180000  }
0x167: {  	[bflag:$0x0] =	sbarrier.arrive $0xFFFF  }
0x168: {  	_ =	strace $0x9000004D  }
0x169: {  	[bflag:$0x2] =	sbarrier.arrive $0xFFFF  }
0x16a: {  	s0 =	rddreg [dreg:$0x3]  }
0x16b: {  	s0 =	sadd.s32 @!p0 $0x100000, s0  }
0x16c: {  	[sflag:s0] =	ssyncadd.tile.s32 @!p0 $0x1;
	_ =	shalt  }
.Lfunc_end2:
_tile_overlayer_lowered:
.L_overlay_start_2:
0x16d: {  	(tag) =	ssettag $0x2  }
0x16e: {  	s0 =	rddreg [dreg:$0x0];
	s2 =	stileid.u32  }
0x16f: {  	s1 =	rddreg [dreg:$0x1];
	p0 =	sne.s32 s2, $0x0  }
0x170: {  	s3 =	rddreg [dreg:$0x2];
	[bflag:$0x3] =	sbarrier.arrive $0xFFFF;
	s2 =	simm.s32 @!p0 $0x1C06  }
0x171: {  	[timem:s3], [sflag:s2] =	dma.local @!p0 [hbm:s0], s1  }
0x172: {  	s0 =	simm.s32 @!p0 $0x6  }
0x173: {  	_ =	swait.ge @!p0 [sflag:s0], s1  }
0x174: {  	s1 =	ssub.s32 @!p0 $0x0, s1;
	[sflag:s0] =	ssyncset.done @!p0 $0x0  }
0x175: {  	[sflag:s0] =	ssyncadd.s32 @!p0 s1  }
0x176: {  	[bflag:$0x3] =	sbarrier.arrive $0xFFFF  }
0x177: {  	_ =	shalt  }

// kernel: kernel.13.cloned.1.call-start
scs
__scs_entry_jumppad:
0x0: {  	(pc) =	sbr.rel $0x88, $3  }
0x1: {  	(tag) =	ssettag $0x0;
	lr =	simm.s32 $0x1  }
0x2: {  	[smem:$0x3F9B] =	sst lr;
	_ =	strace $0xD0000000  }
0x3: {  	_ = 	snop  }
0x4: {  	_ = 	snop  }
0x5: {  	_ = 	snop  }
0x6: {  	_ = 	snop  }
0x7: {  	_ = 	snop  }
__scs_overlays_trampoline_lowered:
0x8: {  	[smem:$0x3FAA] =	sst s0  }
0x9: {  	[smem:$0x3FAB] =	sst s1  }
0xa: {  	[smem:$0x3FAC] =	sst s2  }
0xb: {  	[smem:$0x3FAD] =	sst s3  }
0xc: {  	[smem:$0x3FAE] =	sst s4  }
0xd: {  	[smem:$0x3FAF] =	sst s5  }
0xe: {  	[smem:$0x3FB0] =	sst s6  }
0xf: {  	[smem:$0x3FB1] =	sst s7  }
0x10: {  	[smem:$0x3FB2] =	sst s8  }
0x11: {  	[smem:$0x3FB3] =	sst s9;
	s0 =	simm.s32 @!p0 $0x0  }
0x12: {  	s1 =	sld [smem:$0x3F99];
	s0 =	simm.s32 @p0 $0x1  }
0x13: {  	[smem:$0x3FB4] =	sst s0;
	s0 =	simm.s32 @!p1 $0x0  }
0x14: {  	s2 =	sld [smem:$0x3F98];
	s0 =	simm.s32 @p1 $0x1  }
0x15: {  	[smem:$0x3FB5] =	sst s0;
	s0 =	simm.s32 @!p2 $0x0  }
0x16: {  	s3 =	sld [smem:$0x3FDB];
	s0 =	simm.s32 @p2 $0x1  }
0x17: {  	s4 =	simm.s32 $0x1BF5;
	[smem:$0x3FB7] =	sst s0  }
0x18: {  	s0 =	sld [smem:$0x3F9A];
	_ =	swait.ge [sflag:s4], $0x0  }
0x19: {  	s7 =	sld [smem:$0x3F9B]  }
0x1a: {  	s8 =	sadd.s32 $0xFFFFE003, lr  }
0x1b: {  	s9 =	sadd.s32 $0xFFFFFEF7, lr;
	s5 =	simm.s32 $0xFFFFFFFF;
	p2 =	slt.u32 s8, $0xFFFFF086  }
0x1c: {  	p1 =	slt.u32 s9, $0xF7A;
	s5 =	simm.s32 @!p2 $0x0  }
0x1d: {  	s5 =	simm.s32 @p1 $0x1;
	p0 =	seq.s32 s7, s2  }
0x1e: {  	s7 =	smul.u32 @!p0 $0xF7A, s2;
	p2 =	seq.s32 @!p0 s5, $0x0  }
0x1f: {  	s9 =	smul.u32 $0xF7A, s1;
	s8 =	simm.s32 @!p0 $0x1BF5;
	p2 =	por !p2, p0  }
0x20: {  	[sflag:s8] =	ssyncset.s32 @!p0 $0xFFFFF086;
	s6 =	sadd.s32 @!p0 s3, s7;
	s7 =	simm.s32 @!p0 $0x108  }
0x21: {  	s3 =	sadd.s32 s3, s9;
	s6 =	sadd.s32 @!p0 $0x88, s6;
	s7 =	simm.s32 @p2 $0x1082  }
0x22: {  	[simem:s7], [sflag:s8] =	dma.local @!p0 [hbm:s6], $0xF7A  }
0x23: {  	s9 =	sor.u32 $0xD0000000, s2;
	s6 =	simm.s32 $0x108;
	_ =	swait.ge @!p0 [sflag:s8], $0x0  }
0x24: {  	s3 =	sadd.s32 $0x88, s3;
	s6 =	simm.s32 @!p1 $0x1082;
	[sflag:s4] =	ssyncset.s32 $0xFFFFF086  }
0x25: {  	[simem:s6], [sflag:s4] =	dma.local [hbm:s3], $0xF7A  }
0x26: {  	[smem:$0x3F9B] =	sst s1;
	(tag) =	ssettag s2;
	_ =	strace s9  }
0x27: {  	s1 =	sld [smem:$0x3FAB]  }
0x28: {  	s2 =	sld [smem:$0x3FAC]  }
0x29: {  	s4 =	sld [smem:$0x3FAE]  }
0x2a: {  	p0 =	seq.s32 s5, $0x0;
	s5 =	sld [smem:$0x3FAF]  }
0x2b: {  	s6 =	sld [smem:$0x3FB0]  }
0x2c: {  	s7 =	sld [smem:$0x3FB1]  }
0x2d: {  	s3 =	simm.s32 $0x108;
	s8 =	sld [smem:$0x3FB2]  }
0x2e: {  	s3 =	simm.s32 @!p0 $0x1082;
	s9 =	sld [smem:$0x3FB3]  }
0x2f: {  	lr =	sadd.s32 s0, s3;
	s0 =	sld [smem:$0x3FAA]  }
0x30: {  	s3 =	sld [smem:$0x3FAD]  }
0x31: {  	[smem:$0x3FB6] =	sst s10  }
0x32: {  	s10 =	sld [smem:$0x3FB4];
	_ =	sdelay $0x3  }
0x33: {  	p0 =	seq.s32 s10, $0x1;
	s10 =	sld [smem:$0x3FB6];
	_ =	sdelay $0x3  }
0x34: {  	[smem:$0x3FB6] =	sst s10  }
0x35: {  	s10 =	sld [smem:$0x3FB5];
	_ =	sdelay $0x3  }
0x36: {  	p1 =	seq.s32 s10, $0x1;
	s10 =	sld [smem:$0x3FB6];
	_ =	sdelay $0x3  }
0x37: {  	[smem:$0x3FB6] =	sst s10  }
0x38: {  	s10 =	sld [smem:$0x3FB7]  }
0x39: {  	_ = 	snop;
	(pc) =	sbr.ind lr, $3  }
0x3a: {  	_ = 	snop  }
0x3b: {  	_ = 	snop  }
0x3c: {  	p2 =	seq.s32 s10, $0x1;
	s10 =	sld [smem:$0x3FB6]  }
0x3d: {  	_ =	shalt  }
0x3e: {  	_ =	shalt  }
0x3f: {  	_ =	shalt  }
0x40: {  	_ =	shalt  }
0x41: {  	_ =	shalt  }
0x42: {  	_ =	shalt  }
0x43: {  	_ =	shalt  }
0x44: {  	_ =	shalt  }
0x45: {  	_ =	shalt  }
0x46: {  	_ =	shalt  }
0x47: {  	_ =	shalt  }
0x48: {  	_ =	shalt  }
0x49: {  	_ =	shalt  }
0x4a: {  	_ =	shalt  }
0x4b: {  	_ =	shalt  }
0x4c: {  	_ =	shalt  }
0x4d: {  	_ =	shalt  }
0x4e: {  	_ =	shalt  }
0x4f: {  	_ =	shalt  }
0x50: {  	_ =	shalt  }
0x51: {  	_ =	shalt  }
0x52: {  	_ =	shalt  }
0x53: {  	_ =	shalt  }
0x54: {  	_ =	shalt  }
0x55: {  	_ =	shalt  }
0x56: {  	_ =	shalt  }
0x57: {  	_ =	shalt  }
0x58: {  	_ =	shalt  }
0x59: {  	_ =	shalt  }
0x5a: {  	_ =	shalt  }
0x5b: {  	_ =	shalt  }
0x5c: {  	_ =	shalt  }
0x5d: {  	_ =	shalt  }
0x5e: {  	_ =	shalt  }
0x5f: {  	_ =	shalt  }
0x60: {  	_ =	shalt  }
0x61: {  	_ =	shalt  }
0x62: {  	_ =	shalt  }
0x63: {  	_ =	shalt  }
0x64: {  	_ =	shalt  }
0x65: {  	_ =	shalt  }
0x66: {  	_ =	shalt  }
0x67: {  	_ =	shalt  }
0x68: {  	_ =	shalt  }
0x69: {  	_ =	shalt  }
0x6a: {  	_ =	shalt  }
0x6b: {  	_ =	shalt  }
0x6c: {  	_ =	shalt  }
0x6d: {  	_ =	shalt  }
0x6e: {  	_ =	shalt  }
0x6f: {  	_ =	shalt  }
0x70: {  	_ =	shalt  }
0x71: {  	_ =	shalt  }
0x72: {  	_ =	shalt  }
0x73: {  	_ =	shalt  }
0x74: {  	_ =	shalt  }
0x75: {  	_ =	shalt  }
0x76: {  	_ =	shalt  }
0x77: {  	_ =	shalt  }
0x78: {  	_ =	shalt  }
0x79: {  	_ =	shalt  }
0x7a: {  	_ =	shalt  }
0x7b: {  	_ =	shalt  }
0x7c: {  	_ =	shalt  }
0x7d: {  	_ =	shalt  }
0x7e: {  	_ =	shalt  }
0x7f: {  	_ =	shalt  }
0x80: {  	_ =	shalt  }
0x81: {  	_ =	shalt  }
0x82: {  	_ =	shalt  }
0x83: {  	_ =	shalt  }
0x84: {  	_ =	shalt  }
0x85: {  	_ =	shalt  }
0x86: {  	_ =	shalt  }
0x87: {  	_ =	shalt  }
.Lfunc_end0:
.L_simem_size_0:
called_computation.2_lowered:
.L_overlay_start_0:
0x88: {  	s2 =	sld [smem:$0x3FD9]  }
0x89: {  	s3 =	sld [smem:$0x3FFE];
	_ =	sdelay $0x1  }
0x8a: {  	s1 =	srdreg.scid  }
0x8b: {  	s0 =	sand.u32 $0x1, s1  }
0x8c: {  	s17 =	sshll.u32 s0, $0xA;
	s2 =	sadd.s32 s3, s2  }
0x8d: {  	s2 =	sadd.s32 s2, s17  }
0x8e: {  	[smem:$0x3FC2] =	sst s2  }
0x8f: {  	_ = 	snop  }
0x90: {  	s2 =	sld [smem:$0x3FC8];
	(tm) =	ssettm $0x1  }
0x91: {  	s18 =	sld [smem:$0x3FFB];
	_ =	sdelay $0x3  }
0x92: {  	_ =	strace s18  }
0x93: {  	s3 =	sld [smem:$0x3FFC];
	_ =	sdelay $0x3  }
0x94: {  	_ =	strace s3  }
0x95: {  	s3 =	sld [smem:$0x3FFD];
	_ =	sdelay $0x3  }
0x96: {  	_ =	strace s3  }
0x97: {  	_ =	strace $0x8FFFFFFF  }
0x98: {  	s19 =	sld [smem:$0x3FDB];
	_ =	sdelay $0x1  }
0x99: {  	s4 =	simm.s32 $_scs_section_size  }
0x9a: {  	s5 =	simm.s32 $_size__tile_overlayer_lowered;
	s6 =	simm.s32 $_tile_overlayer_lowered  }
0x9b: {  	s22 =	simm.s32 $0x1BFF;
	s21 =	sshll.u32 s6, $0x1;
	s3 =	sadd.s32 s4, s19  }
0x9c: {  	s7 =	simm.s32 $0x0;
	s20 =	sshll.u32 s5, $0x1;
	s5 =	sadd.s32 s21, s3  }
0x9d: {  	[timem:s7], [sflag:s22] =	dma.local [hbm:s5], s20  }
0x9e: {  	_ =	swait.ge [sflag:s22], s20  }
0x9f: {  	s4 =	ssub.s32 $0x0, s20;
	[sflag:s22] =	ssyncset.done $0x0  }
0xa0: {  	[sflag:s22] =	ssyncadd.s32 s4;
	_ =	sdelay $0x1  }
0xa1: {  	s23 =	simm.s32 $0x1B8B  }
0xa2: {  	_ =	swait.ge [sflag:s23], $0x1  }
0xa3: {  	[sflag:s23] =	ssyncset.done $0x0  }
0xa4: {  	s25 =	simm.s32 $0x1B8E;
	s24 =	sld [smem:$0x3FFE];
	[sflag:s23] =	ssyncadd.s32 $0xFFFFFFFF  }
0xa5: {  	s26 =	simm.s32 $execute0_lowered;
	[smem:$0x3FD2] =	sst s25  }
0xa6: {  	s5 =	sshll.u32 s26, $0x1;
	_ =	strace $0x80000049;
	[dreg:$0x1] =	wrdreg $0xFFFFFFFF  }
0xa7: {  	s28 =	simm.s32 $_size_execute0_lowered;
	s3 =	sadd.s32 s3, s5;
	[dreg:$0x0] =	wrdreg $0x0  }
0xa8: {  	s5 =	sshll.u32 s28, $0x1;
	[dreg:$0x2] =	wrdreg s3  }
0xa9: {  	[dreg:$0x3] =	wrdreg s5  }
0xaa: {  	[dreg:$0x4] =	wrdreg $0xC0  }
0xab: {  	_ =	task [dreg:s7], $0x5FFFF  }
0xac: {  	[dreg:$0x1] =	wrdreg $0xFFFFFFFF  }
0xad: {  	[dreg:$0x0] =	wrdreg $0x60  }
0xae: {  	[dreg:$0x2] =	wrdreg s2  }
0xaf: {  	[dreg:$0x3] =	wrdreg s24  }
0xb0: {  	[dreg:$0x4] =	wrdreg $0xA2800  }
0xb1: {  	[dreg:$0x5] =	wrdreg $0xA  }
0xb2: {  	_ =	task.clear_ibuf [dreg:s7], $0x6FFFF;
	_ =	strace $0x90000049  }
0xb3: {  	s29 =	simm.s32 $0xA;
	_ =	strace $0x8000004B  }
0xb4: {  	_ =	swait.ge [sflag:s29], $0x1  }
0xb5: {  	[sflag:s29] =	ssyncadd.s32 $0xFFFFFFFF  }
0xb6: {  	_ =	strace $0x9000004B  }
0xb7: {  	_ =	sfence  }
0xb8: {  	s30 =	sld [smem:$0x0];
	_ =	sdelay $0x2  }
0xb9: {  	s31 =	sshll.u32 s1, $0xD;
	s1 =	sshrl.u32 s1, $0x2  }
0xba: {  	s3 =	sand.u32 $0x4000, s31;
	s1 =	sadd.s32 s1, s30  }
0xbb: {  	s0 =	sor.u32 s3, s0;
	s1 =	sshll.u32 s1, $0x11  }
0xbc: {  	s0 =	sor.u32 s1, s0  }
0xbd: {  	s0 =	sadd.s32 $0x8F2B, s0  }
0xbe: {  	[sflag:s0] =	ssyncadd.remote.s32 $0x1  }
0xbf: {  	_ =	sfence.sel $0xFFFF  }
0xc0: {  	[dreg:$0x0] =	wrdreg $0xFFFFFFFF;
	(pc) =	sbr.abs _section_cstart, $3  }
0xc1: {  	[dreg:$0x1] =	wrdreg $0xFFFFFFFF  }
0xc2: {  	_ =	task.clear_ibuf [dreg:s7], $0x2FFFF;
	_ =	strace $0x9FFFFFFF  }
0xc3: {  	(tm) =	ssettm $0x7FFFFFFF  }
tec
execute0_lowered:
.L_overlay_start_1:
0x0: {  	(tag) =	ssettag $0x1  }
0x1: {  	s4 =	rddreg [dreg:$0x0]  }
0x2: {  	s3 =	rddreg [dreg:$0x1]  }
0x3: {  	s6 =	rddreg [dreg:$0x2]  }
0x4: {  	s0 =	rddreg [dreg:$0x3];
	s1 =	simm.s32 $0x0;
	s2 =	srdreg.scid  }
0x5: {  	s9 =	stileid.u32;
	s13 =	simm.s32 $0x400;
	s14 =	simm.s32 $0x2  }
0x6: {  	s15 =	simm.s32 $0x1400;
	s16 =	simm.s32 $0x14000;
	s17 =	simm.s32 $0x7800  }
0x7: {  	s18 =	simm.s32 $0x100;
	s19 =	simm.s32 $0xA000;
	s20 =	simm.s32 $0x0  }
0x8: {  	[smem:$0x7FF] =	sst s1;
	s5 =	sand.u32 $0x1, s2;
	s7 =	smul.u32 $0x500, s9  }
0x9: {  	s2 =	sadd.s32 $0x3200, s3;
	s28 =	sshll.u32 s9, $0x1;
	s12 =	sshrl.u32 s9, $0x3  }
0xa: {  	s30 =	smul.u32 $0x5000, s9;
	s31 =	sshll.u32 s9, $0x7;
	p0 =	sne.s32 s9, $0x0  }
0xb: {  	s9 =	simm.s32 $0x2800;
	_ =	strace $0x8000004A;
	s8 =	sshll.u32 s5, $0x7  }
0xc: {  	s10 =	ssub.s32 $0x2, s5;
	s29 =	smul.u32 $0x50000, s12;
	s12 =	simm.s32 $0x80  }
0xd: {  	s7 =	sor.u32 s8, s7;
	s8 =	sor.u32 s5, s28;
	s11 =	sshrl.u32 s10, $0x1  }
0xe: {  	s5 =	sshll.u32 s5, $0x5;
	s7 =	sshrl.u32 s7, $0x3;
	s8 =	smul.u32 $0x4E0, s8  }
0xf: {  	s10 =	ssub.s32 s10, s11;
	s11 =	sshrl.u32 s29, $0x2;
	s7 =	sadd.s32 s7, s3  }
0x10: {  	s11 =	sadd.s32 s11, s6;
	s3 =	sadd.s32 s4, s8;
	s4 =	sadd.s32 s5, s4  }
0x11: {  	s5 =	sand.u32 $0x380, s31;
	s8 =	sshrl.u32 s30, $0x2;
	s7 =	sadd.s32 $0x3800, s7  }
0x12: {  	s4 =	sadd.s32 $0x9C00, s4;
	s5 =	sadd.s32 s5, s11;
	s6 =	sadd.s32 s8, s6  }
0x13: {  	v0 =	vimm.f32 $0.0e+00;
	s8 =	smax.u32 s10, $0x1;
	s10 =	simm.s32 $0x1;
	s11 =	simm.s32 $0x5000  }
.LBB2_1:
0x14: {  	[tilespmem:s1], [sflag:$0x1] =	stream.linear.gather [hbm4b:s3+s1], $0x2700, $0x38;
	[tilespmem:$0xCA80] =	vst v63  }
0x15: {  	s21 =	simm.s32 @!p0 $0x0;
	s22 =	simm.s32 @!p0 $0x2700  }
0x16: {  	[tilespmem:s22], [sflag:$0x2] =	stream.linear.gather @!p0 [hbm4b:s4+s21], $0x100, $0x38;
	[tilespmem:$0xCA80] =	vst v63  }
0x17: {  	s21 =	simm.s32 @!p0 $0x2  }
0x18: {  	_ =	swait.ge @!p0 [sflag:s21], $0x100  }
0x19: {  	[sflag:s21] =	ssyncset.done @!p0 $0x0  }
0x1a: {  	s22 =	simm.s32 $0x0;
	[sflag:s21] =	ssyncadd.s32 @!p0 $0xFFFFFF00;
	s21 =	simm.s32 $0x40  }
0x1b: {  	[tilespmem:s9], [sflag:$0x1] =	stream.linear.gather [hbm4b:s2+s1], $0x2800, $0x38;
	[tilespmem:$0xCA80] =	vst v63  }
.LBB2_2:
0x1c: {  	p1 =	sne.s32 s21, $0x9FC0;
	[tilespmem:s22+$0x5000] =	vst v0;
	s22 =	smov.u32 s21;
	s21 =	sadd.s32 $0x40, s21  }
.Ltmp0:
0x1d: {  	(pc) =	sbr.rel @p1 .LBB2_2-.Ltmp0, $2  }
0x1e: {  	_ =	sdelay $0x2  }
0x1f: {  	s22 =	sshra.s32 s22, $0x2  }
0x20: {  	[tilespmem:s22+$0x5000] =	vst v0  }
0x21: {  	_ =	swait.ge [sflag:s10], $0x2700  }
0x22: {  	[sflag:s10] =	ssyncset.done $0x0  }
0x23: {  	[sflag:s10] =	ssyncadd.s32 $0xFFFFD900  }
0x24: {  	s21 =	simm.s32 $0x0;
	_ =	swait.ge [sflag:s10], $0x2800  }
0x25: {  	s30 =	sand.u32 $0x70, s21;
	s21 =	sand.u32 $0x3F00, s21;
	[sflag:s10] =	ssyncset.done $0x0  }
0x26: {  	s21 =	sor.u32 s30, s21;
	[sflag:s10] =	ssyncadd.s32 $0xFFFFD800  }
0x27: {  	v2 =	vld [tilespmem:s21+$0x80];
	_ =	sdelay $0x4  }
0x28: {  	v1 =	vld [tilespmem:s21+$0x0];
	_ =	sdelay $0x2  }
0x29: {  	v2 =	vld.idx.msk [tilespmem:v2+s9+$0x0], $0xffff;
	_ =	sdelay $0x2  }
0x2a: {  	s31 =	simm.s32 $0x10;
	s21 =	simm.s32 $0x20  }
0x2b: {  	s22 =	simm.s32 $0x20;
	s23 =	sand.u32 $0x70, s31;
	s24 =	sand.u32 $0x3F00, s21  }
.LBB2_4:
0x2c: {  	p1 =	sne.s32 s22, $0x1370;
	s23 =	sor.u32 s23, s24;
	[tilespmem:v1+s11+$0x0] =	vst.idx.add.f32.msk $0xffff, v2  }
0x2d: {  	v2 =	vld [tilespmem:s23+$0x80];
	_ =	sdelay $0x5  }
0x2e: {  	v1 =	vld [tilespmem:s23+$0x0];
	_ =	sdelay $0x1  }
0x2f: {  	v2 =	vld.idx.msk [tilespmem:v2+s9+$0x0], $0xffff  }
.Ltmp1:
0x30: {  	(pc) =	sbr.rel @p1 .LBB2_4-.Ltmp1, $3  }
0x31: {  	_ =	sdelay $0x1  }
0x32: {  	s21 =	sadd.s32 $0x20, s21  }
0x33: {  	s24 =	sand.u32 $0x3F00, s21;
	s23 =	sand.u32 $0x70, s22;
	s22 =	sadd.s32 $0x10, s22  }
0x34: {  	_ =	sdelay $0x3  }
0x35: {  	s21 =	sor.u32 s23, s24;
	[tilespmem:v1+s11+$0x0] =	vst.idx.add.f32.msk $0xffff, v2  }
0x36: {  	v1 =	vld [tilespmem:s21+$0x80];
	_ =	sdelay $0x4  }
0x37: {  	v2 =	vld [tilespmem:s21+$0x0];
	_ =	sdelay $0x2  }
0x38: {  	v1 =	vld.idx.msk [tilespmem:v1+s9+$0x0], $0xffff;
	_ =	sdelay $0x4  }
0x39: {  	[tilespmem:v2+s11+$0x0] =	vst.idx.add.f32.msk $0xffff, v1  }
0x3a: {  	v1 =	vld @!p0 [tilespmem:$0x2780];
	_ =	sdelay $0x4  }
0x3b: {  	v2 =	vld @!p0 [tilespmem:$0x2700];
	_ =	sdelay $0x1  }
0x3c: {  	s21 =	simm.s32 @!p0 $0x2800  }
0x3d: {  	v1 =	vld.idx.msk @!p0 [tilespmem:v1+s21+$0x0], $0xffff;
	_ =	sdelay $0x3  }
0x3e: {  	s22 =	simm.s32 @!p0 $0x5000  }
0x3f: {  	[tilespmem:v2+s22+$0x0] =	vst.idx.add.f32.msk @!p0 $0xffff, v1  }
0x40: {  	v1 =	vld @!p0 [tilespmem:$0x2790];
	_ =	sdelay $0x4  }
0x41: {  	v2 =	vld @!p0 [tilespmem:$0x2710];
	_ =	sdelay $0x2  }
0x42: {  	v1 =	vld.idx.msk @!p0 [tilespmem:v1+s21+$0x0], $0xffff;
	_ =	sdelay $0x4  }
0x43: {  	[tilespmem:v2+s22+$0x0] =	vst.idx.add.f32.msk @!p0 $0xffff, v1  }
0x44: {  	v1 =	vld @!p0 [tilespmem:$0x27A0];
	_ =	sdelay $0x4  }
0x45: {  	v2 =	vld @!p0 [tilespmem:$0x2720];
	_ =	sdelay $0x2  }
0x46: {  	v1 =	vld.idx.msk @!p0 [tilespmem:v1+s21+$0x0], $0xffff;
	_ =	sdelay $0x4  }
0x47: {  	[tilespmem:v2+s22+$0x0] =	vst.idx.add.f32.msk @!p0 $0xffff, v1  }
0x48: {  	v1 =	vld @!p0 [tilespmem:$0x27B0];
	_ =	sdelay $0x4  }
0x49: {  	v2 =	vld @!p0 [tilespmem:$0x2730];
	_ =	sdelay $0x2  }
0x4a: {  	v1 =	vld.idx.msk @!p0 [tilespmem:v1+s21+$0x0], $0xffff;
	_ =	sdelay $0x4  }
0x4b: {  	[tilespmem:v2+s22+$0x0] =	vst.idx.add.f32.msk @!p0 $0xffff, v1  }
0x4c: {  	v1 =	vld @!p0 [tilespmem:$0x27C0];
	_ =	sdelay $0x4  }
0x4d: {  	v2 =	vld @!p0 [tilespmem:$0x2740];
	_ =	sdelay $0x2  }
0x4e: {  	v1 =	vld.idx.msk @!p0 [tilespmem:v1+s21+$0x0], $0xffff;
	_ =	sdelay $0x4  }
0x4f: {  	[tilespmem:v2+s22+$0x0] =	vst.idx.add.f32.msk @!p0 $0xffff, v1  }
0x50: {  	v1 =	vld @!p0 [tilespmem:$0x27D0];
	_ =	sdelay $0x4  }
0x51: {  	v2 =	vld @!p0 [tilespmem:$0x2750];
	_ =	sdelay $0x2  }
0x52: {  	v1 =	vld.idx.msk @!p0 [tilespmem:v1+s21+$0x0], $0xffff;
	_ =	sdelay $0x4  }
0x53: {  	[tilespmem:v2+s22+$0x0] =	vst.idx.add.f32.msk @!p0 $0xffff, v1  }
0x54: {  	v1 =	vld @!p0 [tilespmem:$0x27E0];
	_ =	sdelay $0x4  }
0x55: {  	v2 =	vld @!p0 [tilespmem:$0x2760];
	_ =	sdelay $0x2  }
0x56: {  	v1 =	vld.idx.msk @!p0 [tilespmem:v1+s21+$0x0], $0xffff;
	_ =	sdelay $0x4  }
0x57: {  	[tilespmem:v2+s22+$0x0] =	vst.idx.add.f32.msk @!p0 $0xffff, v1  }
0x58: {  	v1 =	vld @!p0 [tilespmem:$0x27F0];
	_ =	sdelay $0x4  }
0x59: {  	v2 =	vld @!p0 [tilespmem:$0x2770];
	_ =	sdelay $0x2  }
0x5a: {  	v1 =	vld.idx.msk @!p0 [tilespmem:v1+s21+$0x0], $0xffff;
	_ =	sdelay $0x4  }
0x5b: {  	[tilespmem:v2+s22+$0x0] =	vst.idx.add.f32.msk @!p0 $0xffff, v1  }
0x5c: {  	[spmem:s5] =	stream.strided.scatter [tilespmem:s11], [sflag:$0x2], $0x2800, s13, s12, $0x38;
	[tilespmem:$0xCA80] =	vst v63  }
0x5d: {  	_ =	swait.ge [sflag:s14], $0x2800  }
0x5e: {  	[sflag:s14] =	ssyncset.done $0x0  }
0x5f: {  	[sflag:s14] =	ssyncadd.s32 $0xFFFFD800  }
0x60: {  	[bflag:$0x0] =	sbarrier.arrive $0xFFFF  }
0x61: {  	[tilespmem:s17], [sflag:$0x2] =	stream.strided.gather [spmem:s6], $0x2800, s16, s15, $0x38;
	[tilespmem:$0xCA80] =	vst v63  }
0x62: {  	s29 =	simm.s32 $0x0;
	_ =	swait.ge [sflag:s14], $0x2800  }
0x63: {  	s30 =	sand.u32 $0x70, s29;
	s21 =	sand.u32 $0x1C00, s29;
	[sflag:s14] =	ssyncset.done $0x0  }
0x64: {  	s21 =	sor.u32 s30, s21;
	[sflag:s14] =	ssyncadd.s32 $0xFFFFD800  }
0x65: {  	v1 =	vld [tilespmem:s21+$0x7800];
	_ =	sdelay $0x1  }
0x66: {  	v2 =	vld [tilespmem:s21+$0x7880];
	_ =	sdelay $0x1  }
0x67: {  	v3 =	vld [tilespmem:s21+$0x7900]  }
0x68: {  	v1 =	vadd.f32 $0.0e+00, v1  }
0x69: {  	v4 =	vld [tilespmem:s21+$0x7980]  }
0x6a: {  	v1 =	vadd.f32 v2, v1  }
0x6b: {  	v2 =	vld [tilespmem:s21+$0x7A00]  }
0x6c: {  	v1 =	vadd.f32 v3, v1  }
0x6d: {  	v3 =	vld [tilespmem:s21+$0x7A80]  }
0x6e: {  	v1 =	vadd.f32 v4, v1  }
0x6f: {  	v60 =	vld [tilespmem:s21+$0x7B00]  }
0x70: {  	v1 =	vadd.f32 v2, v1  }
0x71: {  	v2 =	vld [tilespmem:s21+$0x7B80]  }
0x72: {  	v1 =	vadd.f32 v3, v1  }
0x73: {  	v3 =	vld [tilespmem:s21+$0x8C00]  }
0x74: {  	v1 =	vadd.f32 v60, v1  }
0x75: {  	v61 =	vld [tilespmem:s21+$0x8C80]  }
0x76: {  	v1 =	vadd.f32 v2, v1  }
0x77: {  	v2 =	vld [tilespmem:s21+$0x8D00]  }
0x78: {  	v1 =	vadd.f32 v3, v1  }
0x79: {  	v3 =	vld [tilespmem:s21+$0x8D80]  }
0x7a: {  	v1 =	vadd.f32 v61, v1  }
0x7b: {  	v62 =	vld [tilespmem:s21+$0x8E00]  }
0x7c: {  	v1 =	vadd.f32 v2, v1  }
0x7d: {  	v2 =	vld [tilespmem:s21+$0x8E80]  }
0x7e: {  	v1 =	vadd.f32 v3, v1  }
0x7f: {  	v3 =	vld [tilespmem:s21+$0x8F00]  }
0x80: {  	v1 =	vadd.f32 v62, v1  }
0x81: {  	v63 =	vld [tilespmem:s21+$0x8F80]  }
0x82: {  	v1 =	vadd.f32 v2, v1;
	_ =	sdelay $0x1  }
0x83: {  	v1 =	vadd.f32 v3, v1;
	_ =	sdelay $0x1  }
0x84: {  	s31 =	simm.s32 $0x10;
	s23 =	simm.s32 $0x20;
	s22 =	simm.s32 $0x80;
	v1 =	vadd.f32 v63, v1  }
0x85: {  	s24 =	sand.u32 $0x70, s31;
	s25 =	sand.u32 $0x1C00, s22;
	s21 =	simm.s32 $0xA000  }
.LBB2_6:
0x86: {  	p1 =	sne.s32 s23, $0x270;
	s24 =	sor.u32 s24, s25;
	[tilespmem:s21+$0x0] =	vst v1  }
0x87: {  	v1 =	vld [tilespmem:s24+$0x7800];
	_ =	sdelay $0x1  }
0x88: {  	v2 =	vld [tilespmem:s24+$0x7880];
	_ =	sdelay $0x1  }
0x89: {  	v3 =	vld [tilespmem:s24+$0x7900]  }
0x8a: {  	v1 =	vadd.f32 $0.0e+00, v1  }
0x8b: {  	v4 =	vld [tilespmem:s24+$0x7980]  }
0x8c: {  	v1 =	vadd.f32 v2, v1  }
0x8d: {  	v2 =	vld [tilespmem:s24+$0x7A00]  }
0x8e: {  	v1 =	vadd.f32 v3, v1  }
0x8f: {  	v3 =	vld [tilespmem:s24+$0x7A80]  }
0x90: {  	v1 =	vadd.f32 v4, v1  }
0x91: {  	v4 =	vld [tilespmem:s24+$0x7B00]  }
0x92: {  	v1 =	vadd.f32 v2, v1  }
0x93: {  	v2 =	vld [tilespmem:s24+$0x7B80]  }
0x94: {  	v1 =	vadd.f32 v3, v1  }
0x95: {  	v3 =	vld [tilespmem:s24+$0x8C00]  }
0x96: {  	v1 =	vadd.f32 v4, v1  }
0x97: {  	v4 =	vld [tilespmem:s24+$0x8C80]  }
0x98: {  	v1 =	vadd.f32 v2, v1  }
0x99: {  	v2 =	vld [tilespmem:s24+$0x8D00]  }
0x9a: {  	v1 =	vadd.f32 v3, v1  }
0x9b: {  	v3 =	vld [tilespmem:s24+$0x8D80]  }
0x9c: {  	v1 =	vadd.f32 v4, v1  }
0x9d: {  	v4 =	vld [tilespmem:s24+$0x8E00]  }
0x9e: {  	v1 =	vadd.f32 v2, v1  }
0x9f: {  	v2 =	vld [tilespmem:s24+$0x8E80]  }
0xa0: {  	v1 =	vadd.f32 v3, v1  }
0xa1: {  	v3 =	vld [tilespmem:s24+$0x8F00]  }
0xa2: {  	v1 =	vadd.f32 v4, v1  }
0xa3: {  	v4 =	vld [tilespmem:s24+$0x8F80]  }
0xa4: {  	v1 =	vadd.f32 v2, v1  }
.Ltmp2:
0xa5: {  	(pc) =	sbr.rel @p1 .LBB2_6-.Ltmp2, $3  }
0xa6: {  	v1 =	vadd.f32 v3, v1;
	_ =	sdelay $0x1  }
0xa7: {  	s22 =	sadd.s32 $0x80, s22;
	s21 =	sadd.s32 $0x10, s21;
	v1 =	vadd.f32 v4, v1  }
0xa8: {  	s25 =	sand.u32 $0x1C00, s22;
	s24 =	sand.u32 $0x70, s23;
	s23 =	sadd.s32 $0x10, s23  }
0xa9: {  	s22 =	sor.u32 s24, s25;
	[tilespmem:s21+$0x0] =	vst v1  }
0xaa: {  	v1 =	vld [tilespmem:s22+$0x7800];
	_ =	sdelay $0x1  }
0xab: {  	v2 =	vld [tilespmem:s22+$0x7880];
	_ =	sdelay $0x1  }
0xac: {  	v3 =	vld [tilespmem:s22+$0x7900]  }
0xad: {  	v1 =	vadd.f32 $0.0e+00, v1  }
0xae: {  	v4 =	vld [tilespmem:s22+$0x7980]  }
0xaf: {  	v1 =	vadd.f32 v2, v1  }
0xb0: {  	v2 =	vld [tilespmem:s22+$0x7A00]  }
0xb1: {  	v1 =	vadd.f32 v3, v1  }
0xb2: {  	v3 =	vld [tilespmem:s22+$0x7A80]  }
0xb3: {  	v1 =	vadd.f32 v4, v1  }
0xb4: {  	v60 =	vld [tilespmem:s22+$0x7B00]  }
0xb5: {  	v1 =	vadd.f32 v2, v1  }
0xb6: {  	v2 =	vld [tilespmem:s22+$0x7B80]  }
0xb7: {  	v1 =	vadd.f32 v3, v1  }
0xb8: {  	v3 =	vld [tilespmem:s22+$0x8C00]  }
0xb9: {  	v1 =	vadd.f32 v60, v1  }
0xba: {  	v61 =	vld [tilespmem:s22+$0x8C80]  }
0xbb: {  	v1 =	vadd.f32 v2, v1  }
0xbc: {  	v2 =	vld [tilespmem:s22+$0x8D00]  }
0xbd: {  	v1 =	vadd.f32 v3, v1  }
0xbe: {  	v3 =	vld [tilespmem:s22+$0x8D80]  }
0xbf: {  	v1 =	vadd.f32 v61, v1  }
0xc0: {  	v62 =	vld [tilespmem:s22+$0x8E00]  }
0xc1: {  	v1 =	vadd.f32 v2, v1  }
0xc2: {  	v2 =	vld [tilespmem:s22+$0x8E80]  }
0xc3: {  	v1 =	vadd.f32 v3, v1  }
0xc4: {  	v3 =	vld [tilespmem:s22+$0x8F00]  }
0xc5: {  	v1 =	vadd.f32 v62, v1  }
0xc6: {  	v63 =	vld [tilespmem:s22+$0x8F80]  }
0xc7: {  	v1 =	vadd.f32 v2, v1;
	_ =	sdelay $0x1  }
0xc8: {  	v1 =	vadd.f32 v3, v1;
	_ =	sdelay $0x1  }
0xc9: {  	s20 =	sadd.s32 $0x1, s20;
	v1 =	vadd.f32 v63, v1  }
0xca: {  	s31 =	sadd.s32 $0x10, s21;
	p1 =	sne.s32 s20, s8  }
.Ltmp3:
0xcb: {  	[tilespmem:s31+$0x0] =	vst v1;
	(pc) =	sbr.rel @p1 .LBB2_1-.Ltmp3, $4  }
0xcc: {  	[hbm4b:s7+s12] =	stream.strided.scatter [tilespmem:s19], [sflag:$0x2], $0x280, s18, s12, $0x38;
	[tilespmem:$0xCA80] =	vst v63  }
0xcd: {  	_ =	swait.ge [sflag:s14], $0x280  }
0xce: {  	[sflag:s14] =	ssyncset.done $0x0  }
0xcf: {  	[sflag:s14] =	ssyncadd.s32 $0xFFFFFD80  }
0xd0: {  	_ =	sfence.sel $0x180000  }
0xd1: {  	[bflag:$0x0] =	sbarrier.arrive $0xFFFF  }
0xd2: {  	_ =	strace $0x9000004A  }
0xd3: {  	s0 =	sadd.s32 @!p0 $0x100000, s0;
	[bflag:$0x2] =	sbarrier.arrive $0xFFFF  }
0xd4: {  	[sflag:s0] =	ssyncadd.tile.s32 @!p0 $0x1;
	_ =	shalt  }
.Lfunc_end2:
_tile_overlayer_lowered:
.L_overlay_start_2:
0xd5: {  	(tag) =	ssettag $0x2  }
0xd6: {  	s0 =	rddreg [dreg:$0x0];
	s2 =	stileid.u32  }
0xd7: {  	s1 =	rddreg [dreg:$0x1];
	p0 =	sne.s32 s2, $0x0  }
0xd8: {  	s3 =	rddreg [dreg:$0x2];
	[bflag:$0x3] =	sbarrier.arrive $0xFFFF;
	s2 =	simm.s32 @!p0 $0x1C02  }
0xd9: {  	[timem:s3], [sflag:s2] =	dma.local @!p0 [hbm:s0], s1  }
0xda: {  	s0 =	simm.s32 @!p0 $0x2  }
0xdb: {  	_ =	swait.ge @!p0 [sflag:s0], s1  }
0xdc: {  	s1 =	ssub.s32 @!p0 $0x0, s1;
	[sflag:s0] =	ssyncset.done @!p0 $0x0  }
0xdd: {  	[sflag:s0] =	ssyncadd.s32 @!p0 s1  }
0xde: {  	[bflag:$0x3] =	sbarrier.arrive $0xFFFF  }
0xdf: {  	_ =	shalt  }

// kernel: kernel.7.cloned.1.call-start
scs
__scs_entry_jumppad:
0x0: {  	(pc) =	sbr.rel $0x88, $3  }
0x1: {  	(tag) =	ssettag $0x0;
	lr =	simm.s32 $0x1  }
0x2: {  	[smem:$0x3F9B] =	sst lr;
	_ =	strace $0xD0000000  }
0x3: {  	_ = 	snop  }
0x4: {  	_ = 	snop  }
0x5: {  	_ = 	snop  }
0x6: {  	_ = 	snop  }
0x7: {  	_ = 	snop  }
__scs_overlays_trampoline_lowered:
0x8: {  	[smem:$0x3FAA] =	sst s0  }
0x9: {  	[smem:$0x3FAB] =	sst s1  }
0xa: {  	[smem:$0x3FAC] =	sst s2  }
0xb: {  	[smem:$0x3FAD] =	sst s3  }
0xc: {  	[smem:$0x3FAE] =	sst s4  }
0xd: {  	[smem:$0x3FAF] =	sst s5  }
0xe: {  	[smem:$0x3FB0] =	sst s6  }
0xf: {  	[smem:$0x3FB1] =	sst s7  }
0x10: {  	[smem:$0x3FB2] =	sst s8  }
0x11: {  	[smem:$0x3FB3] =	sst s9;
	s0 =	simm.s32 @!p0 $0x0  }
0x12: {  	s1 =	sld [smem:$0x3F99];
	s0 =	simm.s32 @p0 $0x1  }
0x13: {  	[smem:$0x3FB4] =	sst s0;
	s0 =	simm.s32 @!p1 $0x0  }
0x14: {  	s2 =	sld [smem:$0x3F98];
	s0 =	simm.s32 @p1 $0x1  }
0x15: {  	[smem:$0x3FB5] =	sst s0;
	s0 =	simm.s32 @!p2 $0x0  }
0x16: {  	s3 =	sld [smem:$0x3FDB];
	s0 =	simm.s32 @p2 $0x1  }
0x17: {  	s4 =	simm.s32 $0x1BF5;
	[smem:$0x3FB7] =	sst s0  }
0x18: {  	s0 =	sld [smem:$0x3F9A];
	_ =	swait.ge [sflag:s4], $0x0  }
0x19: {  	s7 =	sld [smem:$0x3F9B]  }
0x1a: {  	s8 =	sadd.s32 $0xFFFFE003, lr  }
0x1b: {  	s9 =	sadd.s32 $0xFFFFFEF7, lr;
	s5 =	simm.s32 $0xFFFFFFFF;
	p2 =	slt.u32 s8, $0xFFFFF086  }
0x1c: {  	p1 =	slt.u32 s9, $0xF7A;
	s5 =	simm.s32 @!p2 $0x0  }
0x1d: {  	s5 =	simm.s32 @p1 $0x1;
	p0 =	seq.s32 s7, s2  }
0x1e: {  	s7 =	smul.u32 @!p0 $0xF7A, s2;
	p2 =	seq.s32 @!p0 s5, $0x0  }
0x1f: {  	s9 =	smul.u32 $0xF7A, s1;
	s8 =	simm.s32 @!p0 $0x1BF5;
	p2 =	por !p2, p0  }
0x20: {  	[sflag:s8] =	ssyncset.s32 @!p0 $0xFFFFF086;
	s6 =	sadd.s32 @!p0 s3, s7;
	s7 =	simm.s32 @!p0 $0x108  }
0x21: {  	s3 =	sadd.s32 s3, s9;
	s6 =	sadd.s32 @!p0 $0x88, s6;
	s7 =	simm.s32 @p2 $0x1082  }
0x22: {  	[simem:s7], [sflag:s8] =	dma.local @!p0 [hbm:s6], $0xF7A  }
0x23: {  	s9 =	sor.u32 $0xD0000000, s2;
	s6 =	simm.s32 $0x108;
	_ =	swait.ge @!p0 [sflag:s8], $0x0  }
0x24: {  	s3 =	sadd.s32 $0x88, s3;
	s6 =	simm.s32 @!p1 $0x1082;
	[sflag:s4] =	ssyncset.s32 $0xFFFFF086  }
0x25: {  	[simem:s6], [sflag:s4] =	dma.local [hbm:s3], $0xF7A  }
0x26: {  	[smem:$0x3F9B] =	sst s1;
	(tag) =	ssettag s2;
	_ =	strace s9  }
0x27: {  	s1 =	sld [smem:$0x3FAB]  }
0x28: {  	s2 =	sld [smem:$0x3FAC]  }
0x29: {  	s4 =	sld [smem:$0x3FAE]  }
0x2a: {  	p0 =	seq.s32 s5, $0x0;
	s5 =	sld [smem:$0x3FAF]  }
0x2b: {  	s6 =	sld [smem:$0x3FB0]  }
0x2c: {  	s7 =	sld [smem:$0x3FB1]  }
0x2d: {  	s3 =	simm.s32 $0x108;
	s8 =	sld [smem:$0x3FB2]  }
0x2e: {  	s3 =	simm.s32 @!p0 $0x1082;
	s9 =	sld [smem:$0x3FB3]  }
0x2f: {  	lr =	sadd.s32 s0, s3;
	s0 =	sld [smem:$0x3FAA]  }
0x30: {  	s3 =	sld [smem:$0x3FAD]  }
0x31: {  	[smem:$0x3FB6] =	sst s10  }
0x32: {  	s10 =	sld [smem:$0x3FB4];
	_ =	sdelay $0x3  }
0x33: {  	p0 =	seq.s32 s10, $0x1;
	s10 =	sld [smem:$0x3FB6];
	_ =	sdelay $0x3  }
0x34: {  	[smem:$0x3FB6] =	sst s10  }
0x35: {  	s10 =	sld [smem:$0x3FB5];
	_ =	sdelay $0x3  }
0x36: {  	p1 =	seq.s32 s10, $0x1;
	s10 =	sld [smem:$0x3FB6];
	_ =	sdelay $0x3  }
0x37: {  	[smem:$0x3FB6] =	sst s10  }
0x38: {  	s10 =	sld [smem:$0x3FB7]  }
0x39: {  	_ = 	snop;
	(pc) =	sbr.ind lr, $3  }
0x3a: {  	_ = 	snop  }
0x3b: {  	_ = 	snop  }
0x3c: {  	p2 =	seq.s32 s10, $0x1;
	s10 =	sld [smem:$0x3FB6]  }
0x3d: {  	_ =	shalt  }
0x3e: {  	_ =	shalt  }
0x3f: {  	_ =	shalt  }
0x40: {  	_ =	shalt  }
0x41: {  	_ =	shalt  }
0x42: {  	_ =	shalt  }
0x43: {  	_ =	shalt  }
0x44: {  	_ =	shalt  }
0x45: {  	_ =	shalt  }
0x46: {  	_ =	shalt  }
0x47: {  	_ =	shalt  }
0x48: {  	_ =	shalt  }
0x49: {  	_ =	shalt  }
0x4a: {  	_ =	shalt  }
0x4b: {  	_ =	shalt  }
0x4c: {  	_ =	shalt  }
0x4d: {  	_ =	shalt  }
0x4e: {  	_ =	shalt  }
0x4f: {  	_ =	shalt  }
0x50: {  	_ =	shalt  }
0x51: {  	_ =	shalt  }
0x52: {  	_ =	shalt  }
0x53: {  	_ =	shalt  }
0x54: {  	_ =	shalt  }
0x55: {  	_ =	shalt  }
0x56: {  	_ =	shalt  }
0x57: {  	_ =	shalt  }
0x58: {  	_ =	shalt  }
0x59: {  	_ =	shalt  }
0x5a: {  	_ =	shalt  }
0x5b: {  	_ =	shalt  }
0x5c: {  	_ =	shalt  }
0x5d: {  	_ =	shalt  }
0x5e: {  	_ =	shalt  }
0x5f: {  	_ =	shalt  }
0x60: {  	_ =	shalt  }
0x61: {  	_ =	shalt  }
0x62: {  	_ =	shalt  }
0x63: {  	_ =	shalt  }
0x64: {  	_ =	shalt  }
0x65: {  	_ =	shalt  }
0x66: {  	_ =	shalt  }
0x67: {  	_ =	shalt  }
0x68: {  	_ =	shalt  }
0x69: {  	_ =	shalt  }
0x6a: {  	_ =	shalt  }
0x6b: {  	_ =	shalt  }
0x6c: {  	_ =	shalt  }
0x6d: {  	_ =	shalt  }
0x6e: {  	_ =	shalt  }
0x6f: {  	_ =	shalt  }
0x70: {  	_ =	shalt  }
0x71: {  	_ =	shalt  }
0x72: {  	_ =	shalt  }
0x73: {  	_ =	shalt  }
0x74: {  	_ =	shalt  }
0x75: {  	_ =	shalt  }
0x76: {  	_ =	shalt  }
0x77: {  	_ =	shalt  }
0x78: {  	_ =	shalt  }
0x79: {  	_ =	shalt  }
0x7a: {  	_ =	shalt  }
0x7b: {  	_ =	shalt  }
0x7c: {  	_ =	shalt  }
0x7d: {  	_ =	shalt  }
0x7e: {  	_ =	shalt  }
0x7f: {  	_ =	shalt  }
0x80: {  	_ =	shalt  }
0x81: {  	_ =	shalt  }
0x82: {  	_ =	shalt  }
0x83: {  	_ =	shalt  }
0x84: {  	_ =	shalt  }
0x85: {  	_ =	shalt  }
0x86: {  	_ =	shalt  }
0x87: {  	_ =	shalt  }
.Lfunc_end0:
.L_simem_size_0:
called_computation_lowered:
.L_overlay_start_0:
0x88: {  	s2 =	sld [smem:$0x3FD9]  }
0x89: {  	s3 =	sld [smem:$0x3FFE];
	_ =	sdelay $0x1  }
0x8a: {  	s1 =	srdreg.scid  }
0x8b: {  	s0 =	sand.u32 $0x1, s1  }
0x8c: {  	s17 =	sshll.u32 s0, $0xA;
	s2 =	sadd.s32 s3, s2  }
0x8d: {  	s2 =	sadd.s32 s2, s17  }
0x8e: {  	[smem:$0x3FC2] =	sst s2  }
0x8f: {  	_ = 	snop  }
0x90: {  	s2 =	sld [smem:$0x3FC8];
	(tm) =	ssettm $0x1  }
0x91: {  	s18 =	sld [smem:$0x3FFB];
	_ =	sdelay $0x3  }
0x92: {  	_ =	strace s18  }
0x93: {  	s3 =	sld [smem:$0x3FFC];
	_ =	sdelay $0x3  }
0x94: {  	_ =	strace s3  }
0x95: {  	s3 =	sld [smem:$0x3FFD];
	_ =	sdelay $0x3  }
0x96: {  	_ =	strace s3  }
0x97: {  	_ =	strace $0x8FFFFFFF  }
0x98: {  	s19 =	sld [smem:$0x3FDB];
	_ =	sdelay $0x1  }
0x99: {  	s4 =	simm.s32 $_scs_section_size  }
0x9a: {  	s5 =	simm.s32 $_size__tile_overlayer_lowered;
	s6 =	simm.s32 $_tile_overlayer_lowered  }
0x9b: {  	s22 =	simm.s32 $0x1BFF;
	s21 =	sshll.u32 s6, $0x1;
	s3 =	sadd.s32 s4, s19  }
0x9c: {  	s7 =	simm.s32 $0x0;
	s20 =	sshll.u32 s5, $0x1;
	s5 =	sadd.s32 s21, s3  }
0x9d: {  	[timem:s7], [sflag:s22] =	dma.local [hbm:s5], s20  }
0x9e: {  	_ =	swait.ge [sflag:s22], s20  }
0x9f: {  	s4 =	ssub.s32 $0x0, s20;
	[sflag:s22] =	ssyncset.done $0x0  }
0xa0: {  	[sflag:s22] =	ssyncadd.s32 s4;
	_ =	sdelay $0x1  }
0xa1: {  	s23 =	simm.s32 $0x1B8B  }
0xa2: {  	_ =	swait.ge [sflag:s23], $0x1  }
0xa3: {  	[sflag:s23] =	ssyncset.done $0x0  }
0xa4: {  	s25 =	simm.s32 $0x1B8E;
	s24 =	sld [smem:$0x3FFE];
	[sflag:s23] =	ssyncadd.s32 $0xFFFFFFFF  }
0xa5: {  	s26 =	simm.s32 $execute0_lowered;
	[smem:$0x3FD2] =	sst s25  }
0xa6: {  	s5 =	sshll.u32 s26, $0x1;
	_ =	strace $0x80000046;
	[dreg:$0x1] =	wrdreg $0xFFFFFFFF  }
0xa7: {  	s28 =	simm.s32 $_size_execute0_lowered;
	s3 =	sadd.s32 s3, s5;
	[dreg:$0x0] =	wrdreg $0x0  }
0xa8: {  	s5 =	sshll.u32 s28, $0x1;
	[dreg:$0x2] =	wrdreg s3  }
0xa9: {  	[dreg:$0x3] =	wrdreg s5  }
0xaa: {  	[dreg:$0x4] =	wrdreg $0xC0  }
0xab: {  	_ =	task [dreg:s7], $0x5FFFF  }
0xac: {  	[dreg:$0x1] =	wrdreg $0xFFFFFFFF  }
0xad: {  	[dreg:$0x0] =	wrdreg $0x60  }
0xae: {  	[dreg:$0x2] =	wrdreg s2  }
0xaf: {  	[dreg:$0x3] =	wrdreg s24  }
0xb0: {  	[dreg:$0x4] =	wrdreg $0x7A800  }
0xb1: {  	[dreg:$0x5] =	wrdreg $0x9  }
0xb2: {  	_ =	task.clear_ibuf [dreg:s7], $0x6FFFF;
	_ =	strace $0x90000046  }
0xb3: {  	s29 =	simm.s32 $0x9;
	_ =	strace $0x80000048  }
0xb4: {  	_ =	swait.ge [sflag:s29], $0x1  }
0xb5: {  	[sflag:s29] =	ssyncadd.s32 $0xFFFFFFFF  }
0xb6: {  	_ =	strace $0x90000048  }
0xb7: {  	_ =	sfence  }
0xb8: {  	s30 =	sld [smem:$0x0];
	_ =	sdelay $0x2  }
0xb9: {  	s31 =	sshll.u32 s1, $0xD;
	s1 =	sshrl.u32 s1, $0x2  }
0xba: {  	s3 =	sand.u32 $0x4000, s31;
	s1 =	sadd.s32 s1, s30  }
0xbb: {  	s0 =	sor.u32 s3, s0;
	s1 =	sshll.u32 s1, $0x11  }
0xbc: {  	s0 =	sor.u32 s1, s0  }
0xbd: {  	s0 =	sadd.s32 $0x8F2B, s0  }
0xbe: {  	[sflag:s0] =	ssyncadd.remote.s32 $0x1  }
0xbf: {  	_ =	sfence.sel $0xFFFF  }
0xc0: {  	[dreg:$0x0] =	wrdreg $0xFFFFFFFF;
	(pc) =	sbr.abs _section_cstart, $3  }
0xc1: {  	[dreg:$0x1] =	wrdreg $0xFFFFFFFF  }
0xc2: {  	_ =	task.clear_ibuf [dreg:s7], $0x2FFFF;
	_ =	strace $0x9FFFFFFF  }
0xc3: {  	(tm) =	ssettm $0x7FFFFFFF  }
tec
execute0_lowered:
.L_overlay_start_1:
0x0: {  	(tag) =	ssettag $0x1  }
0x1: {  	s3 =	rddreg [dreg:$0x0]  }
0x2: {  	s2 =	rddreg [dreg:$0x1]  }
0x3: {  	s0 =	srdreg.scid;
	s8 =	stileid.u32  }
0x4: {  	s5 =	rddreg [dreg:$0x2];
	s1 =	simm.s32 $0x0;
	s12 =	simm.s32 $0x2  }
0x5: {  	s13 =	simm.s32 $0x1400;
	s14 =	simm.s32 $0x14000;
	s15 =	simm.s32 $0x5000  }
0x6: {  	s16 =	simm.s32 $0x100;
	s17 =	simm.s32 $0x7800;
	s18 =	simm.s32 $0x0  }
0x7: {  	s4 =	sand.u32 $0x1, s0;
	s6 =	smul.u32 $0x500, s8;
	s0 =	rddreg [dreg:$0x3]  }
0x8: {  	[smem:$0x7FF] =	sst s1;
	s25 =	sshll.u32 s8, $0x1;
	s10 =	sshrl.u32 s8, $0x3  }
0x9: {  	s28 =	sshll.u32 s8, $0x7;
	s11 =	smul.u32 $0x5000, s8;
	p0 =	sne.s32 s8, $0x0  }
0xa: {  	s8 =	simm.s32 $0x1;
	s7 =	sshll.u32 s4, $0x7;
	_ =	strace $0x80000047  }
0xb: {  	s9 =	ssub.s32 $0x2, s4;
	s10 =	smul.u32 $0x50000, s10;
	s29 =	sand.u32 $0x380, s28  }
0xc: {  	s6 =	sor.u32 s7, s6;
	s7 =	sor.u32 s4, s25;
	s26 =	sshrl.u32 s9, $0x1  }
0xd: {  	s4 =	sshll.u32 s4, $0x5;
	s31 =	sshrl.u32 s11, $0x2;
	s11 =	simm.s32 $0x400  }
0xe: {  	s6 =	sshrl.u32 s6, $0x3;
	s7 =	smul.u32 $0x4E0, s7;
	s10 =	sshrl.u32 s10, $0x2  }
0xf: {  	s9 =	ssub.s32 s9, s26;
	s6 =	sadd.s32 s6, s2;
	s30 =	sadd.s32 s10, s5  }
0x10: {  	s5 =	sadd.s32 s31, s5;
	s10 =	simm.s32 $0x80;
	s2 =	sadd.s32 s3, s7  }
0x11: {  	s3 =	sadd.s32 s4, s3;
	s4 =	sadd.s32 s29, s30;
	s6 =	sadd.s32 $0x2800, s6  }
0x12: {  	v0 =	vimm.f32 $0.0e+00;
	v1 =	vimm.f32 $1.000000000e+00;
	s7 =	smax.u32 s9, $0x1;
	s9 =	simm.s32 $0x2800;
	s3 =	sadd.s32 $0x9C00, s3  }
.LBB2_1:
0x13: {  	[tilespmem:s1], [sflag:$0x1] =	stream.linear.gather [hbm4b:s2+s1], $0x2700, $0x38;
	[tilespmem:$0xA280] =	vst v63  }
0x14: {  	s19 =	simm.s32 @!p0 $0x0;
	s20 =	simm.s32 @!p0 $0x2700  }
0x15: {  	[tilespmem:s20], [sflag:$0x2] =	stream.linear.gather @!p0 [hbm4b:s3+s19], $0x100, $0x38;
	[tilespmem:$0xA280] =	vst v63  }
0x16: {  	s19 =	simm.s32 @!p0 $0x2  }
0x17: {  	_ =	swait.ge @!p0 [sflag:s19], $0x100  }
0x18: {  	[sflag:s19] =	ssyncset.done @!p0 $0x0  }
0x19: {  	s20 =	simm.s32 $0x0;
	[sflag:s19] =	ssyncadd.s32 @!p0 $0xFFFFFF00;
	s19 =	simm.s32 $0x40  }
.LBB2_2:
0x1a: {  	p1 =	sne.s32 s19, $0x9FC0;
	[tilespmem:s20+$0x2800] =	vst v0;
	s20 =	smov.u32 s19;
	s19 =	sadd.s32 $0x40, s19  }
.Ltmp0:
0x1b: {  	(pc) =	sbr.rel @p1 .LBB2_2-.Ltmp0, $2  }
0x1c: {  	_ =	sdelay $0x2  }
0x1d: {  	s20 =	sshra.s32 s20, $0x2  }
0x1e: {  	[tilespmem:s20+$0x2800] =	vst v0  }
0x1f: {  	s19 =	simm.s32 $0x0;
	_ =	swait.ge [sflag:s8], $0x2700  }
0x20: {  	s31 =	sand.u32 $0x70, s19;
	s19 =	sand.u32 $0x3F00, s19;
	[sflag:s8] =	ssyncset.done $0x0  }
0x21: {  	s20 =	sor.u32 s31, s19;
	[sflag:s8] =	ssyncadd.s32 $0xFFFFD900  }
0x22: {  	v2 =	vld [tilespmem:s20+$0x80];
	_ =	sdelay $0x5  }
0x23: {  	s21 =	simm.s32 $0x10;
	s19 =	simm.s32 $0x20  }
0x24: {  	s21 =	sand.u32 $0x70, s21;
	s22 =	sand.u32 $0x3F00, s19;
	s20 =	simm.s32 $0x20  }
.LBB2_4:
0x25: {  	p1 =	sne.s32 s20, $0x1370;
	s21 =	sor.u32 s21, s22;
	[tilespmem:v2+s9+$0x0] =	vst.idx.add.f32.msk $0xffff, v1  }
0x26: {  	v2 =	vld [tilespmem:s21+$0x80];
	_ =	sdelay $0x2  }
.Ltmp1:
0x27: {  	(pc) =	sbr.rel @p1 .LBB2_4-.Ltmp1, $3  }
0x28: {  	_ =	sdelay $0x1  }
0x29: {  	s19 =	sadd.s32 $0x20, s19  }
0x2a: {  	s21 =	sand.u32 $0x70, s20;
	s22 =	sand.u32 $0x3F00, s19;
	s20 =	sadd.s32 $0x10, s20  }
0x2b: {  	_ =	sdelay $0x3  }
0x2c: {  	s19 =	sor.u32 s21, s22;
	[tilespmem:v2+s9+$0x0] =	vst.idx.add.f32.msk $0xffff, v1  }
0x2d: {  	v2 =	vld [tilespmem:s19+$0x80];
	_ =	sdelay $0x7  }
0x2e: {  	[tilespmem:v2+s9+$0x0] =	vst.idx.add.f32.msk $0xffff, v1  }
0x2f: {  	v2 =	vld @!p0 [tilespmem:$0x2780];
	_ =	sdelay $0x6  }
0x30: {  	v3 =	vimm.f32 @!p0 $1.000000000e+00;
	s19 =	simm.s32 @!p0 $0x2800  }
0x31: {  	[tilespmem:v2+s19+$0x0] =	vst.idx.add.f32.msk @!p0 $0xffff, v3  }
0x32: {  	v2 =	vld @!p0 [tilespmem:$0x2790];
	_ =	sdelay $0x7  }
0x33: {  	[tilespmem:v2+s19+$0x0] =	vst.idx.add.f32.msk @!p0 $0xffff, v3  }
0x34: {  	v2 =	vld @!p0 [tilespmem:$0x27A0];
	_ =	sdelay $0x7  }
0x35: {  	[tilespmem:v2+s19+$0x0] =	vst.idx.add.f32.msk @!p0 $0xffff, v3  }
0x36: {  	v2 =	vld @!p0 [tilespmem:$0x27B0];
	_ =	sdelay $0x7  }
0x37: {  	[tilespmem:v2+s19+$0x0] =	vst.idx.add.f32.msk @!p0 $0xffff, v3  }
0x38: {  	v2 =	vld @!p0 [tilespmem:$0x27C0];
	_ =	sdelay $0x7  }
0x39: {  	[tilespmem:v2+s19+$0x0] =	vst.idx.add.f32.msk @!p0 $0xffff, v3  }
0x3a: {  	v2 =	vld @!p0 [tilespmem:$0x27D0];
	_ =	sdelay $0x7  }
0x3b: {  	[tilespmem:v2+s19+$0x0] =	vst.idx.add.f32.msk @!p0 $0xffff, v3  }
0x3c: {  	v2 =	vld @!p0 [tilespmem:$0x27E0];
	_ =	sdelay $0x7  }
0x3d: {  	[tilespmem:v2+s19+$0x0] =	vst.idx.add.f32.msk @!p0 $0xffff, v3  }
0x3e: {  	v2 =	vld @!p0 [tilespmem:$0x27F0];
	_ =	sdelay $0x7  }
0x3f: {  	[tilespmem:v2+s19+$0x0] =	vst.idx.add.f32.msk @!p0 $0xffff, v3  }
0x40: {  	[spmem:s4] =	stream.strided.scatter [tilespmem:s9], [sflag:$0x2], $0x2800, s11, s10, $0x38;
	[tilespmem:$0xA280] =	vst v63  }
0x41: {  	_ =	swait.ge [sflag:s12], $0x2800  }
0x42: {  	[sflag:s12] =	ssyncset.done $0x0  }
0x43: {  	[sflag:s12] =	ssyncadd.s32 $0xFFFFD800  }
0x44: {  	[bflag:$0x0] =	sbarrier.arrive $0xFFFF  }
0x45: {  	[tilespmem:s15], [sflag:$0x2] =	stream.strided.gather [spmem:s5], $0x2800, s14, s13, $0x38;
	[tilespmem:$0xA280] =	vst v63  }
0x46: {  	s30 =	simm.s32 $0x0;
	_ =	swait.ge [sflag:s12], $0x2800  }
0x47: {  	s20 =	sand.u32 $0x70, s30;
	s19 =	sand.u32 $0x1C00, s30;
	[sflag:s12] =	ssyncset.done $0x0  }
0x48: {  	s19 =	sor.u32 s20, s19;
	[sflag:s12] =	ssyncadd.s32 $0xFFFFD800  }
0x49: {  	v2 =	vld [tilespmem:s19+$0x5000];
	_ =	sdelay $0x1  }
0x4a: {  	v3 =	vld [tilespmem:s19+$0x5080];
	_ =	sdelay $0x1  }
0x4b: {  	v4 =	vld [tilespmem:s19+$0x5100]  }
0x4c: {  	v2 =	vadd.f32 $0.0e+00, v2  }
0x4d: {  	v5 =	vld [tilespmem:s19+$0x5180]  }
0x4e: {  	v2 =	vadd.f32 v3, v2  }
0x4f: {  	v3 =	vld [tilespmem:s19+$0x5200]  }
0x50: {  	v2 =	vadd.f32 v4, v2  }
0x51: {  	v56 =	vld [tilespmem:s19+$0x5280]  }
0x52: {  	v2 =	vadd.f32 v5, v2  }
0x53: {  	v57 =	vld [tilespmem:s19+$0x5300]  }
0x54: {  	v2 =	vadd.f32 v3, v2  }
0x55: {  	v3 =	vld [tilespmem:s19+$0x5380]  }
0x56: {  	v2 =	vadd.f32 v56, v2  }
0x57: {  	v58 =	vld [tilespmem:s19+$0x6400]  }
0x58: {  	v2 =	vadd.f32 v57, v2  }
0x59: {  	v59 =	vld [tilespmem:s19+$0x6480]  }
0x5a: {  	v2 =	vadd.f32 v3, v2  }
0x5b: {  	v3 =	vld [tilespmem:s19+$0x6500]  }
0x5c: {  	v2 =	vadd.f32 v58, v2  }
0x5d: {  	v60 =	vld [tilespmem:s19+$0x6580]  }
0x5e: {  	v2 =	vadd.f32 v59, v2  }
0x5f: {  	v61 =	vld [tilespmem:s19+$0x6600]  }
0x60: {  	v2 =	vadd.f32 v3, v2  }
0x61: {  	v3 =	vld [tilespmem:s19+$0x6680]  }
0x62: {  	v2 =	vadd.f32 v60, v2  }
0x63: {  	v62 =	vld [tilespmem:s19+$0x6700]  }
0x64: {  	v2 =	vadd.f32 v61, v2  }
0x65: {  	v63 =	vld [tilespmem:s19+$0x6780]  }
0x66: {  	v2 =	vadd.f32 v3, v2;
	_ =	sdelay $0x1  }
0x67: {  	v2 =	vadd.f32 v62, v2;
	_ =	sdelay $0x1  }
0x68: {  	s31 =	simm.s32 $0x10;
	s21 =	simm.s32 $0x20;
	s20 =	simm.s32 $0x80;
	v2 =	vadd.f32 v63, v2  }
0x69: {  	s22 =	sand.u32 $0x70, s31;
	s23 =	sand.u32 $0x1C00, s20;
	s19 =	simm.s32 $0x7800  }
.LBB2_6:
0x6a: {  	p1 =	sne.s32 s21, $0x270;
	s22 =	sor.u32 s22, s23;
	[tilespmem:s19+$0x0] =	vst v2  }
0x6b: {  	v2 =	vld [tilespmem:s22+$0x5000];
	_ =	sdelay $0x1  }
0x6c: {  	v3 =	vld [tilespmem:s22+$0x5080];
	_ =	sdelay $0x1  }
0x6d: {  	v4 =	vld [tilespmem:s22+$0x5100]  }
0x6e: {  	v2 =	vadd.f32 $0.0e+00, v2  }
0x6f: {  	v5 =	vld [tilespmem:s22+$0x5180]  }
0x70: {  	v2 =	vadd.f32 v3, v2  }
0x71: {  	v3 =	vld [tilespmem:s22+$0x5200]  }
0x72: {  	v2 =	vadd.f32 v4, v2  }
0x73: {  	v4 =	vld [tilespmem:s22+$0x5280]  }
0x74: {  	v2 =	vadd.f32 v5, v2  }
0x75: {  	v5 =	vld [tilespmem:s22+$0x5300]  }
0x76: {  	v2 =	vadd.f32 v3, v2  }
0x77: {  	v3 =	vld [tilespmem:s22+$0x5380]  }
0x78: {  	v2 =	vadd.f32 v4, v2  }
0x79: {  	v4 =	vld [tilespmem:s22+$0x6400]  }
0x7a: {  	v2 =	vadd.f32 v5, v2  }
0x7b: {  	v5 =	vld [tilespmem:s22+$0x6480]  }
0x7c: {  	v2 =	vadd.f32 v3, v2  }
0x7d: {  	v3 =	vld [tilespmem:s22+$0x6500]  }
0x7e: {  	v2 =	vadd.f32 v4, v2  }
0x7f: {  	v4 =	vld [tilespmem:s22+$0x6580]  }
0x80: {  	v2 =	vadd.f32 v5, v2  }
0x81: {  	v5 =	vld [tilespmem:s22+$0x6600]  }
0x82: {  	v2 =	vadd.f32 v3, v2  }
0x83: {  	v3 =	vld [tilespmem:s22+$0x6680]  }
0x84: {  	v2 =	vadd.f32 v4, v2  }
0x85: {  	v4 =	vld [tilespmem:s22+$0x6700]  }
0x86: {  	v2 =	vadd.f32 v5, v2  }
0x87: {  	v5 =	vld [tilespmem:s22+$0x6780]  }
0x88: {  	v2 =	vadd.f32 v3, v2  }
.Ltmp2:
0x89: {  	(pc) =	sbr.rel @p1 .LBB2_6-.Ltmp2, $3  }
0x8a: {  	v2 =	vadd.f32 v4, v2;
	_ =	sdelay $0x1  }
0x8b: {  	s20 =	sadd.s32 $0x80, s20;
	s19 =	sadd.s32 $0x10, s19;
	v2 =	vadd.f32 v5, v2  }
0x8c: {  	s23 =	sand.u32 $0x1C00, s20;
	s22 =	sand.u32 $0x70, s21;
	s21 =	sadd.s32 $0x10, s21  }
0x8d: {  	s20 =	sor.u32 s22, s23;
	[tilespmem:s19+$0x0] =	vst v2  }
0x8e: {  	v2 =	vld [tilespmem:s20+$0x5000];
	_ =	sdelay $0x1  }
0x8f: {  	v3 =	vld [tilespmem:s20+$0x5080];
	_ =	sdelay $0x1  }
0x90: {  	v4 =	vld [tilespmem:s20+$0x5100]  }
0x91: {  	v2 =	vadd.f32 $0.0e+00, v2  }
0x92: {  	v5 =	vld [tilespmem:s20+$0x5180]  }
0x93: {  	v2 =	vadd.f32 v3, v2  }
0x94: {  	v3 =	vld [tilespmem:s20+$0x5200]  }
0x95: {  	v2 =	vadd.f32 v4, v2  }
0x96: {  	v56 =	vld [tilespmem:s20+$0x5280]  }
0x97: {  	v2 =	vadd.f32 v5, v2  }
0x98: {  	v57 =	vld [tilespmem:s20+$0x5300]  }
0x99: {  	v2 =	vadd.f32 v3, v2  }
0x9a: {  	v3 =	vld [tilespmem:s20+$0x5380]  }
0x9b: {  	v2 =	vadd.f32 v56, v2  }
0x9c: {  	v58 =	vld [tilespmem:s20+$0x6400]  }
0x9d: {  	v2 =	vadd.f32 v57, v2  }
0x9e: {  	v59 =	vld [tilespmem:s20+$0x6480]  }
0x9f: {  	v2 =	vadd.f32 v3, v2  }
0xa0: {  	v3 =	vld [tilespmem:s20+$0x6500]  }
0xa1: {  	v2 =	vadd.f32 v58, v2  }
0xa2: {  	v60 =	vld [tilespmem:s20+$0x6580]  }
0xa3: {  	v2 =	vadd.f32 v59, v2  }
0xa4: {  	v61 =	vld [tilespmem:s20+$0x6600]  }
0xa5: {  	v2 =	vadd.f32 v3, v2  }
0xa6: {  	v3 =	vld [tilespmem:s20+$0x6680]  }
0xa7: {  	v2 =	vadd.f32 v60, v2  }
0xa8: {  	v62 =	vld [tilespmem:s20+$0x6700]  }
0xa9: {  	v2 =	vadd.f32 v61, v2  }
0xaa: {  	v63 =	vld [tilespmem:s20+$0x6780]  }
0xab: {  	v2 =	vadd.f32 v3, v2;
	_ =	sdelay $0x1  }
0xac: {  	v2 =	vadd.f32 v62, v2;
	_ =	sdelay $0x1  }
0xad: {  	s18 =	sadd.s32 $0x1, s18;
	v2 =	vadd.f32 v63, v2  }
0xae: {  	s31 =	sadd.s32 $0x10, s19;
	p1 =	sne.s32 s18, s7  }
.Ltmp3:
0xaf: {  	[tilespmem:s31+$0x0] =	vst v2;
	(pc) =	sbr.rel @p1 .LBB2_1-.Ltmp3, $4  }
0xb0: {  	[hbm4b:s6+s10] =	stream.strided.scatter [tilespmem:s17], [sflag:$0x2], $0x280, s16, s10, $0x38;
	[tilespmem:$0xA280] =	vst v63  }
0xb1: {  	_ =	swait.ge [sflag:s12], $0x280  }
0xb2: {  	[sflag:s12] =	ssyncset.done $0x0  }
0xb3: {  	[sflag:s12] =	ssyncadd.s32 $0xFFFFFD80  }
0xb4: {  	_ =	sfence.sel $0x180000  }
0xb5: {  	[bflag:$0x0] =	sbarrier.arrive $0xFFFF  }
0xb6: {  	_ =	strace $0x90000047  }
0xb7: {  	s0 =	sadd.s32 @!p0 $0x100000, s0;
	[bflag:$0x2] =	sbarrier.arrive $0xFFFF  }
0xb8: {  	[sflag:s0] =	ssyncadd.tile.s32 @!p0 $0x1;
	_ =	shalt  }
.Lfunc_end2:
_tile_overlayer_lowered:
.L_overlay_start_2:
0xb9: {  	(tag) =	ssettag $0x2  }
0xba: {  	s0 =	rddreg [dreg:$0x0];
	s2 =	stileid.u32  }
0xbb: {  	s1 =	rddreg [dreg:$0x1];
	p0 =	sne.s32 s2, $0x0  }
0xbc: {  	s3 =	rddreg [dreg:$0x2];
	[bflag:$0x3] =	sbarrier.arrive $0xFFFF;
	s2 =	simm.s32 @!p0 $0x1C02  }
0xbd: {  	[timem:s3], [sflag:s2] =	dma.local @!p0 [hbm:s0], s1  }
0xbe: {  	s0 =	simm.s32 @!p0 $0x2  }
0xbf: {  	_ =	swait.ge @!p0 [sflag:s0], s1  }
0xc0: {  	s1 =	ssub.s32 @!p0 $0x0, s1;
	[sflag:s0] =	ssyncset.done @!p0 $0x0  }
0xc1: {  	[sflag:s0] =	ssyncadd.s32 @!p0 s1  }
0xc2: {  	[bflag:$0x3] =	sbarrier.arrive $0xFFFF  }
0xc3: {  	_ =	shalt  }

</sc_bundles>
